<compile_context>
chip_gen: v7x
topology: tpu7x:2x2x1
jax: 0.10.2.dev20260603
libtpu: 0.0.44.dev20260713+nightly
codegen_flags: <defaults>
</compile_context>

<pallas_src>
import functools

import jax
import jax.numpy as jnp
from jax import lax
from jax.experimental import pallas as pl
from jax.experimental.pallas import tpu as pltpu
from jax.experimental.pallas import tpu_sc as plsc

NC = 2
NS = 16
NW = NC * NS
CH = 80



def _layernorm(h, lw, lb):
    mu = jnp.mean(h, axis=-1, keepdims=True)
    d = h - mu
    var = jnp.mean(d * d, axis=-1, keepdims=True)
    return (d * lax.rsqrt(var + 1e-5)) * lw + lb


def _pack_bf16_halves(yf):
    b16 = lax.bitcast_convert_type(yf.astype(jnp.bfloat16), jnp.uint16)
    lo = b16[:, :64].astype(jnp.uint32)
    hi = b16[:, 64:].astype(jnp.uint32)
    return lax.bitcast_convert_type(lo | (hi << 16), jnp.int32)


def _unpack_pair_rows(w):
    wu = lax.bitcast_convert_type(w, jnp.uint32)
    lo = lax.bitcast_convert_type(wu << 16, jnp.float32)
    hi = lax.bitcast_convert_type(wu & jnp.uint32(0xFFFF0000), jnp.float32)
    even = jnp.concatenate([lo[:, :64], hi[:, :64]], axis=-1)
    odd = jnp.concatenate([lo[:, 64:], hi[:, 64:]], axis=-1)
    return jnp.concatenate([even, odd], axis=0)


def _ymm_body(x_ref, wd_ref, ws_ref, y1_ref, y2_ref):
    xb = x_ref[...]
    y1_ref[...] = _pack_bf16_halves(
        jnp.dot(xb, wd_ref[...], preferred_element_type=jnp.float32))
    y2_ref[...] = _pack_bf16_halves(
        jnp.dot(xb, ws_ref[...], preferred_element_type=jnp.float32))


def _edge_body(p1_ref, p2_ref, ea_ref, we_ref, b1_ref, w2_ref, b2_ref, lw_ref,
               lb_ref, o_ref):
    pre = _unpack_pair_rows(p1_ref[...]) + _unpack_pair_rows(p2_ref[...])
    h = jnp.dot(ea_ref[...], we_ref[...], preferred_element_type=jnp.float32)
    h = jax.nn.gelu(h + pre + b1_ref[...])
    h = jnp.dot(h, w2_ref[...], preferred_element_type=jnp.float32) + b2_ref[...]
    o_ref[...] = _layernorm(h, lw_ref[...], lb_ref[...])


def _edge1_body(p1_ref, p2_ref, ea16_ref, ew1_ref, eb1_ref, ew2_ref, eb2_ref,
                elw_ref, elb_ref, we_ref, b1_ref, w2_ref, b2_ref, lw_ref,
                lb_ref, o_ref):
    ea = jnp.dot(ea16_ref[...], ew1_ref[...], preferred_element_type=jnp.float32)
    ea = jax.nn.gelu(ea + eb1_ref[...])
    ea = jnp.dot(ea, ew2_ref[...], preferred_element_type=jnp.float32) + eb2_ref[...]
    ea = _layernorm(ea, elw_ref[...], elb_ref[...])
    pre = _unpack_pair_rows(p1_ref[...]) + _unpack_pair_rows(p2_ref[...])
    h = jnp.dot(ea, we_ref[...], preferred_element_type=jnp.float32)
    h = jax.nn.gelu(h + pre + b1_ref[...])
    h = jnp.dot(h, w2_ref[...], preferred_element_type=jnp.float32) + b2_ref[...]
    o_ref[...] = _layernorm(h, lw_ref[...], lb_ref[...])


def _node_body(x_ref, a0_ref, a1_ref, v1x_ref, v1a_ref, b1_ref, w2_ref, b2_ref,
               lw_ref, lb_ref, o_ref):
    xb = x_ref[...]
    agg = a0_ref[...] + a1_ref[...]
    h = (
        jnp.dot(xb, v1x_ref[...], preferred_element_type=jnp.float32)
        + jnp.dot(agg, v1a_ref[...], preferred_element_type=jnp.float32)
        + b1_ref[...]
    )
    h = jax.nn.gelu(h)
    h = jnp.dot(h, w2_ref[...], preferred_element_type=jnp.float32) + b2_ref[...]
    o_ref[...] = _layernorm(h, lw_ref[...], lb_ref[...]) + xb


def _node_y_body(x_ref, a0_ref, a1_ref, v1x_ref, v1a_ref, b1_ref, w2_ref,
                 b2_ref, lw_ref, lb_ref, wd_ref, ws_ref, o_ref, y1_ref, y2_ref):
    xb = x_ref[...]
    agg = a0_ref[...] + a1_ref[...]
    h = (
        jnp.dot(xb, v1x_ref[...], preferred_element_type=jnp.float32)
        + jnp.dot(agg, v1a_ref[...], preferred_element_type=jnp.float32)
        + b1_ref[...]
    )
    h = jax.nn.gelu(h)
    h = jnp.dot(h, w2_ref[...], preferred_element_type=jnp.float32) + b2_ref[...]
    xn = _layernorm(h, lw_ref[...], lb_ref[...]) + xb
    o_ref[...] = xn
    y1_ref[...] = _pack_bf16_halves(
        jnp.dot(xn, wd_ref[...], preferred_element_type=jnp.float32))
    y2_ref[...] = _pack_bf16_halves(
        jnp.dot(xn, ws_ref[...], preferred_element_type=jnp.float32))


def _row_spec(b, d):
    return pl.BlockSpec((b, d), lambda i: (i, 0))


def _full_spec(r, c):
    return pl.BlockSpec((r, c), lambda i: (0, 0))


def _tc_mlp(body, n_rows, block, row_ins, full_ins, n_out,
            out_dtype=jnp.float32, out_width=128):
    grid = n_rows // block
    in_specs = [_row_spec(block * a.shape[0] // n_rows, a.shape[-1])
                for a in row_ins]
    in_specs += [_full_spec(*a.shape) for a in full_ins]
    out_shape = [jax.ShapeDtypeStruct((n_rows, out_width), out_dtype)] * n_out
    out_specs = [_row_spec(block, out_width)] * n_out
    if n_out == 1:
        out_shape, out_specs = out_shape[0], out_specs[0]
    return pl.pallas_call(
        body,
        grid=(grid,),
        in_specs=in_specs,
        out_specs=out_specs,
        out_shape=out_shape,
    )(*row_ins, *full_ins)



def _sc_mesh():
    return plsc.VectorSubcoreMesh(core_axis_name="c", subcore_axis_name="s")


def _make_gather_add(n_edges):
    epw = n_edges // NW
    nchunk = epw // CH

    @functools.partial(
        pl.kernel,
        mesh=_sc_mesh(),
        out_type=[
            jax.ShapeDtypeStruct((n_edges, 64), jnp.int32),
            jax.ShapeDtypeStruct((n_edges, 64), jnp.int32),
        ],
        scratch_types=[
            pltpu.VMEM((nchunk, CH), jnp.int32),
            pltpu.VMEM((nchunk, CH), jnp.int32),
            pltpu.VMEM((2, CH, 64), jnp.int32),
            pltpu.VMEM((2, CH, 64), jnp.int32),
            pltpu.SemaphoreType.DMA((2,)),
            pltpu.SemaphoreType.DMA((2,)),
            pltpu.SemaphoreType.DMA((2,)),
            pltpu.SemaphoreType.DMA((2,)),
        ],
        name="sc_gather_pair",
        compiler_params=pltpu.CompilerParams(use_tc_tiling_on_sc=False),
    )
    def gather_pair(y1_hbm, y2_hbm, dst3_hbm, src3_hbm, o1_hbm, o2_hbm,
                    di_v, si_v, r1_v, r2_v, g1s, g2s, w1s, w2s):
        wid = lax.axis_index("s") * NC + lax.axis_index("c")
        base0 = wid * epw
        pltpu.sync_copy(dst3_hbm.at[wid], di_v)
        pltpu.sync_copy(src3_hbm.at[wid], si_v)
        pltpu.async_copy(y1_hbm.at[di_v.at[0]], r1_v.at[0], g1s.at[0])
        pltpu.async_copy(y2_hbm.at[si_v.at[0]], r2_v.at[0], g2s.at[0])

        def body(i, carry):
            b = lax.rem(i, 2)
            nb = 1 - b

            @pl.when(i + 1 < nchunk)
            def _issue_next():
                @pl.when(i >= 1)
                def _wb_done():
                    pltpu.make_async_copy(
                        r1_v.at[nb],
                        o1_hbm.at[pl.ds(base0 + (i - 1) * CH, CH)],
                        w1s.at[nb],
                    ).wait()
                    pltpu.make_async_copy(
                        r2_v.at[nb],
                        o2_hbm.at[pl.ds(base0 + (i - 1) * CH, CH)],
                        w2s.at[nb],
                    ).wait()
                pltpu.async_copy(y1_hbm.at[di_v.at[i + 1]], r1_v.at[nb], g1s.at[nb])
                pltpu.async_copy(y2_hbm.at[si_v.at[i + 1]], r2_v.at[nb], g2s.at[nb])

            pltpu.make_async_copy(
                y1_hbm.at[di_v.at[i]], r1_v.at[b], g1s.at[b]).wait()
            pltpu.async_copy(
                r1_v.at[b], o1_hbm.at[pl.ds(base0 + i * CH, CH)], w1s.at[b])
            pltpu.make_async_copy(
                y2_hbm.at[si_v.at[i]], r2_v.at[b], g2s.at[b]).wait()
            pltpu.async_copy(
                r2_v.at[b], o2_hbm.at[pl.ds(base0 + i * CH, CH)], w2s.at[b])
            return carry

        lax.fori_loop(0, nchunk, body, 0)
        for k in (nchunk - 2, nchunk - 1):
            pltpu.make_async_copy(
                r1_v.at[k % 2],
                o1_hbm.at[pl.ds(base0 + k * CH, CH)],
                w1s.at[k % 2],
            ).wait()
            pltpu.make_async_copy(
                r2_v.at[k % 2],
                o2_hbm.at[pl.ds(base0 + k * CH, CH)],
                w2s.at[k % 2],
            ).wait()

    return gather_pair


def _make_scatter_add(n_edges, n_nodes):
    epw = n_edges // NW
    nchunk = epw // CH
    rpw = (n_nodes // NS) // 8 * 8
    rem_base = rpw * NS
    rem = n_nodes - rem_base

    @functools.partial(
        pl.kernel,
        mesh=_sc_mesh(),
        out_type=jax.ShapeDtypeStruct((NC, n_nodes, 128), jnp.float32),
        scratch_types=[
            pltpu.VMEM((nchunk, CH), jnp.int32),
            pltpu.VMEM((2, CH, 128), jnp.float32),
            pltpu.VMEM_SHARED((n_nodes, 128), jnp.float32),
            pltpu.SemaphoreType.DMA((2,)),
            pltpu.SemaphoreType.DMA((2,)),
        ],
        name="sc_scatter_add",
    )
    def scatter_add(en_hbm, dst3_hbm, zeros_hbm, out_hbm, di_v, rows_v, agg_sh,
                    lsem, ssem):
        cid = lax.axis_index("c")
        sid = lax.axis_index("s")
        wid = sid * NC + cid
        base0 = wid * epw
        pltpu.async_copy(en_hbm.at[pl.ds(base0, CH)], rows_v.at[0], lsem.at[0])
        pltpu.sync_copy(dst3_hbm.at[wid], di_v)
        pltpu.sync_copy(
            zeros_hbm.at[pl.ds(sid * rpw, rpw)], agg_sh.at[pl.ds(sid * rpw, rpw)]
        )
        if rem:
            @pl.when(sid == 0)
            def _zero_rem():
                pltpu.sync_copy(
                    zeros_hbm.at[pl.ds(rem_base, rem)],
                    agg_sh.at[pl.ds(rem_base, rem)],
                )
        plsc.subcore_barrier()

        def body(i, carry):
            b = lax.rem(i, 2)
            nb = 1 - b

            @pl.when(i + 1 < nchunk)
            def _issue_next():
                @pl.when(i >= 1)
                def _scat_done():
                    pltpu.make_async_copy(
                        rows_v.at[nb], agg_sh.at[di_v.at[i - 1]], ssem.at[nb]
                    ).wait()
                pltpu.async_copy(
                    en_hbm.at[pl.ds(base0 + (i + 1) * CH, CH)],
                    rows_v.at[nb], lsem.at[nb])

            pltpu.make_async_copy(
                en_hbm.at[pl.ds(base0 + i * CH, CH)],
                rows_v.at[b], lsem.at[b]).wait()
            pltpu.async_copy(
                rows_v.at[b], agg_sh.at[di_v.at[i]], ssem.at[b], add=True)
            return carry

        lax.fori_loop(0, nchunk, body, 0)
        for k in (nchunk - 2, nchunk - 1):
            pltpu.make_async_copy(
                rows_v.at[k % 2], agg_sh.at[di_v.at[k]], ssem.at[k % 2]
            ).wait()
        plsc.subcore_barrier()
        pltpu.sync_copy(
            agg_sh.at[pl.ds(sid * rpw, rpw)],
            out_hbm.at[cid].at[pl.ds(sid * rpw, rpw)],
        )
        if rem:
            @pl.when(sid == 0)
            def _out_rem():
                pltpu.sync_copy(
                    agg_sh.at[pl.ds(rem_base, rem)],
                    out_hbm.at[cid].at[pl.ds(rem_base, rem)],
                )

    return scatter_add



def kernel(x, edge_index, edge_attr_base, trainable, params, batch_size):
    n, c = x.shape
    e = edge_index.shape[1]
    src = edge_index[0]
    dst = edge_index[1]

    pe = params["emb_edges"]
    ea16 = jnp.concatenate(
        [edge_attr_base, trainable, jnp.zeros((e, 4), jnp.float32)], axis=-1
    )
    w1p = jnp.concatenate([pe["w1"], jnp.zeros((4, c), jnp.float32)], axis=0)

    gather_add = _make_gather_add(e)
    scatter_add = _make_scatter_add(e, n)
    zeros_nc = jnp.zeros((n, c), jnp.float32)
    epw = e // NW
    nchunk = epw // CH
    dst3 = dst.reshape(NW, nchunk, CH)
    src3 = src.reshape(NW, nchunk, CH)

    eb = 2000

    def _kperm(a):
        return (a.reshape(-1, eb // 2, 2, *a.shape[1:])
                .swapaxes(1, 2)
                .reshape(a.shape))

    ea16 = _kperm(ea16)
    dstk3 = _kperm(dst).reshape(NW, nchunk, CH)

    blocks = params["blocks"]
    em0 = blocks[0]["edge_mlp"]
    y1, y2 = _tc_mlp(
        _ymm_body, n, 2000,
        [x],
        [em0["w1"][:c], em0["w1"][c:2 * c]],
        2, out_dtype=jnp.int32, out_width=64,
    )
    en = None
    for li, bp in enumerate(blocks):
        em, nm = bp["edge_mlp"], bp["node_mlp"]
        p1, p2 = gather_add(y1, y2, dst3, src3)
        p1 = p1.reshape(e // 2, 128)
        p2 = p2.reshape(e // 2, 128)
        edge_fulls = [em["w1"][2 * c:], em["b1"][None, :], em["w2"],
                      em["b2"][None, :], em["ln_w"][None, :],
                      em["ln_b"][None, :]]
        if li == 0:
            en = _tc_mlp(
                _edge1_body, e, 2000,
                [p1, p2, ea16],
                [w1p, pe["b1"][None, :], pe["w2"], pe["b2"][None, :],
                 pe["ln_w"][None, :], pe["ln_b"][None, :]] + edge_fulls,
                1,
            )
        else:
            en = _tc_mlp(_edge_body, e, 2000, [p1, p2, en], edge_fulls, 1)
        agg2 = scatter_add(en, dstk3, zeros_nc)
        node_fulls = [nm["w1"][:c], nm["w1"][c:], nm["b1"][None, :], nm["w2"],
                      nm["b2"][None, :], nm["ln_w"][None, :],
                      nm["ln_b"][None, :]]
        if li + 1 < len(blocks):
            emn = blocks[li + 1]["edge_mlp"]
            grid = n // 2000
            x, y1, y2 = pl.pallas_call(
                _node_y_body,
                grid=(grid,),
                in_specs=[_row_spec(2000, 128)] * 3
                + [_full_spec(*a.shape)
                   for a in node_fulls + [emn["w1"][:c], emn["w1"][c:2 * c]]],
                out_specs=[_row_spec(2000, 128), _row_spec(2000, 64),
                           _row_spec(2000, 64)],
                out_shape=[
                    jax.ShapeDtypeStruct((n, 128), jnp.float32),
                    jax.ShapeDtypeStruct((n, 64), jnp.int32),
                    jax.ShapeDtypeStruct((n, 64), jnp.int32),
                ],
            )(x, agg2[0], agg2[1], *node_fulls, emn["w1"][:c],
              emn["w1"][c:2 * c])
        else:
            x = _tc_mlp(_node_body, n, 2000, [x, agg2[0], agg2[1]],
                        node_fulls, 1)
    return x

# --- scband reference (transcript-rebuilt; emitter-appended) ---
"""Pipeline reference for scband-gnnprocessor-46385646797156 (READ-ONLY COPY).

The authoritative reference and input builder live on the scoring server;
editing this copy changes nothing except your own understanding.
"""

import jax, jax.numpy as jnp
import numpy as np

N_NODES = 10000
N_EDGES = 320000
C = 128
EDGE_BASE_DIM = 4
TRAINABLE = 8
NUM_LAYERS = 2


def _mlp_params(key, din, dh, dout):
    k1, k2 = jax.random.split(key)
    s1 = 1.0 / np.sqrt(din)
    s2 = 1.0 / np.sqrt(dh)
    return {
        "w1": jax.random.uniform(k1, (din, dh), jnp.float32, -s1, s1),
        "b1": jnp.zeros((dh,), jnp.float32),
        "w2": jax.random.uniform(k2, (dh, dout), jnp.float32, -s2, s2),
        "b2": jnp.zeros((dout,), jnp.float32),
        "ln_w": jnp.ones((dout,), jnp.float32),
        "ln_b": jnp.zeros((dout,), jnp.float32),
    }


def _mlp_apply(p, x):
    # anemoi MLP: Linear -> GELU -> Linear -> LayerNorm
    h = jax.nn.gelu(x @ p["w1"] + p["b1"])
    h = h @ p["w2"] + p["b2"]
    mu = jnp.mean(h, axis=-1, keepdims=True)
    var = jnp.var(h, axis=-1, keepdims=True)
    h = (h - mu) * jax.lax.rsqrt(var + 1e-5)
    return h * p["ln_w"] + p["ln_b"]


def setup_inputs(seed: int = 0) -> dict:
    key = jax.random.key(seed)
    ks = jax.random.split(key, 8 + 2 * NUM_LAYERS)
    x = jax.random.normal(ks[0], (N_NODES, C), dtype=jnp.float32)
    edge_index = jax.random.randint(ks[1], (2, N_EDGES), 0, N_NODES, dtype=jnp.int32)
    edge_attr_base = jax.random.normal(ks[2], (N_EDGES, EDGE_BASE_DIM), dtype=jnp.float32)
    trainable = jax.random.normal(ks[3], (N_EDGES, TRAINABLE), dtype=jnp.float32) * 0.02
    params = {
        "emb_edges": _mlp_params(ks[4], EDGE_BASE_DIM + TRAINABLE, C, C),
        "blocks": [
            {
                "edge_mlp": _mlp_params(ks[5 + 2 * i], 3 * C, C, C),
                "node_mlp": _mlp_params(ks[6 + 2 * i], 2 * C, C, C),
            }
            for i in range(NUM_LAYERS)
        ],
    }
    return {
        "x": x,
        "edge_index": edge_index,
        "edge_attr_base": edge_attr_base,
        "trainable": trainable,
        "params": params,
        "batch_size": 1,
    }


def reference(x, edge_index, edge_attr_base, trainable, params, batch_size):
    n = x.shape[0]
    bs = 1
    grid = n // batch_size
    # TrainableTensor: repeat base edge attrs and trainable tensor over batch, concat on feature dim
    ea = jnp.concatenate(
        [jnp.tile(edge_attr_base, (bs, 1)), jnp.tile(trainable, (bs, 1))],
        axis=-1,
    )
    # _expand_edges: offset edge_index per batch element by grid size
    ei = jnp.concatenate([edge_index + i * grid for i in range(bs)], axis=1)
    src = ei[0]
    dst = ei[1]
    # Chunk 0 embeds edges once (edge_dim -> num_channels); later chunks reuse edge_attr
    ea = _mlp_apply(params["emb_edges"], ea)
    for bp in params["blocks"]:
        x_skip = x
        # GraphConv.message: edge_mlp(cat[x_i (dst), x_j (src), edge_attr])
        msg_in = jnp.concatenate([x[dst], x[src], ea], axis=-1)
        edges_new = _mlp_apply(bp["edge_mlp"], msg_in)
        # aggregate: scatter_sum over destination nodes
        agg = jax.ops.segment_sum(edges_new, dst, num_segments=n)
        # node update: node_mlp(cat[x, agg]) + residual
        x = _mlp_apply(bp["node_mlp"], jnp.concatenate([x_skip, agg], axis=-1)) + x_skip
        ea = edges_new
    return x

if __name__ == "__main__":
    import jax
    _d = setup_inputs()
    print(jax.jit(kernel)(*tuple(_d.values())))

</pallas_src>

<mosaic_0001>
#map = affine_map<(d0, d1) -> (0, 0)>
#map1 = affine_map<(d0, d1) -> (0, 0, 0)>
module attributes {stable_mosaic.version = 14 : i64} {
  func.func @sc_gather_pair(%arg0: i32, %arg1: i32, %arg2: memref<10000x64xi32, #tpu.memory_space<hbm>>, %arg3: memref<10000x64xi32, #tpu.memory_space<hbm>>, %arg4: memref<32x125x80xi32, #tpu.memory_space<hbm>>, %arg5: memref<32x125x80xi32, #tpu.memory_space<hbm>>, %arg6: memref<320000x64xi32, #tpu.memory_space<hbm>>, %arg7: memref<320000x64xi32, #tpu.memory_space<hbm>>, %arg8: memref<125x80xi32, #tpu.memory_space<vmem>>, %arg9: memref<125x80xi32, #tpu.memory_space<vmem>>, %arg10: memref<2x80x64xi32, #tpu.memory_space<vmem>>, %arg11: memref<2x80x64xi32, #tpu.memory_space<vmem>>, %arg12: memref<2x!tpu.dma_semaphore, #tpu.memory_space<semaphore_mem>>, %arg13: memref<2x!tpu.dma_semaphore, #tpu.memory_space<semaphore_mem>>, %arg14: memref<2x!tpu.dma_semaphore, #tpu.memory_space<semaphore_mem>>, %arg15: memref<2x!tpu.dma_semaphore, #tpu.memory_space<semaphore_mem>>) attributes {dimension_semantics = [#tpu.dimension_semantics<core_parallel>, #tpu.dimension_semantics<subcore_parallel>], iteration_bounds = array<i64: 2, 16>, scalar_prefetch = 0 : i64, scratch_operands = 8 : i64, tpu.core_type = #tpu.core_type<sc_vector_subcore>, window_params = [{transform_indices = #map}, {transform_indices = #map}, {transform_indices = #map1}, {transform_indices = #map1}, {transform_indices = #map}, {transform_indices = #map}]} {
    %mul3A = arith.constant 2 : i32
    %mul3A_0 = arith.muli %arg1, %mul3A : i32
    %add3A = arith.addi %mul3A_0, %arg0 : i32
    %mul3A_1 = arith.constant 10000 : i32
    %mul3A_2 = arith.muli %add3A, %mul3A_1 : i32
    "tpu.region"() ({
      %run_scoped3A = tpu.sem_alloc : memref<!tpu.dma_semaphore, #tpu.memory_space<semaphore_mem>>
      %dma_start3A_108 = arith.constant 0 : i32
      %dma_start3A_109 = arith.constant 0 : i32
      %dma_start3A_110 = tpu.memref_slice %arg4[%add3A, %dma_start3A_108, %dma_start3A_109] : memref<32x125x80xi32, #tpu.memory_space<hbm>> -> memref<1x125x80xi32, #tpu.memory_space<hbm>>
      %dma_start3A_111 = tpu.memref_squeeze %dma_start3A_110 : memref<1x125x80xi32, #tpu.memory_space<hbm>> -> memref<125x80xi32, #tpu.memory_space<hbm>>
      %dma_start3A_112 = arith.constant 0 : i32
      %dma_start3A_113 = arith.constant 0 : i32
      %dma_start3A_114 = tpu.memref_slice %arg4[%add3A, %dma_start3A_112, %dma_start3A_113] : memref<32x125x80xi32, #tpu.memory_space<hbm>> -> memref<1x125x80xi32, #tpu.memory_space<hbm>>
      %dma_start3A_115 = tpu.memref_squeeze %dma_start3A_114 : memref<1x125x80xi32, #tpu.memory_space<hbm>> -> memref<125x80xi32, #tpu.memory_space<hbm>>
      tpu.enqueue_dma source(%dma_start3A_115 : memref<125x80xi32, #tpu.memory_space<hbm>>) target(%arg8 : memref<125x80xi32, #tpu.memory_space<vmem>>) target_semaphore(%run_scoped3A : memref<!tpu.dma_semaphore, #tpu.memory_space<semaphore_mem>>)
      %dma_wait3A_116 = arith.constant 0 : i32
      %dma_wait3A_117 = arith.constant 0 : i32
      %dma_wait3A_118 = tpu.memref_slice %arg4[%add3A, %dma_wait3A_116, %dma_wait3A_117] : memref<32x125x80xi32, #tpu.memory_space<hbm>> -> memref<1x125x80xi32, #tpu.memory_space<hbm>>
      %dma_wait3A_119 = tpu.memref_squeeze %dma_wait3A_118 : memref<1x125x80xi32, #tpu.memory_space<hbm>> -> memref<125x80xi32, #tpu.memory_space<hbm>>
      %dma_wait3A_120 = arith.constant 0 : i32
      %dma_wait3A_121 = arith.constant 0 : i32
      %dma_wait3A_122 = tpu.memref_slice %arg4[%add3A, %dma_wait3A_120, %dma_wait3A_121] : memref<32x125x80xi32, #tpu.memory_space<hbm>> -> memref<1x125x80xi32, #tpu.memory_space<hbm>>
      %dma_wait3A_123 = tpu.memref_squeeze %dma_wait3A_122 : memref<1x125x80xi32, #tpu.memory_space<hbm>> -> memref<125x80xi32, #tpu.memory_space<hbm>>
      tpu.wait_dma2 semaphore(%run_scoped3A : memref<!tpu.dma_semaphore, #tpu.memory_space<semaphore_mem>>) src(%dma_wait3A_123 : memref<125x80xi32, #tpu.memory_space<hbm>>) dst(%arg8 : memref<125x80xi32, #tpu.memory_space<vmem>>)
      tpu.yield
    }) : () -> ()
    "tpu.region"() ({
      %run_scoped3A = tpu.sem_alloc : memref<!tpu.dma_semaphore, #tpu.memory_space<semaphore_mem>>
      %dma_start3A_108 = arith.constant 0 : i32
      %dma_start3A_109 = arith.constant 0 : i32
      %dma_start3A_110 = tpu.memref_slice %arg5[%add3A, %dma_start3A_108, %dma_start3A_109] : memref<32x125x80xi32, #tpu.memory_space<hbm>> -> memref<1x125x80xi32, #tpu.memory_space<hbm>>
      %dma_start3A_111 = tpu.memref_squeeze %dma_start3A_110 : memref<1x125x80xi32, #tpu.memory_space<hbm>> -> memref<125x80xi32, #tpu.memory_space<hbm>>
      %dma_start3A_112 = arith.constant 0 : i32
      %dma_start3A_113 = arith.constant 0 : i32
      %dma_start3A_114 = tpu.memref_slice %arg5[%add3A, %dma_start3A_112, %dma_start3A_113] : memref<32x125x80xi32, #tpu.memory_space<hbm>> -> memref<1x125x80xi32, #tpu.memory_space<hbm>>
      %dma_start3A_115 = tpu.memref_squeeze %dma_start3A_114 : memref<1x125x80xi32, #tpu.memory_space<hbm>> -> memref<125x80xi32, #tpu.memory_space<hbm>>
      tpu.enqueue_dma source(%dma_start3A_115 : memref<125x80xi32, #tpu.memory_space<hbm>>) target(%arg9 : memref<125x80xi32, #tpu.memory_space<vmem>>) target_semaphore(%run_scoped3A : memref<!tpu.dma_semaphore, #tpu.memory_space<semaphore_mem>>)
      %dma_wait3A_116 = arith.constant 0 : i32
      %dma_wait3A_117 = arith.constant 0 : i32
      %dma_wait3A_118 = tpu.memref_slice %arg5[%add3A, %dma_wait3A_116, %dma_wait3A_117] : memref<32x125x80xi32, #tpu.memory_space<hbm>> -> memref<1x125x80xi32, #tpu.memory_space<hbm>>
      %dma_wait3A_119 = tpu.memref_squeeze %dma_wait3A_118 : memref<1x125x80xi32, #tpu.memory_space<hbm>> -> memref<125x80xi32, #tpu.memory_space<hbm>>
      %dma_wait3A_120 = arith.constant 0 : i32
      %dma_wait3A_121 = arith.constant 0 : i32
      %dma_wait3A_122 = tpu.memref_slice %arg5[%add3A, %dma_wait3A_120, %dma_wait3A_121] : memref<32x125x80xi32, #tpu.memory_space<hbm>> -> memref<1x125x80xi32, #tpu.memory_space<hbm>>
      %dma_wait3A_123 = tpu.memref_squeeze %dma_wait3A_122 : memref<1x125x80xi32, #tpu.memory_space<hbm>> -> memref<125x80xi32, #tpu.memory_space<hbm>>
      tpu.wait_dma2 semaphore(%run_scoped3A : memref<!tpu.dma_semaphore, #tpu.memory_space<semaphore_mem>>) src(%dma_wait3A_123 : memref<125x80xi32, #tpu.memory_space<hbm>>) dst(%arg9 : memref<125x80xi32, #tpu.memory_space<vmem>>)
      tpu.yield
    }) : () -> ()
    %dma_start3A = arith.constant 0 : i32
    %dma_start3A_3 = arith.constant 0 : i32
    %dma_start3A_4 = arith.constant 0 : i32
    %dma_start3A_5 = arith.constant 0 : i32
    %dma_start3A_6 = arith.constant 0 : i32
    %dma_start3A_7 = tpu.memref_slice %arg10[%dma_start3A_3, %dma_start3A_5, %dma_start3A_6] : memref<2x80x64xi32, #tpu.memory_space<vmem>> -> memref<1x80x64xi32, #tpu.memory_space<vmem>>
    %dma_start3A_8 = tpu.memref_squeeze %dma_start3A_7 : memref<1x80x64xi32, #tpu.memory_space<vmem>> -> memref<80x64xi32, #tpu.memory_space<vmem>>
    %dma_start3A_9 = arith.constant 0 : i32
    %dma_start3A_10 = tpu.memref_slice %arg8[%dma_start3A, %dma_start3A_9] : memref<125x80xi32, #tpu.memory_space<vmem>> -> memref<1x80xi32, #tpu.memory_space<vmem>>
    %dma_start3A_11 = tpu.memref_squeeze %dma_start3A_10 : memref<1x80xi32, #tpu.memory_space<vmem>> -> memref<80xi32, #tpu.memory_space<vmem>>
    %dma_start3A_12 = arith.constant 0 : i32
    %dma_start3A_13 = arith.constant 0 : i32
    %dma_start3A_14 = tpu.memref_slice %arg2[%dma_start3A_12, %dma_start3A_13] : memref<10000x64xi32, #tpu.memory_space<hbm>> -> memref<10000x64xi32, #tpu.memory_space<hbm>>
    %dma_start3A_15 = tpu.memref_slice %arg12[%dma_start3A_4] : memref<2x!tpu.dma_semaphore, #tpu.memory_space<semaphore_mem>> -> memref<1x!tpu.dma_semaphore, #tpu.memory_space<semaphore_mem>>
    %dma_start3A_16 = tpu.memref_squeeze %dma_start3A_15 : memref<1x!tpu.dma_semaphore, #tpu.memory_space<semaphore_mem>> -> memref<!tpu.dma_semaphore, #tpu.memory_space<semaphore_mem>>
    tpu.enqueue_indirect_dma source(%dma_start3A_14 : memref<10000x64xi32, #tpu.memory_space<hbm>>) target(%dma_start3A_8 : memref<80x64xi32, #tpu.memory_space<vmem>>) offsets(%dma_start3A_11 : memref<80xi32, #tpu.memory_space<vmem>>) semaphore(%dma_start3A_16 : memref<!tpu.dma_semaphore, #tpu.memory_space<semaphore_mem>>)
    %dma_start3A_17 = arith.constant 0 : i32
    %dma_start3A_18 = arith.constant 0 : i32
    %dma_start3A_19 = arith.constant 0 : i32
    %dma_start3A_20 = arith.constant 0 : i32
    %dma_start3A_21 = arith.constant 0 : i32
    %dma_start3A_22 = tpu.memref_slice %arg11[%dma_start3A_18, %dma_start3A_20, %dma_start3A_21] : memref<2x80x64xi32, #tpu.memory_space<vmem>> -> memref<1x80x64xi32, #tpu.memory_space<vmem>>
    %dma_start3A_23 = tpu.memref_squeeze %dma_start3A_22 : memref<1x80x64xi32, #tpu.memory_space<vmem>> -> memref<80x64xi32, #tpu.memory_space<vmem>>
    %dma_start3A_24 = arith.constant 0 : i32
    %dma_start3A_25 = tpu.memref_slice %arg9[%dma_start3A_17, %dma_start3A_24] : memref<125x80xi32, #tpu.memory_space<vmem>> -> memref<1x80xi32, #tpu.memory_space<vmem>>
    %dma_start3A_26 = tpu.memref_squeeze %dma_start3A_25 : memref<1x80xi32, #tpu.memory_space<vmem>> -> memref<80xi32, #tpu.memory_space<vmem>>
    %dma_start3A_27 = arith.constant 0 : i32
    %dma_start3A_28 = arith.constant 0 : i32
    %dma_start3A_29 = tpu.memref_slice %arg3[%dma_start3A_27, %dma_start3A_28] : memref<10000x64xi32, #tpu.memory_space<hbm>> -> memref<10000x64xi32, #tpu.memory_space<hbm>>
    %dma_start3A_30 = tpu.memref_slice %arg13[%dma_start3A_19] : memref<2x!tpu.dma_semaphore, #tpu.memory_space<semaphore_mem>> -> memref<1x!tpu.dma_semaphore, #tpu.memory_space<semaphore_mem>>
    %dma_start3A_31 = tpu.memref_squeeze %dma_start3A_30 : memref<1x!tpu.dma_semaphore, #tpu.memory_space<semaphore_mem>> -> memref<!tpu.dma_semaphore, #tpu.memory_space<semaphore_mem>>
    tpu.enqueue_indirect_dma source(%dma_start3A_29 : memref<10000x64xi32, #tpu.memory_space<hbm>>) target(%dma_start3A_23 : memref<80x64xi32, #tpu.memory_space<vmem>>) offsets(%dma_start3A_26 : memref<80xi32, #tpu.memory_space<vmem>>) semaphore(%dma_start3A_31 : memref<!tpu.dma_semaphore, #tpu.memory_space<semaphore_mem>>)
    %scan3A = arith.constant 0 : i32
    %scan3A_32 = arith.constant 0 : i32
    %scan3A_33 = arith.constant 125 : i32
    %scan3A_34 = arith.addi %scan3A_32, %scan3A_33 : i32
    %scan3A_35 = arith.constant 1 : i32
    scf.for %scan3A_108 = %scan3A_32 to %scan3A_34 step %scan3A_35  : i32 {
      %rem3A = arith.constant 2 : i32
      %rem3A_109 = arith.remsi %scan3A_108, %rem3A : i32
      %sub3A = arith.constant 1 : i32
      %sub3A_110 = arith.subi %sub3A, %rem3A_109 : i32
      %add3A_111 = arith.constant 1 : i32
      %add3A_112 = arith.addi %scan3A_108, %add3A_111 : i32
      %lt3A = arith.constant 125 : i32
      %lt3A_113 = arith.cmpi slt, %add3A_112, %lt3A : i32
      %convert_element_type3A = arith.extui %lt3A_113 : i1 to i32
      %cond3A = arith.constant 0 : i32
      %cond3A_114 = arith.cmpi ne, %convert_element_type3A, %cond3A : i32
      scf.if %cond3A_114 {
        %ge3A = arith.constant 1 : i32
        %ge3A_173 = arith.cmpi sge, %scan3A_108, %ge3A : i32
        %convert_element_type3A_174 = arith.extui %ge3A_173 : i1 to i32
        %cond3A_175 = arith.constant 0 : i32
        %cond3A_176 = arith.cmpi ne, %convert_element_type3A_174, %cond3A_175 : i32
        scf.if %cond3A_176 {
          %sub3A_205 = arith.constant 1 : i32
          %sub3A_206 = arith.subi %scan3A_108, %sub3A_205 : i32
          %mul3A_207 = arith.constant 80 : i32
          %mul3A_208 = arith.muli %sub3A_206, %mul3A_207 : i32
          %add3A_209 = arith.addi %mul3A_2, %mul3A_208 : i32
          %dma_wait3A_210 = arith.constant 0 : i32
          %dma_wait3A_211 = arith.constant 0 : i32
          %dma_wait3A_212 = tpu.memref_slice %arg10[%sub3A_110, %dma_wait3A_210, %dma_wait3A_211] : memref<2x80x64xi32, #tpu.memory_space<vmem>> -> memref<1x80x64xi32, #tpu.memory_space<vmem>>
          %dma_wait3A_213 = tpu.memref_squeeze %dma_wait3A_212 : memref<1x80x64xi32, #tpu.memory_space<vmem>> -> memref<80x64xi32, #tpu.memory_space<vmem>>
          %dma_wait3A_214 = arith.constant 0 : i32
          %dma_wait3A_215 = tpu.memref_slice %arg6[%add3A_209, %dma_wait3A_214] : memref<320000x64xi32, #tpu.memory_space<hbm>> -> memref<80x64xi32, #tpu.memory_space<hbm>>
          %dma_wait3A_216 = tpu.memref_slice %arg14[%sub3A_110] : memref<2x!tpu.dma_semaphore, #tpu.memory_space<semaphore_mem>> -> memref<1x!tpu.dma_semaphore, #tpu.memory_space<semaphore_mem>>
          %dma_wait3A_217 = tpu.memref_squeeze %dma_wait3A_216 : memref<1x!tpu.dma_semaphore, #tpu.memory_space<semaphore_mem>> -> memref<!tpu.dma_semaphore, #tpu.memory_space<semaphore_mem>>
          %dma_wait3A_218 = arith.constant 0 : i32
          %dma_wait3A_219 = tpu.memref_slice %arg6[%add3A_209, %dma_wait3A_218] : memref<320000x64xi32, #tpu.memory_space<hbm>> -> memref<80x64xi32, #tpu.memory_space<hbm>>
          %dma_wait3A_220 = arith.constant 0 : i32
          %dma_wait3A_221 = arith.constant 0 : i32
          %dma_wait3A_222 = tpu.memref_slice %arg10[%sub3A_110, %dma_wait3A_220, %dma_wait3A_221] : memref<2x80x64xi32, #tpu.memory_space<vmem>> -> memref<1x80x64xi32, #tpu.memory_space<vmem>>
          %dma_wait3A_223 = tpu.memref_squeeze %dma_wait3A_222 : memref<1x80x64xi32, #tpu.memory_space<vmem>> -> memref<80x64xi32, #tpu.memory_space<vmem>>
          tpu.wait_dma2 semaphore(%dma_wait3A_217 : memref<!tpu.dma_semaphore, #tpu.memory_space<semaphore_mem>>) src(%dma_wait3A_223 : memref<80x64xi32, #tpu.memory_space<vmem>>) dst(%dma_wait3A_219 : memref<80x64xi32, #tpu.memory_space<hbm>>)
          %sub3A_224 = arith.constant 1 : i32
          %sub3A_225 = arith.subi %scan3A_108, %sub3A_224 : i32
          %mul3A_226 = arith.constant 80 : i32
          %mul3A_227 = arith.muli %sub3A_225, %mul3A_226 : i32
          %add3A_228 = arith.addi %mul3A_2, %mul3A_227 : i32
          %dma_wait3A_229 = arith.constant 0 : i32
          %dma_wait3A_230 = arith.constant 0 : i32
          %dma_wait3A_231 = tpu.memref_slice %arg11[%sub3A_110, %dma_wait3A_229, %dma_wait3A_230] : memref<2x80x64xi32, #tpu.memory_space<vmem>> -> memref<1x80x64xi32, #tpu.memory_space<vmem>>
          %dma_wait3A_232 = tpu.memref_squeeze %dma_wait3A_231 : memref<1x80x64xi32, #tpu.memory_space<vmem>> -> memref<80x64xi32, #tpu.memory_space<vmem>>
          %dma_wait3A_233 = arith.constant 0 : i32
          %dma_wait3A_234 = tpu.memref_slice %arg7[%add3A_228, %dma_wait3A_233] : memref<320000x64xi32, #tpu.memory_space<hbm>> -> memref<80x64xi32, #tpu.memory_space<hbm>>
          %dma_wait3A_235 = tpu.memref_slice %arg15[%sub3A_110] : memref<2x!tpu.dma_semaphore, #tpu.memory_space<semaphore_mem>> -> memref<1x!tpu.dma_semaphore, #tpu.memory_space<semaphore_mem>>
          %dma_wait3A_236 = tpu.memref_squeeze %dma_wait3A_235 : memref<1x!tpu.dma_semaphore, #tpu.memory_space<semaphore_mem>> -> memref<!tpu.dma_semaphore, #tpu.memory_space<semaphore_mem>>
          %dma_wait3A_237 = arith.constant 0 : i32
          %dma_wait3A_238 = tpu.memref_slice %arg7[%add3A_228, %dma_wait3A_237] : memref<320000x64xi32, #tpu.memory_space<hbm>> -> memref<80x64xi32, #tpu.memory_space<hbm>>
          %dma_wait3A_239 = arith.constant 0 : i32
          %dma_wait3A_240 = arith.constant 0 : i32
          %dma_wait3A_241 = tpu.memref_slice %arg11[%sub3A_110, %dma_wait3A_239, %dma_wait3A_240] : memref<2x80x64xi32, #tpu.memory_space<vmem>> -> memref<1x80x64xi32, #tpu.memory_space<vmem>>
          %dma_wait3A_242 = tpu.memref_squeeze %dma_wait3A_241 : memref<1x80x64xi32, #tpu.memory_space<vmem>> -> memref<80x64xi32, #tpu.memory_space<vmem>>
          tpu.wait_dma2 semaphore(%dma_wait3A_236 : memref<!tpu.dma_semaphore, #tpu.memory_space<semaphore_mem>>) src(%dma_wait3A_242 : memref<80x64xi32, #tpu.memory_space<vmem>>) dst(%dma_wait3A_238 : memref<80x64xi32, #tpu.memory_space<hbm>>)
        } else {
        }
        %add3A_177 = arith.constant 1 : i32
        %add3A_178 = arith.addi %scan3A_108, %add3A_177 : i32
        %dma_start3A_179 = arith.constant 0 : i32
        %dma_start3A_180 = arith.constant 0 : i32
        %dma_start3A_181 = tpu.memref_slice %arg10[%sub3A_110, %dma_start3A_179, %dma_start3A_180] : memref<2x80x64xi32, #tpu.memory_space<vmem>> -> memref<1x80x64xi32, #tpu.memory_space<vmem>>
        %dma_start3A_182 = tpu.memref_squeeze %dma_start3A_181 : memref<1x80x64xi32, #tpu.memory_space<vmem>> -> memref<80x64xi32, #tpu.memory_space<vmem>>
        %dma_start3A_183 = arith.constant 0 : i32
        %dma_start3A_184 = tpu.memref_slice %arg8[%add3A_178, %dma_start3A_183] : memref<125x80xi32, #tpu.memory_space<vmem>> -> memref<1x80xi32, #tpu.memory_space<vmem>>
        %dma_start3A_185 = tpu.memref_squeeze %dma_start3A_184 : memref<1x80xi32, #tpu.memory_space<vmem>> -> memref<80xi32, #tpu.memory_space<vmem>>
        %dma_start3A_186 = arith.constant 0 : i32
        %dma_start3A_187 = arith.constant 0 : i32
        %dma_start3A_188 = tpu.memref_slice %arg2[%dma_start3A_186, %dma_start3A_187] : memref<10000x64xi32, #tpu.memory_space<hbm>> -> memref<10000x64xi32, #tpu.memory_space<hbm>>
        %dma_start3A_189 = tpu.memref_slice %arg12[%sub3A_110] : memref<2x!tpu.dma_semaphore, #tpu.memory_space<semaphore_mem>> -> memref<1x!tpu.dma_semaphore, #tpu.memory_space<semaphore_mem>>
        %dma_start3A_190 = tpu.memref_squeeze %dma_start3A_189 : memref<1x!tpu.dma_semaphore, #tpu.memory_space<semaphore_mem>> -> memref<!tpu.dma_semaphore, #tpu.memory_space<semaphore_mem>>
        tpu.enqueue_indirect_dma source(%dma_start3A_188 : memref<10000x64xi32, #tpu.memory_space<hbm>>) target(%dma_start3A_182 : memref<80x64xi32, #tpu.memory_space<vmem>>) offsets(%dma_start3A_185 : memref<80xi32, #tpu.memory_space<vmem>>) semaphore(%dma_start3A_190 : memref<!tpu.dma_semaphore, #tpu.memory_space<semaphore_mem>>)
        %add3A_191 = arith.constant 1 : i32
        %add3A_192 = arith.addi %scan3A_108, %add3A_191 : i32
        %dma_start3A_193 = arith.constant 0 : i32
        %dma_start3A_194 = arith.constant 0 : i32
        %dma_start3A_195 = tpu.memref_slice %arg11[%sub3A_110, %dma_start3A_193, %dma_start3A_194] : memref<2x80x64xi32, #tpu.memory_space<vmem>> -> memref<1x80x64xi32, #tpu.memory_space<vmem>>
        %dma_start3A_196 = tpu.memref_squeeze %dma_start3A_195 : memref<1x80x64xi32, #tpu.memory_space<vmem>> -> memref<80x64xi32, #tpu.memory_space<vmem>>
        %dma_start3A_197 = arith.constant 0 : i32
        %dma_start3A_198 = tpu.memref_slice %arg9[%add3A_192, %dma_start3A_197] : memref<125x80xi32, #tpu.memory_space<vmem>> -> memref<1x80xi32, #tpu.memory_space<vmem>>
        %dma_start3A_199 = tpu.memref_squeeze %dma_start3A_198 : memref<1x80xi32, #tpu.memory_space<vmem>> -> memref<80xi32, #tpu.memory_space<vmem>>
        %dma_start3A_200 = arith.constant 0 : i32
        %dma_start3A_201 = arith.constant 0 : i32
        %dma_start3A_202 = tpu.memref_slice %arg3[%dma_start3A_200, %dma_start3A_201] : memref<10000x64xi32, #tpu.memory_space<hbm>> -> memref<10000x64xi32, #tpu.memory_space<hbm>>
        %dma_start3A_203 = tpu.memref_slice %arg13[%sub3A_110] : memref<2x!tpu.dma_semaphore, #tpu.memory_space<semaphore_mem>> -> memref<1x!tpu.dma_semaphore, #tpu.memory_space<semaphore_mem>>
        %dma_start3A_204 = tpu.memref_squeeze %dma_start3A_203 : memref<1x!tpu.dma_semaphore, #tpu.memory_space<semaphore_mem>> -> memref<!tpu.dma_semaphore, #tpu.memory_space<semaphore_mem>>
        tpu.enqueue_indirect_dma source(%dma_start3A_202 : memref<10000x64xi32, #tpu.memory_space<hbm>>) target(%dma_start3A_196 : memref<80x64xi32, #tpu.memory_space<vmem>>) offsets(%dma_start3A_199 : memref<80xi32, #tpu.memory_space<vmem>>) semaphore(%dma_start3A_204 : memref<!tpu.dma_semaphore, #tpu.memory_space<semaphore_mem>>)
      } else {
      }
      %dma_wait3A_115 = arith.constant 0 : i32
      %dma_wait3A_116 = arith.constant 0 : i32
      %dma_wait3A_117 = tpu.memref_slice %arg10[%rem3A_109, %dma_wait3A_115, %dma_wait3A_116] : memref<2x80x64xi32, #tpu.memory_space<vmem>> -> memref<1x80x64xi32, #tpu.memory_space<vmem>>
      %dma_wait3A_118 = tpu.memref_squeeze %dma_wait3A_117 : memref<1x80x64xi32, #tpu.memory_space<vmem>> -> memref<80x64xi32, #tpu.memory_space<vmem>>
      %dma_wait3A_119 = arith.constant 0 : i32
      %dma_wait3A_120 = tpu.memref_slice %arg8[%scan3A_108, %dma_wait3A_119] : memref<125x80xi32, #tpu.memory_space<vmem>> -> memref<1x80xi32, #tpu.memory_space<vmem>>
      %dma_wait3A_121 = tpu.memref_squeeze %dma_wait3A_120 : memref<1x80xi32, #tpu.memory_space<vmem>> -> memref<80xi32, #tpu.memory_space<vmem>>
      %dma_wait3A_122 = arith.constant 0 : i32
      %dma_wait3A_123 = arith.constant 0 : i32
      %dma_wait3A_124 = tpu.memref_slice %arg2[%dma_wait3A_122, %dma_wait3A_123] : memref<10000x64xi32, #tpu.memory_space<hbm>> -> memref<10000x64xi32, #tpu.memory_space<hbm>>
      %dma_wait3A_125 = tpu.memref_slice %arg12[%rem3A_109] : memref<2x!tpu.dma_semaphore, #tpu.memory_space<semaphore_mem>> -> memref<1x!tpu.dma_semaphore, #tpu.memory_space<semaphore_mem>>
      %dma_wait3A_126 = tpu.memref_squeeze %dma_wait3A_125 : memref<1x!tpu.dma_semaphore, #tpu.memory_space<semaphore_mem>> -> memref<!tpu.dma_semaphore, #tpu.memory_space<semaphore_mem>>
      tpu.wait_indirect_dma semaphore(%dma_wait3A_126 : memref<!tpu.dma_semaphore, #tpu.memory_space<semaphore_mem>>) src(%dma_wait3A_124 : memref<10000x64xi32, #tpu.memory_space<hbm>>) dst(%dma_wait3A_118 : memref<80x64xi32, #tpu.memory_space<vmem>>)
      %mul3A_127 = arith.constant 80 : i32
      %mul3A_128 = arith.muli %scan3A_108, %mul3A_127 : i32
      %add3A_129 = arith.addi %mul3A_2, %mul3A_128 : i32
      %dma_start3A_130 = arith.constant 0 : i32
      %dma_start3A_131 = arith.constant 0 : i32
      %dma_start3A_132 = tpu.memref_slice %arg10[%rem3A_109, %dma_start3A_130, %dma_start3A_131] : memref<2x80x64xi32, #tpu.memory_space<vmem>> -> memref<1x80x64xi32, #tpu.memory_space<vmem>>
      %dma_start3A_133 = tpu.memref_squeeze %dma_start3A_132 : memref<1x80x64xi32, #tpu.memory_space<vmem>> -> memref<80x64xi32, #tpu.memory_space<vmem>>
      %dma_start3A_134 = arith.constant 0 : i32
      %dma_start3A_135 = tpu.memref_slice %arg6[%add3A_129, %dma_start3A_134] : memref<320000x64xi32, #tpu.memory_space<hbm>> -> memref<80x64xi32, #tpu.memory_space<hbm>>
      %dma_start3A_136 = tpu.memref_slice %arg14[%rem3A_109] : memref<2x!tpu.dma_semaphore, #tpu.memory_space<semaphore_mem>> -> memref<1x!tpu.dma_semaphore, #tpu.memory_space<semaphore_mem>>
      %dma_start3A_137 = tpu.memref_squeeze %dma_start3A_136 : memref<1x!tpu.dma_semaphore, #tpu.memory_space<semaphore_mem>> -> memref<!tpu.dma_semaphore, #tpu.memory_space<semaphore_mem>>
      %dma_start3A_138 = arith.constant 0 : i32
      %dma_start3A_139 = tpu.memref_slice %arg6[%add3A_129, %dma_start3A_138] : memref<320000x64xi32, #tpu.memory_space<hbm>> -> memref<80x64xi32, #tpu.memory_space<hbm>>
      %dma_start3A_140 = arith.constant 0 : i32
      %dma_start3A_141 = arith.constant 0 : i32
      %dma_start3A_142 = tpu.memref_slice %arg10[%rem3A_109, %dma_start3A_140, %dma_start3A_141] : memref<2x80x64xi32, #tpu.memory_space<vmem>> -> memref<1x80x64xi32, #tpu.memory_space<vmem>>
      %dma_start3A_143 = tpu.memref_squeeze %dma_start3A_142 : memref<1x80x64xi32, #tpu.memory_space<vmem>> -> memref<80x64xi32, #tpu.memory_space<vmem>>
      tpu.enqueue_dma source(%dma_start3A_143 : memref<80x64xi32, #tpu.memory_space<vmem>>) target(%dma_start3A_139 : memref<80x64xi32, #tpu.memory_space<hbm>>) target_semaphore(%dma_start3A_137 : memref<!tpu.dma_semaphore, #tpu.memory_space<semaphore_mem>>)
      %dma_wait3A_144 = arith.constant 0 : i32
      %dma_wait3A_145 = arith.constant 0 : i32
      %dma_wait3A_146 = tpu.memref_slice %arg11[%rem3A_109, %dma_wait3A_144, %dma_wait3A_145] : memref<2x80x64xi32, #tpu.memory_space<vmem>> -> memref<1x80x64xi32, #tpu.memory_space<vmem>>
      %dma_wait3A_147 = tpu.memref_squeeze %dma_wait3A_146 : memref<1x80x64xi32, #tpu.memory_space<vmem>> -> memref<80x64xi32, #tpu.memory_space<vmem>>
      %dma_wait3A_148 = arith.constant 0 : i32
      %dma_wait3A_149 = tpu.memref_slice %arg9[%scan3A_108, %dma_wait3A_148] : memref<125x80xi32, #tpu.memory_space<vmem>> -> memref<1x80xi32, #tpu.memory_space<vmem>>
      %dma_wait3A_150 = tpu.memref_squeeze %dma_wait3A_149 : memref<1x80xi32, #tpu.memory_space<vmem>> -> memref<80xi32, #tpu.memory_space<vmem>>
      %dma_wait3A_151 = arith.constant 0 : i32
      %dma_wait3A_152 = arith.constant 0 : i32
      %dma_wait3A_153 = tpu.memref_slice %arg3[%dma_wait3A_151, %dma_wait3A_152] : memref<10000x64xi32, #tpu.memory_space<hbm>> -> memref<10000x64xi32, #tpu.memory_space<hbm>>
      %dma_wait3A_154 = tpu.memref_slice %arg13[%rem3A_109] : memref<2x!tpu.dma_semaphore, #tpu.memory_space<semaphore_mem>> -> memref<1x!tpu.dma_semaphore, #tpu.memory_space<semaphore_mem>>
      %dma_wait3A_155 = tpu.memref_squeeze %dma_wait3A_154 : memref<1x!tpu.dma_semaphore, #tpu.memory_space<semaphore_mem>> -> memref<!tpu.dma_semaphore, #tpu.memory_space<semaphore_mem>>
      tpu.wait_indirect_dma semaphore(%dma_wait3A_155 : memref<!tpu.dma_semaphore, #tpu.memory_space<semaphore_mem>>) src(%dma_wait3A_153 : memref<10000x64xi32, #tpu.memory_space<hbm>>) dst(%dma_wait3A_147 : memref<80x64xi32, #tpu.memory_space<vmem>>)
      %mul3A_156 = arith.constant 80 : i32
      %mul3A_157 = arith.muli %scan3A_108, %mul3A_156 : i32
      %add3A_158 = arith.addi %mul3A_2, %mul3A_157 : i32
      %dma_start3A_159 = arith.constant 0 : i32
      %dma_start3A_160 = arith.constant 0 : i32
      %dma_start3A_161 = tpu.memref_slice %arg11[%rem3A_109, %dma_start3A_159, %dma_start3A_160] : memref<2x80x64xi32, #tpu.memory_space<vmem>> -> memref<1x80x64xi32, #tpu.memory_space<vmem>>
      %dma_start3A_162 = tpu.memref_squeeze %dma_start3A_161 : memref<1x80x64xi32, #tpu.memory_space<vmem>> -> memref<80x64xi32, #tpu.memory_space<vmem>>
      %dma_start3A_163 = arith.constant 0 : i32
      %dma_start3A_164 = tpu.memref_slice %arg7[%add3A_158, %dma_start3A_163] : memref<320000x64xi32, #tpu.memory_space<hbm>> -> memref<80x64xi32, #tpu.memory_space<hbm>>
      %dma_start3A_165 = tpu.memref_slice %arg15[%rem3A_109] : memref<2x!tpu.dma_semaphore, #tpu.memory_space<semaphore_mem>> -> memref<1x!tpu.dma_semaphore, #tpu.memory_space<semaphore_mem>>
      %dma_start3A_166 = tpu.memref_squeeze %dma_start3A_165 : memref<1x!tpu.dma_semaphore, #tpu.memory_space<semaphore_mem>> -> memref<!tpu.dma_semaphore, #tpu.memory_space<semaphore_mem>>
      %dma_start3A_167 = arith.constant 0 : i32
      %dma_start3A_168 = tpu.memref_slice %arg7[%add3A_158, %dma_start3A_167] : memref<320000x64xi32, #tpu.memory_space<hbm>> -> memref<80x64xi32, #tpu.memory_space<hbm>>
      %dma_start3A_169 = arith.constant 0 : i32
      %dma_start3A_170 = arith.constant 0 : i32
      %dma_start3A_171 = tpu.memref_slice %arg11[%rem3A_109, %dma_start3A_169, %dma_start3A_170] : memref<2x80x64xi32, #tpu.memory_space<vmem>> -> memref<1x80x64xi32, #tpu.memory_space<vmem>>
      %dma_start3A_172 = tpu.memref_squeeze %dma_start3A_171 : memref<1x80x64xi32, #tpu.memory_space<vmem>> -> memref<80x64xi32, #tpu.memory_space<vmem>>
      tpu.enqueue_dma source(%dma_start3A_172 : memref<80x64xi32, #tpu.memory_space<vmem>>) target(%dma_start3A_168 : memref<80x64xi32, #tpu.memory_space<hbm>>) target_semaphore(%dma_start3A_166 : memref<!tpu.dma_semaphore, #tpu.memory_space<semaphore_mem>>)
    }
    %scan3A_36 = arith.constant 125 : i32
    %add3A_37 = arith.constant 9840 : i32
    %add3A_38 = arith.addi %mul3A_2, %add3A_37 : i32
    %dma_wait3A = arith.constant 1 : i32
    %dma_wait3A_39 = arith.constant 1 : i32
    %dma_wait3A_40 = arith.constant 0 : i32
    %dma_wait3A_41 = arith.constant 0 : i32
    %dma_wait3A_42 = tpu.memref_slice %arg10[%dma_wait3A, %dma_wait3A_40, %dma_wait3A_41] : memref<2x80x64xi32, #tpu.memory_space<vmem>> -> memref<1x80x64xi32, #tpu.memory_space<vmem>>
    %dma_wait3A_43 = tpu.memref_squeeze %dma_wait3A_42 : memref<1x80x64xi32, #tpu.memory_space<vmem>> -> memref<80x64xi32, #tpu.memory_space<vmem>>
    %dma_wait3A_44 = arith.constant 0 : i32
    %dma_wait3A_45 = tpu.memref_slice %arg6[%add3A_38, %dma_wait3A_44] : memref<320000x64xi32, #tpu.memory_space<hbm>> -> memref<80x64xi32, #tpu.memory_space<hbm>>
    %dma_wait3A_46 = tpu.memref_slice %arg14[%dma_wait3A_39] : memref<2x!tpu.dma_semaphore, #tpu.memory_space<semaphore_mem>> -> memref<1x!tpu.dma_semaphore, #tpu.memory_space<semaphore_mem>>
    %dma_wait3A_47 = tpu.memref_squeeze %dma_wait3A_46 : memref<1x!tpu.dma_semaphore, #tpu.memory_space<semaphore_mem>> -> memref<!tpu.dma_semaphore, #tpu.memory_space<semaphore_mem>>
    %dma_wait3A_48 = arith.constant 0 : i32
    %dma_wait3A_49 = tpu.memref_slice %arg6[%add3A_38, %dma_wait3A_48] : memref<320000x64xi32, #tpu.memory_space<hbm>> -> memref<80x64xi32, #tpu.memory_space<hbm>>
    %dma_wait3A_50 = arith.constant 0 : i32
    %dma_wait3A_51 = arith.constant 0 : i32
    %dma_wait3A_52 = tpu.memref_slice %arg10[%dma_wait3A, %dma_wait3A_50, %dma_wait3A_51] : memref<2x80x64xi32, #tpu.memory_space<vmem>> -> memref<1x80x64xi32, #tpu.memory_space<vmem>>
    %dma_wait3A_53 = tpu.memref_squeeze %dma_wait3A_52 : memref<1x80x64xi32, #tpu.memory_space<vmem>> -> memref<80x64xi32, #tpu.memory_space<vmem>>
    tpu.wait_dma2 semaphore(%dma_wait3A_47 : memref<!tpu.dma_semaphore, #tpu.memory_space<semaphore_mem>>) src(%dma_wait3A_53 : memref<80x64xi32, #tpu.memory_space<vmem>>) dst(%dma_wait3A_49 : memref<80x64xi32, #tpu.memory_space<hbm>>)
    %add3A_54 = arith.constant 9840 : i32
    %add3A_55 = arith.addi %mul3A_2, %add3A_54 : i32
    %dma_wait3A_56 = arith.constant 1 : i32
    %dma_wait3A_57 = arith.constant 1 : i32
    %dma_wait3A_58 = arith.constant 0 : i32
    %dma_wait3A_59 = arith.constant 0 : i32
    %dma_wait3A_60 = tpu.memref_slice %arg11[%dma_wait3A_56, %dma_wait3A_58, %dma_wait3A_59] : memref<2x80x64xi32, #tpu.memory_space<vmem>> -> memref<1x80x64xi32, #tpu.memory_space<vmem>>
    %dma_wait3A_61 = tpu.memref_squeeze %dma_wait3A_60 : memref<1x80x64xi32, #tpu.memory_space<vmem>> -> memref<80x64xi32, #tpu.memory_space<vmem>>
    %dma_wait3A_62 = arith.constant 0 : i32
    %dma_wait3A_63 = tpu.memref_slice %arg7[%add3A_55, %dma_wait3A_62] : memref<320000x64xi32, #tpu.memory_space<hbm>> -> memref<80x64xi32, #tpu.memory_space<hbm>>
    %dma_wait3A_64 = tpu.memref_slice %arg15[%dma_wait3A_57] : memref<2x!tpu.dma_semaphore, #tpu.memory_space<semaphore_mem>> -> memref<1x!tpu.dma_semaphore, #tpu.memory_space<semaphore_mem>>
    %dma_wait3A_65 = tpu.memref_squeeze %dma_wait3A_64 : memref<1x!tpu.dma_semaphore, #tpu.memory_space<semaphore_mem>> -> memref<!tpu.dma_semaphore, #tpu.memory_space<semaphore_mem>>
    %dma_wait3A_66 = arith.constant 0 : i32
    %dma_wait3A_67 = tpu.memref_slice %arg7[%add3A_55, %dma_wait3A_66] : memref<320000x64xi32, #tpu.memory_space<hbm>> -> memref<80x64xi32, #tpu.memory_space<hbm>>
    %dma_wait3A_68 = arith.constant 0 : i32
    %dma_wait3A_69 = arith.constant 0 : i32
    %dma_wait3A_70 = tpu.memref_slice %arg11[%dma_wait3A_56, %dma_wait3A_68, %dma_wait3A_69] : memref<2x80x64xi32, #tpu.memory_space<vmem>> -> memref<1x80x64xi32, #tpu.memory_space<vmem>>
    %dma_wait3A_71 = tpu.memref_squeeze %dma_wait3A_70 : memref<1x80x64xi32, #tpu.memory_space<vmem>> -> memref<80x64xi32, #tpu.memory_space<vmem>>
    tpu.wait_dma2 semaphore(%dma_wait3A_65 : memref<!tpu.dma_semaphore, #tpu.memory_space<semaphore_mem>>) src(%dma_wait3A_71 : memref<80x64xi32, #tpu.memory_space<vmem>>) dst(%dma_wait3A_67 : memref<80x64xi32, #tpu.memory_space<hbm>>)
    %add3A_72 = arith.constant 9920 : i32
    %add3A_73 = arith.addi %mul3A_2, %add3A_72 : i32
    %dma_wait3A_74 = arith.constant 0 : i32
    %dma_wait3A_75 = arith.constant 0 : i32
    %dma_wait3A_76 = arith.constant 0 : i32
    %dma_wait3A_77 = arith.constant 0 : i32
    %dma_wait3A_78 = tpu.memref_slice %arg10[%dma_wait3A_74, %dma_wait3A_76, %dma_wait3A_77] : memref<2x80x64xi32, #tpu.memory_space<vmem>> -> memref<1x80x64xi32, #tpu.memory_space<vmem>>
    %dma_wait3A_79 = tpu.memref_squeeze %dma_wait3A_78 : memref<1x80x64xi32, #tpu.memory_space<vmem>> -> memref<80x64xi32, #tpu.memory_space<vmem>>
    %dma_wait3A_80 = arith.constant 0 : i32
    %dma_wait3A_81 = tpu.memref_slice %arg6[%add3A_73, %dma_wait3A_80] : memref<320000x64xi32, #tpu.memory_space<hbm>> -> memref<80x64xi32, #tpu.memory_space<hbm>>
    %dma_wait3A_82 = tpu.memref_slice %arg14[%dma_wait3A_75] : memref<2x!tpu.dma_semaphore, #tpu.memory_space<semaphore_mem>> -> memref<1x!tpu.dma_semaphore, #tpu.memory_space<semaphore_mem>>
    %dma_wait3A_83 = tpu.memref_squeeze %dma_wait3A_82 : memref<1x!tpu.dma_semaphore, #tpu.memory_space<semaphore_mem>> -> memref<!tpu.dma_semaphore, #tpu.memory_space<semaphore_mem>>
    %dma_wait3A_84 = arith.constant 0 : i32
    %dma_wait3A_85 = tpu.memref_slice %arg6[%add3A_73, %dma_wait3A_84] : memref<320000x64xi32, #tpu.memory_space<hbm>> -> memref<80x64xi32, #tpu.memory_space<hbm>>
    %dma_wait3A_86 = arith.constant 0 : i32
    %dma_wait3A_87 = arith.constant 0 : i32
    %dma_wait3A_88 = tpu.memref_slice %arg10[%dma_wait3A_74, %dma_wait3A_86, %dma_wait3A_87] : memref<2x80x64xi32, #tpu.memory_space<vmem>> -> memref<1x80x64xi32, #tpu.memory_space<vmem>>
    %dma_wait3A_89 = tpu.memref_squeeze %dma_wait3A_88 : memref<1x80x64xi32, #tpu.memory_space<vmem>> -> memref<80x64xi32, #tpu.memory_space<vmem>>
    tpu.wait_dma2 semaphore(%dma_wait3A_83 : memref<!tpu.dma_semaphore, #tpu.memory_space<semaphore_mem>>) src(%dma_wait3A_89 : memref<80x64xi32, #tpu.memory_space<vmem>>) dst(%dma_wait3A_85 : memref<80x64xi32, #tpu.memory_space<hbm>>)
    %add3A_90 = arith.constant 9920 : i32
    %add3A_91 = arith.addi %mul3A_2, %add3A_90 : i32
    %dma_wait3A_92 = arith.constant 0 : i32
    %dma_wait3A_93 = arith.constant 0 : i32
    %dma_wait3A_94 = arith.constant 0 : i32
    %dma_wait3A_95 = arith.constant 0 : i32
    %dma_wait3A_96 = tpu.memref_slice %arg11[%dma_wait3A_92, %dma_wait3A_94, %dma_wait3A_95] : memref<2x80x64xi32, #tpu.memory_space<vmem>> -> memref<1x80x64xi32, #tpu.memory_space<vmem>>
    %dma_wait3A_97 = tpu.memref_squeeze %dma_wait3A_96 : memref<1x80x64xi32, #tpu.memory_space<vmem>> -> memref<80x64xi32, #tpu.memory_space<vmem>>
    %dma_wait3A_98 = arith.constant 0 : i32
    %dma_wait3A_99 = tpu.memref_slice %arg7[%add3A_91, %dma_wait3A_98] : memref<320000x64xi32, #tpu.memory_space<hbm>> -> memref<80x64xi32, #tpu.memory_space<hbm>>
    %dma_wait3A_100 = tpu.memref_slice %arg15[%dma_wait3A_93] : memref<2x!tpu.dma_semaphore, #tpu.memory_space<semaphore_mem>> -> memref<1x!tpu.dma_semaphore, #tpu.memory_space<semaphore_mem>>
    %dma_wait3A_101 = tpu.memref_squeeze %dma_wait3A_100 : memref<1x!tpu.dma_semaphore, #tpu.memory_space<semaphore_mem>> -> memref<!tpu.dma_semaphore, #tpu.memory_space<semaphore_mem>>
    %dma_wait3A_102 = arith.constant 0 : i32
    %dma_wait3A_103 = tpu.memref_slice %arg7[%add3A_91, %dma_wait3A_102] : memref<320000x64xi32, #tpu.memory_space<hbm>> -> memref<80x64xi32, #tpu.memory_space<hbm>>
    %dma_wait3A_104 = arith.constant 0 : i32
    %dma_wait3A_105 = arith.constant 0 : i32
    %dma_wait3A_106 = tpu.memref_slice %arg11[%dma_wait3A_92, %dma_wait3A_104, %dma_wait3A_105] : memref<2x80x64xi32, #tpu.memory_space<vmem>> -> memref<1x80x64xi32, #tpu.memory_space<vmem>>
    %dma_wait3A_107 = tpu.memref_squeeze %dma_wait3A_106 : memref<1x80x64xi32, #tpu.memory_space<vmem>> -> memref<80x64xi32, #tpu.memory_space<vmem>>
    tpu.wait_dma2 semaphore(%dma_wait3A_101 : memref<!tpu.dma_semaphore, #tpu.memory_space<semaphore_mem>>) src(%dma_wait3A_107 : memref<80x64xi32, #tpu.memory_space<vmem>>) dst(%dma_wait3A_103 : memref<80x64xi32, #tpu.memory_space<hbm>>)
    return
  }
}

#map = affine_map<(d0, d1) -> (0, 0)>
#map1 = affine_map<(d0, d1) -> (0, 0, 0)>
module attributes {stable_mosaic.version = 14 : i64} {
  func.func @sc_gather_pair(%arg0: i32, %arg1: i32, %arg2: memref<10000x64xi32, #tpu.memory_space<hbm>>, %arg3: memref<10000x64xi32, #tpu.memory_space<hbm>>, %arg4: memref<32x125x80xi32, #tpu.memory_space<hbm>>, %arg5: memref<32x125x80xi32, #tpu.memory_space<hbm>>, %arg6: memref<320000x64xi32, #tpu.memory_space<hbm>>, %arg7: memref<320000x64xi32, #tpu.memory_space<hbm>>, %arg8: memref<125x80xi32, #tpu.memory_space<vmem>>, %arg9: memref<125x80xi32, #tpu.memory_space<vmem>>, %arg10: memref<2x80x64xi32, #tpu.memory_space<vmem>>, %arg11: memref<2x80x64xi32, #tpu.memory_space<vmem>>, %arg12: memref<2x!tpu.dma_semaphore, #tpu.memory_space<semaphore_mem>>, %arg13: memref<2x!tpu.dma_semaphore, #tpu.memory_space<semaphore_mem>>, %arg14: memref<2x!tpu.dma_semaphore, #tpu.memory_space<semaphore_mem>>, %arg15: memref<2x!tpu.dma_semaphore, #tpu.memory_space<semaphore_mem>>) attributes {dimension_semantics = [#tpu.dimension_semantics<core_parallel>, #tpu.dimension_semantics<subcore_parallel>], iteration_bounds = array<i64: 2, 16>, scalar_prefetch = 0 : i64, scratch_operands = 8 : i64, tpu.core_type = #tpu.core_type<sc_vector_subcore>, window_params = [{transform_indices = #map}, {transform_indices = #map}, {transform_indices = #map1}, {transform_indices = #map1}, {transform_indices = #map}, {transform_indices = #map}]} {
    %mul3A = arith.constant 2 : i32
    %mul3A_0 = arith.muli %arg1, %mul3A : i32
    %add3A = arith.addi %mul3A_0, %arg0 : i32
    %mul3A_1 = arith.constant 10000 : i32
    %mul3A_2 = arith.muli %add3A, %mul3A_1 : i32
    "tpu.region"() ({
      %run_scoped3A = tpu.sem_alloc : memref<!tpu.dma_semaphore, #tpu.memory_space<semaphore_mem>>
      %dma_start3A_108 = arith.constant 0 : i32
      %dma_start3A_109 = arith.constant 0 : i32
      %dma_start3A_110 = tpu.memref_slice %arg4[%add3A, %dma_start3A_108, %dma_start3A_109] : memref<32x125x80xi32, #tpu.memory_space<hbm>> -> memref<1x125x80xi32, #tpu.memory_space<hbm>>
      %dma_start3A_111 = tpu.memref_squeeze %dma_start3A_110 : memref<1x125x80xi32, #tpu.memory_space<hbm>> -> memref<125x80xi32, #tpu.memory_space<hbm>>
      %dma_start3A_112 = arith.constant 0 : i32
      %dma_start3A_113 = arith.constant 0 : i32
      %dma_start3A_114 = tpu.memref_slice %arg4[%add3A, %dma_start3A_112, %dma_start3A_113] : memref<32x125x80xi32, #tpu.memory_space<hbm>> -> memref<1x125x80xi32, #tpu.memory_space<hbm>>
      %dma_start3A_115 = tpu.memref_squeeze %dma_start3A_114 : memref<1x125x80xi32, #tpu.memory_space<hbm>> -> memref<125x80xi32, #tpu.memory_space<hbm>>
      tpu.enqueue_dma source(%dma_start3A_115 : memref<125x80xi32, #tpu.memory_space<hbm>>) target(%arg8 : memref<125x80xi32, #tpu.memory_space<vmem>>) target_semaphore(%run_scoped3A : memref<!tpu.dma_semaphore, #tpu.memory_space<semaphore_mem>>)
      %dma_wait3A_116 = arith.constant 0 : i32
      %dma_wait3A_117 = arith.constant 0 : i32
      %dma_wait3A_118 = tpu.memref_slice %arg4[%add3A, %dma_wait3A_116, %dma_wait3A_117] : memref<32x125x80xi32, #tpu.memory_space<hbm>> -> memref<1x125x80xi32, #tpu.memory_space<hbm>>
      %dma_wait3A_119 = tpu.memref_squeeze %dma_wait3A_118 : memref<1x125x80xi32, #tpu.memory_space<hbm>> -> memref<125x80xi32, #tpu.memory_space<hbm>>
      %dma_wait3A_120 = arith.constant 0 : i32
      %dma_wait3A_121 = arith.constant 0 : i32
      %dma_wait3A_122 = tpu.memref_slice %arg4[%add3A, %dma_wait3A_120, %dma_wait3A_121] : memref<32x125x80xi32, #tpu.memory_space<hbm>> -> memref<1x125x80xi32, #tpu.memory_space<hbm>>
      %dma_wait3A_123 = tpu.memref_squeeze %dma_wait3A_122 : memref<1x125x80xi32, #tpu.memory_space<hbm>> -> memref<125x80xi32, #tpu.memory_space<hbm>>
      tpu.wait_dma2 semaphore(%run_scoped3A : memref<!tpu.dma_semaphore, #tpu.memory_space<semaphore_mem>>) src(%dma_wait3A_123 : memref<125x80xi32, #tpu.memory_space<hbm>>) dst(%arg8 : memref<125x80xi32, #tpu.memory_space<vmem>>)
      tpu.yield
    }) : () -> ()
    "tpu.region"() ({
      %run_scoped3A = tpu.sem_alloc : memref<!tpu.dma_semaphore, #tpu.memory_space<semaphore_mem>>
      %dma_start3A_108 = arith.constant 0 : i32
      %dma_start3A_109 = arith.constant 0 : i32
      %dma_start3A_110 = tpu.memref_slice %arg5[%add3A, %dma_start3A_108, %dma_start3A_109] : memref<32x125x80xi32, #tpu.memory_space<hbm>> -> memref<1x125x80xi32, #tpu.memory_space<hbm>>
      %dma_start3A_111 = tpu.memref_squeeze %dma_start3A_110 : memref<1x125x80xi32, #tpu.memory_space<hbm>> -> memref<125x80xi32, #tpu.memory_space<hbm>>
      %dma_start3A_112 = arith.constant 0 : i32
      %dma_start3A_113 = arith.constant 0 : i32
      %dma_start3A_114 = tpu.memref_slice %arg5[%add3A, %dma_start3A_112, %dma_start3A_113] : memref<32x125x80xi32, #tpu.memory_space<hbm>> -> memref<1x125x80xi32, #tpu.memory_space<hbm>>
      %dma_start3A_115 = tpu.memref_squeeze %dma_start3A_114 : memref<1x125x80xi32, #tpu.memory_space<hbm>> -> memref<125x80xi32, #tpu.memory_space<hbm>>
      tpu.enqueue_dma source(%dma_start3A_115 : memref<125x80xi32, #tpu.memory_space<hbm>>) target(%arg9 : memref<125x80xi32, #tpu.memory_space<vmem>>) target_semaphore(%run_scoped3A : memref<!tpu.dma_semaphore, #tpu.memory_space<semaphore_mem>>)
      %dma_wait3A_116 = arith.constant 0 : i32
      %dma_wait3A_117 = arith.constant 0 : i32
      %dma_wait3A_118 = tpu.memref_slice %arg5[%add3A, %dma_wait3A_116, %dma_wait3A_117] : memref<32x125x80xi32, #tpu.memory_space<hbm>> -> memref<1x125x80xi32, #tpu.memory_space<hbm>>
      %dma_wait3A_119 = tpu.memref_squeeze %dma_wait3A_118 : memref<1x125x80xi32, #tpu.memory_space<hbm>> -> memref<125x80xi32, #tpu.memory_space<hbm>>
      %dma_wait3A_120 = arith.constant 0 : i32
      %dma_wait3A_121 = arith.constant 0 : i32
      %dma_wait3A_122 = tpu.memref_slice %arg5[%add3A, %dma_wait3A_120, %dma_wait3A_121] : memref<32x125x80xi32, #tpu.memory_space<hbm>> -> memref<1x125x80xi32, #tpu.memory_space<hbm>>
      %dma_wait3A_123 = tpu.memref_squeeze %dma_wait3A_122 : memref<1x125x80xi32, #tpu.memory_space<hbm>> -> memref<125x80xi32, #tpu.memory_space<hbm>>
      tpu.wait_dma2 semaphore(%run_scoped3A : memref<!tpu.dma_semaphore, #tpu.memory_space<semaphore_mem>>) src(%dma_wait3A_123 : memref<125x80xi32, #tpu.memory_space<hbm>>) dst(%arg9 : memref<125x80xi32, #tpu.memory_space<vmem>>)
      tpu.yield
    }) : () -> ()
    %dma_start3A = arith.constant 0 : i32
    %dma_start3A_3 = arith.constant 0 : i32
    %dma_start3A_4 = arith.constant 0 : i32
    %dma_start3A_5 = arith.constant 0 : i32
    %dma_start3A_6 = arith.constant 0 : i32
    %dma_start3A_7 = tpu.memref_slice %arg10[%dma_start3A_3, %dma_start3A_5, %dma_start3A_6] : memref<2x80x64xi32, #tpu.memory_space<vmem>> -> memref<1x80x64xi32, #tpu.memory_space<vmem>>
    %dma_start3A_8 = tpu.memref_squeeze %dma_start3A_7 : memref<1x80x64xi32, #tpu.memory_space<vmem>> -> memref<80x64xi32, #tpu.memory_space<vmem>>
    %dma_start3A_9 = arith.constant 0 : i32
    %dma_start3A_10 = tpu.memref_slice %arg8[%dma_start3A, %dma_start3A_9] : memref<125x80xi32, #tpu.memory_space<vmem>> -> memref<1x80xi32, #tpu.memory_space<vmem>>
    %dma_start3A_11 = tpu.memref_squeeze %dma_start3A_10 : memref<1x80xi32, #tpu.memory_space<vmem>> -> memref<80xi32, #tpu.memory_space<vmem>>
    %dma_start3A_12 = arith.constant 0 : i32
    %dma_start3A_13 = arith.constant 0 : i32
    %dma_start3A_14 = tpu.memref_slice %arg2[%dma_start3A_12, %dma_start3A_13] : memref<10000x64xi32, #tpu.memory_space<hbm>> -> memref<10000x64xi32, #tpu.memory_space<hbm>>
    %dma_start3A_15 = tpu.memref_slice %arg12[%dma_start3A_4] : memref<2x!tpu.dma_semaphore, #tpu.memory_space<semaphore_mem>> -> memref<1x!tpu.dma_semaphore, #tpu.memory_space<semaphore_mem>>
    %dma_start3A_16 = tpu.memref_squeeze %dma_start3A_15 : memref<1x!tpu.dma_semaphore, #tpu.memory_space<semaphore_mem>> -> memref<!tpu.dma_semaphore, #tpu.memory_space<semaphore_mem>>
    tpu.enqueue_indirect_dma source(%dma_start3A_14 : memref<10000x64xi32, #tpu.memory_space<hbm>>) target(%dma_start3A_8 : memref<80x64xi32, #tpu.memory_space<vmem>>) offsets(%dma_start3A_11 : memref<80xi32, #tpu.memory_space<vmem>>) semaphore(%dma_start3A_16 : memref<!tpu.dma_semaphore, #tpu.memory_space<semaphore_mem>>)
    %dma_start3A_17 = arith.constant 0 : i32
    %dma_start3A_18 = arith.constant 0 : i32
    %dma_start3A_19 = arith.constant 0 : i32
    %dma_start3A_20 = arith.constant 0 : i32
    %dma_start3A_21 = arith.constant 0 : i32
    %dma_start3A_22 = tpu.memref_slice %arg11[%dma_start3A_18, %dma_start3A_20, %dma_start3A_21] : memref<2x80x64xi32, #tpu.memory_space<vmem>> -> memref<1x80x64xi32, #tpu.memory_space<vmem>>
    %dma_start3A_23 = tpu.memref_squeeze %dma_start3A_22 : memref<1x80x64xi32, #tpu.memory_space<vmem>> -> memref<80x64xi32, #tpu.memory_space<vmem>>
    %dma_start3A_24 = arith.constant 0 : i32
    %dma_start3A_25 = tpu.memref_slice %arg9[%dma_start3A_17, %dma_start3A_24] : memref<125x80xi32, #tpu.memory_space<vmem>> -> memref<1x80xi32, #tpu.memory_space<vmem>>
    %dma_start3A_26 = tpu.memref_squeeze %dma_start3A_25 : memref<1x80xi32, #tpu.memory_space<vmem>> -> memref<80xi32, #tpu.memory_space<vmem>>
    %dma_start3A_27 = arith.constant 0 : i32
    %dma_start3A_28 = arith.constant 0 : i32
    %dma_start3A_29 = tpu.memref_slice %arg3[%dma_start3A_27, %dma_start3A_28] : memref<10000x64xi32, #tpu.memory_space<hbm>> -> memref<10000x64xi32, #tpu.memory_space<hbm>>
    %dma_start3A_30 = tpu.memref_slice %arg13[%dma_start3A_19] : memref<2x!tpu.dma_semaphore, #tpu.memory_space<semaphore_mem>> -> memref<1x!tpu.dma_semaphore, #tpu.memory_space<semaphore_mem>>
    %dma_start3A_31 = tpu.memref_squeeze %dma_start3A_30 : memref<1x!tpu.dma_semaphore, #tpu.memory_space<semaphore_mem>> -> memref<!tpu.dma_semaphore, #tpu.memory_space<semaphore_mem>>
    tpu.enqueue_indirect_dma source(%dma_start3A_29 : memref<10000x64xi32, #tpu.memory_space<hbm>>) target(%dma_start3A_23 : memref<80x64xi32, #tpu.memory_space<vmem>>) offsets(%dma_start3A_26 : memref<80xi32, #tpu.memory_space<vmem>>) semaphore(%dma_start3A_31 : memref<!tpu.dma_semaphore, #tpu.memory_space<semaphore_mem>>)
    %scan3A = arith.constant 0 : i32
    %scan3A_32 = arith.constant 0 : i32
    %scan3A_33 = arith.constant 125 : i32
    %scan3A_34 = arith.addi %scan3A_32, %scan3A_33 : i32
    %scan3A_35 = arith.constant 1 : i32
    scf.for %scan3A_108 = %scan3A_32 to %scan3A_34 step %scan3A_35  : i32 {
      %rem3A = arith.constant 2 : i32
      %rem3A_109 = arith.remsi %scan3A_108, %rem3A : i32
      %sub3A = arith.constant 1 : i32
      %sub3A_110 = arith.subi %sub3A, %rem3A_109 : i32
      %add3A_111 = arith.constant 1 : i32
      %add3A_112 = arith.addi %scan3A_108, %add3A_111 : i32
      %lt3A = arith.constant 125 : i32
      %lt3A_113 = arith.cmpi slt, %add3A_112, %lt3A : i32
      %convert_element_type3A = arith.extui %lt3A_113 : i1 to i32
      %cond3A = arith.constant 0 : i32
      %cond3A_114 = arith.cmpi ne, %convert_element_type3A, %cond3A : i32
      scf.if %cond3A_114 {
        %ge3A = arith.constant 1 : i32
        %ge3A_173 = arith.cmpi sge, %scan3A_108, %ge3A : i32
        %convert_element_type3A_174 = arith.extui %ge3A_173 : i1 to i32
        %cond3A_175 = arith.constant 0 : i32
        %cond3A_176 = arith.cmpi ne, %convert_element_type3A_174, %cond3A_175 : i32
        scf.if %cond3A_176 {
          %sub3A_205 = arith.constant 1 : i32
          %sub3A_206 = arith.subi %scan3A_108, %sub3A_205 : i32
          %mul3A_207 = arith.constant 80 : i32
          %mul3A_208 = arith.muli %sub3A_206, %mul3A_207 : i32
          %add3A_209 = arith.addi %mul3A_2, %mul3A_208 : i32
          %dma_wait3A_210 = arith.constant 0 : i32
          %dma_wait3A_211 = arith.constant 0 : i32
          %dma_wait3A_212 = tpu.memref_slice %arg10[%sub3A_110, %dma_wait3A_210, %dma_wait3A_211] : memref<2x80x64xi32, #tpu.memory_space<vmem>> -> memref<1x80x64xi32, #tpu.memory_space<vmem>>
          %dma_wait3A_213 = tpu.memref_squeeze %dma_wait3A_212 : memref<1x80x64xi32, #tpu.memory_space<vmem>> -> memref<80x64xi32, #tpu.memory_space<vmem>>
          %dma_wait3A_214 = arith.constant 0 : i32
          %dma_wait3A_215 = tpu.memref_slice %arg6[%add3A_209, %dma_wait3A_214] : memref<320000x64xi32, #tpu.memory_space<hbm>> -> memref<80x64xi32, #tpu.memory_space<hbm>>
          %dma_wait3A_216 = tpu.memref_slice %arg14[%sub3A_110] : memref<2x!tpu.dma_semaphore, #tpu.memory_space<semaphore_mem>> -> memref<1x!tpu.dma_semaphore, #tpu.memory_space<semaphore_mem>>
          %dma_wait3A_217 = tpu.memref_squeeze %dma_wait3A_216 : memref<1x!tpu.dma_semaphore, #tpu.memory_space<semaphore_mem>> -> memref<!tpu.dma_semaphore, #tpu.memory_space<semaphore_mem>>
          %dma_wait3A_218 = arith.constant 0 : i32
          %dma_wait3A_219 = tpu.memref_slice %arg6[%add3A_209, %dma_wait3A_218] : memref<320000x64xi32, #tpu.memory_space<hbm>> -> memref<80x64xi32, #tpu.memory_space<hbm>>
          %dma_wait3A_220 = arith.constant 0 : i32
          %dma_wait3A_221 = arith.constant 0 : i32
          %dma_wait3A_222 = tpu.memref_slice %arg10[%sub3A_110, %dma_wait3A_220, %dma_wait3A_221] : memref<2x80x64xi32, #tpu.memory_space<vmem>> -> memref<1x80x64xi32, #tpu.memory_space<vmem>>
          %dma_wait3A_223 = tpu.memref_squeeze %dma_wait3A_222 : memref<1x80x64xi32, #tpu.memory_space<vmem>> -> memref<80x64xi32, #tpu.memory_space<vmem>>
          tpu.wait_dma2 semaphore(%dma_wait3A_217 : memref<!tpu.dma_semaphore, #tpu.memory_space<semaphore_mem>>) src(%dma_wait3A_223 : memref<80x64xi32, #tpu.memory_space<vmem>>) dst(%dma_wait3A_219 : memref<80x64xi32, #tpu.memory_space<hbm>>)
          %sub3A_224 = arith.constant 1 : i32
          %sub3A_225 = arith.subi %scan3A_108, %sub3A_224 : i32
          %mul3A_226 = arith.constant 80 : i32
          %mul3A_227 = arith.muli %sub3A_225, %mul3A_226 : i32
          %add3A_228 = arith.addi %mul3A_2, %mul3A_227 : i32
          %dma_wait3A_229 = arith.constant 0 : i32
          %dma_wait3A_230 = arith.constant 0 : i32
          %dma_wait3A_231 = tpu.memref_slice %arg11[%sub3A_110, %dma_wait3A_229, %dma_wait3A_230] : memref<2x80x64xi32, #tpu.memory_space<vmem>> -> memref<1x80x64xi32, #tpu.memory_space<vmem>>
          %dma_wait3A_232 = tpu.memref_squeeze %dma_wait3A_231 : memref<1x80x64xi32, #tpu.memory_space<vmem>> -> memref<80x64xi32, #tpu.memory_space<vmem>>
          %dma_wait3A_233 = arith.constant 0 : i32
          %dma_wait3A_234 = tpu.memref_slice %arg7[%add3A_228, %dma_wait3A_233] : memref<320000x64xi32, #tpu.memory_space<hbm>> -> memref<80x64xi32, #tpu.memory_space<hbm>>
          %dma_wait3A_235 = tpu.memref_slice %arg15[%sub3A_110] : memref<2x!tpu.dma_semaphore, #tpu.memory_space<semaphore_mem>> -> memref<1x!tpu.dma_semaphore, #tpu.memory_space<semaphore_mem>>
          %dma_wait3A_236 = tpu.memref_squeeze %dma_wait3A_235 : memref<1x!tpu.dma_semaphore, #tpu.memory_space<semaphore_mem>> -> memref<!tpu.dma_semaphore, #tpu.memory_space<semaphore_mem>>
          %dma_wait3A_237 = arith.constant 0 : i32
          %dma_wait3A_238 = tpu.memref_slice %arg7[%add3A_228, %dma_wait3A_237] : memref<320000x64xi32, #tpu.memory_space<hbm>> -> memref<80x64xi32, #tpu.memory_space<hbm>>
          %dma_wait3A_239 = arith.constant 0 : i32
          %dma_wait3A_240 = arith.constant 0 : i32
          %dma_wait3A_241 = tpu.memref_slice %arg11[%sub3A_110, %dma_wait3A_239, %dma_wait3A_240] : memref<2x80x64xi32, #tpu.memory_space<vmem>> -> memref<1x80x64xi32, #tpu.memory_space<vmem>>
          %dma_wait3A_242 = tpu.memref_squeeze %dma_wait3A_241 : memref<1x80x64xi32, #tpu.memory_space<vmem>> -> memref<80x64xi32, #tpu.memory_space<vmem>>
          tpu.wait_dma2 semaphore(%dma_wait3A_236 : memref<!tpu.dma_semaphore, #tpu.memory_space<semaphore_mem>>) src(%dma_wait3A_242 : memref<80x64xi32, #tpu.memory_space<vmem>>) dst(%dma_wait3A_238 : memref<80x64xi32, #tpu.memory_space<hbm>>)
        } else {
        }
        %add3A_177 = arith.constant 1 : i32
        %add3A_178 = arith.addi %scan3A_108, %add3A_177 : i32
        %dma_start3A_179 = arith.constant 0 : i32
        %dma_start3A_180 = arith.constant 0 : i32
        %dma_start3A_181 = tpu.memref_slice %arg10[%sub3A_110, %dma_start3A_179, %dma_start3A_180] : memref<2x80x64xi32, #tpu.memory_space<vmem>> -> memref<1x80x64xi32, #tpu.memory_space<vmem>>
        %dma_start3A_182 = tpu.memref_squeeze %dma_start3A_181 : memref<1x80x64xi32, #tpu.memory_space<vmem>> -> memref<80x64xi32, #tpu.memory_space<vmem>>
        %dma_start3A_183 = arith.constant 0 : i32
        %dma_start3A_184 = tpu.memref_slice %arg8[%add3A_178, %dma_start3A_183] : memref<125x80xi32, #tpu.memory_space<vmem>> -> memref<1x80xi32, #tpu.memory_space<vmem>>
        %dma_start3A_185 = tpu.memref_squeeze %dma_start3A_184 : memref<1x80xi32, #tpu.memory_space<vmem>> -> memref<80xi32, #tpu.memory_space<vmem>>
        %dma_start3A_186 = arith.constant 0 : i32
        %dma_start3A_187 = arith.constant 0 : i32
        %dma_start3A_188 = tpu.memref_slice %arg2[%dma_start3A_186, %dma_start3A_187] : memref<10000x64xi32, #tpu.memory_space<hbm>> -> memref<10000x64xi32, #tpu.memory_space<hbm>>
        %dma_start3A_189 = tpu.memref_slice %arg12[%sub3A_110] : memref<2x!tpu.dma_semaphore, #tpu.memory_space<semaphore_mem>> -> memref<1x!tpu.dma_semaphore, #tpu.memory_space<semaphore_mem>>
        %dma_start3A_190 = tpu.memref_squeeze %dma_start3A_189 : memref<1x!tpu.dma_semaphore, #tpu.memory_space<semaphore_mem>> -> memref<!tpu.dma_semaphore, #tpu.memory_space<semaphore_mem>>
        tpu.enqueue_indirect_dma source(%dma_start3A_188 : memref<10000x64xi32, #tpu.memory_space<hbm>>) target(%dma_start3A_182 : memref<80x64xi32, #tpu.memory_space<vmem>>) offsets(%dma_start3A_185 : memref<80xi32, #tpu.memory_space<vmem>>) semaphore(%dma_start3A_190 : memref<!tpu.dma_semaphore, #tpu.memory_space<semaphore_mem>>)
        %add3A_191 = arith.constant 1 : i32
        %add3A_192 = arith.addi %scan3A_108, %add3A_191 : i32
        %dma_start3A_193 = arith.constant 0 : i32
        %dma_start3A_194 = arith.constant 0 : i32
        %dma_start3A_195 = tpu.memref_slice %arg11[%sub3A_110, %dma_start3A_193, %dma_start3A_194] : memref<2x80x64xi32, #tpu.memory_space<vmem>> -> memref<1x80x64xi32, #tpu.memory_space<vmem>>
        %dma_start3A_196 = tpu.memref_squeeze %dma_start3A_195 : memref<1x80x64xi32, #tpu.memory_space<vmem>> -> memref<80x64xi32, #tpu.memory_space<vmem>>
        %dma_start3A_197 = arith.constant 0 : i32
        %dma_start3A_198 = tpu.memref_slice %arg9[%add3A_192, %dma_start3A_197] : memref<125x80xi32, #tpu.memory_space<vmem>> -> memref<1x80xi32, #tpu.memory_space<vmem>>
        %dma_start3A_199 = tpu.memref_squeeze %dma_start3A_198 : memref<1x80xi32, #tpu.memory_space<vmem>> -> memref<80xi32, #tpu.memory_space<vmem>>
        %dma_start3A_200 = arith.constant 0 : i32
        %dma_start3A_201 = arith.constant 0 : i32
        %dma_start3A_202 = tpu.memref_slice %arg3[%dma_start3A_200, %dma_start3A_201] : memref<10000x64xi32, #tpu.memory_space<hbm>> -> memref<10000x64xi32, #tpu.memory_space<hbm>>
        %dma_start3A_203 = tpu.memref_slice %arg13[%sub3A_110] : memref<2x!tpu.dma_semaphore, #tpu.memory_space<semaphore_mem>> -> memref<1x!tpu.dma_semaphore, #tpu.memory_space<semaphore_mem>>
        %dma_start3A_204 = tpu.memref_squeeze %dma_start3A_203 : memref<1x!tpu.dma_semaphore, #tpu.memory_space<semaphore_mem>> -> memref<!tpu.dma_semaphore, #tpu.memory_space<semaphore_mem>>
        tpu.enqueue_indirect_dma source(%dma_start3A_202 : memref<10000x64xi32, #tpu.memory_space<hbm>>) target(%dma_start3A_196 : memref<80x64xi32, #tpu.memory_space<vmem>>) offsets(%dma_start3A_199 : memref<80xi32, #tpu.memory_space<vmem>>) semaphore(%dma_start3A_204 : memref<!tpu.dma_semaphore, #tpu.memory_space<semaphore_mem>>)
      } else {
      }
      %dma_wait3A_115 = arith.constant 0 : i32
      %dma_wait3A_116 = arith.constant 0 : i32
      %dma_wait3A_117 = tpu.memref_slice %arg10[%rem3A_109, %dma_wait3A_115, %dma_wait3A_116] : memref<2x80x64xi32, #tpu.memory_space<vmem>> -> memref<1x80x64xi32, #tpu.memory_space<vmem>>
      %dma_wait3A_118 = tpu.memref_squeeze %dma_wait3A_117 : memref<1x80x64xi32, #tpu.memory_space<vmem>> -> memref<80x64xi32, #tpu.memory_space<vmem>>
      %dma_wait3A_119 = arith.constant 0 : i32
      %dma_wait3A_120 = tpu.memref_slice %arg8[%scan3A_108, %dma_wait3A_119] : memref<125x80xi32, #tpu.memory_space<vmem>> -> memref<1x80xi32, #tpu.memory_space<vmem>>
      %dma_wait3A_121 = tpu.memref_squeeze %dma_wait3A_120 : memref<1x80xi32, #tpu.memory_space<vmem>> -> memref<80xi32, #tpu.memory_space<vmem>>
      %dma_wait3A_122 = arith.constant 0 : i32
      %dma_wait3A_123 = arith.constant 0 : i32
      %dma_wait3A_124 = tpu.memref_slice %arg2[%dma_wait3A_122, %dma_wait3A_123] : memref<10000x64xi32, #tpu.memory_space<hbm>> -> memref<10000x64xi32, #tpu.memory_space<hbm>>
      %dma_wait3A_125 = tpu.memref_slice %arg12[%rem3A_109] : memref<2x!tpu.dma_semaphore, #tpu.memory_space<semaphore_mem>> -> memref<1x!tpu.dma_semaphore, #tpu.memory_space<semaphore_mem>>
      %dma_wait3A_126 = tpu.memref_squeeze %dma_wait3A_125 : memref<1x!tpu.dma_semaphore, #tpu.memory_space<semaphore_mem>> -> memref<!tpu.dma_semaphore, #tpu.memory_space<semaphore_mem>>
      tpu.wait_indirect_dma semaphore(%dma_wait3A_126 : memref<!tpu.dma_semaphore, #tpu.memory_space<semaphore_mem>>) src(%dma_wait3A_124 : memref<10000x64xi32, #tpu.memory_space<hbm>>) dst(%dma_wait3A_118 : memref<80x64xi32, #tpu.memory_space<vmem>>)
      %mul3A_127 = arith.constant 80 : i32
      %mul3A_128 = arith.muli %scan3A_108, %mul3A_127 : i32
      %add3A_129 = arith.addi %mul3A_2, %mul3A_128 : i32
      %dma_start3A_130 = arith.constant 0 : i32
      %dma_start3A_131 = arith.constant 0 : i32
      %dma_start3A_132 = tpu.memref_slice %arg10[%rem3A_109, %dma_start3A_130, %dma_start3A_131] : memref<2x80x64xi32, #tpu.memory_space<vmem>> -> memref<1x80x64xi32, #tpu.memory_space<vmem>>
      %dma_start3A_133 = tpu.memref_squeeze %dma_start3A_132 : memref<1x80x64xi32, #tpu.memory_space<vmem>> -> memref<80x64xi32, #tpu.memory_space<vmem>>
      %dma_start3A_134 = arith.constant 0 : i32
      %dma_start3A_135 = tpu.memref_slice %arg6[%add3A_129, %dma_start3A_134] : memref<320000x64xi32, #tpu.memory_space<hbm>> -> memref<80x64xi32, #tpu.memory_space<hbm>>
      %dma_start3A_136 = tpu.memref_slice %arg14[%rem3A_109] : memref<2x!tpu.dma_semaphore, #tpu.memory_space<semaphore_mem>> -> memref<1x!tpu.dma_semaphore, #tpu.memory_space<semaphore_mem>>
      %dma_start3A_137 = tpu.memref_squeeze %dma_start3A_136 : memref<1x!tpu.dma_semaphore, #tpu.memory_space<semaphore_mem>> -> memref<!tpu.dma_semaphore, #tpu.memory_space<semaphore_mem>>
      %dma_start3A_138 = arith.constant 0 : i32
      %dma_start3A_139 = tpu.memref_slice %arg6[%add3A_129, %dma_start3A_138] : memref<320000x64xi32, #tpu.memory_space<hbm>> -> memref<80x64xi32, #tpu.memory_space<hbm>>
      %dma_start3A_140 = arith.constant 0 : i32
      %dma_start3A_141 = arith.constant 0 : i32
      %dma_start3A_142 = tpu.memref_slice %arg10[%rem3A_109, %dma_start3A_140, %dma_start3A_141] : memref<2x80x64xi32, #tpu.memory_space<vmem>> -> memref<1x80x64xi32, #tpu.memory_space<vmem>>
      %dma_start3A_143 = tpu.memref_squeeze %dma_start3A_142 : memref<1x80x64xi32, #tpu.memory_space<vmem>> -> memref<80x64xi32, #tpu.memory_space<vmem>>
      tpu.enqueue_dma source(%dma_start3A_143 : memref<80x64xi32, #tpu.memory_space<vmem>>) target(%dma_start3A_139 : memref<80x64xi32, #tpu.memory_space<hbm>>) target_semaphore(%dma_start3A_137 : memref<!tpu.dma_semaphore, #tpu.memory_space<semaphore_mem>>)
      %dma_wait3A_144 = arith.constant 0 : i32
      %dma_wait3A_145 = arith.constant 0 : i32
      %dma_wait3A_146 = tpu.memref_slice %arg11[%rem3A_109, %dma_wait3A_144, %dma_wait3A_145] : memref<2x80x64xi32, #tpu.memory_space<vmem>> -> memref<1x80x64xi32, #tpu.memory_space<vmem>>
      %dma_wait3A_147 = tpu.memref_squeeze %dma_wait3A_146 : memref<1x80x64xi32, #tpu.memory_space<vmem>> -> memref<80x64xi32, #tpu.memory_space<vmem>>
      %dma_wait3A_148 = arith.constant 0 : i32
      %dma_wait3A_149 = tpu.memref_slice %arg9[%scan3A_108, %dma_wait3A_148] : memref<125x80xi32, #tpu.memory_space<vmem>> -> memref<1x80xi32, #tpu.memory_space<vmem>>
      %dma_wait3A_150 = tpu.memref_squeeze %dma_wait3A_149 : memref<1x80xi32, #tpu.memory_space<vmem>> -> memref<80xi32, #tpu.memory_space<vmem>>
      %dma_wait3A_151 = arith.constant 0 : i32
      %dma_wait3A_152 = arith.constant 0 : i32
      %dma_wait3A_153 = tpu.memref_slice %arg3[%dma_wait3A_151, %dma_wait3A_152] : memref<10000x64xi32, #tpu.memory_space<hbm>> -> memref<10000x64xi32, #tpu.memory_space<hbm>>
      %dma_wait3A_154 = tpu.memref_slice %arg13[%rem3A_109] : memref<2x!tpu.dma_semaphore, #tpu.memory_space<semaphore_mem>> -> memref<1x!tpu.dma_semaphore, #tpu.memory_space<semaphore_mem>>
      %dma_wait3A_155 = tpu.memref_squeeze %dma_wait3A_154 : memref<1x!tpu.dma_semaphore, #tpu.memory_space<semaphore_mem>> -> memref<!tpu.dma_semaphore, #tpu.memory_space<semaphore_mem>>
      tpu.wait_indirect_dma semaphore(%dma_wait3A_155 : memref<!tpu.dma_semaphore, #tpu.memory_space<semaphore_mem>>) src(%dma_wait3A_153 : memref<10000x64xi32, #tpu.memory_space<hbm>>) dst(%dma_wait3A_147 : memref<80x64xi32, #tpu.memory_space<vmem>>)
      %mul3A_156 = arith.constant 80 : i32
      %mul3A_157 = arith.muli %scan3A_108, %mul3A_156 : i32
      %add3A_158 = arith.addi %mul3A_2, %mul3A_157 : i32
      %dma_start3A_159 = arith.constant 0 : i32
      %dma_start3A_160 = arith.constant 0 : i32
      %dma_start3A_161 = tpu.memref_slice %arg11[%rem3A_109, %dma_start3A_159, %dma_start3A_160] : memref<2x80x64xi32, #tpu.memory_space<vmem>> -> memref<1x80x64xi32, #tpu.memory_space<vmem>>
      %dma_start3A_162 = tpu.memref_squeeze %dma_start3A_161 : memref<1x80x64xi32, #tpu.memory_space<vmem>> -> memref<80x64xi32, #tpu.memory_space<vmem>>
      %dma_start3A_163 = arith.constant 0 : i32
      %dma_start3A_164 = tpu.memref_slice %arg7[%add3A_158, %dma_start3A_163] : memref<320000x64xi32, #tpu.memory_space<hbm>> -> memref<80x64xi32, #tpu.memory_space<hbm>>
      %dma_start3A_165 = tpu.memref_slice %arg15[%rem3A_109] : memref<2x!tpu.dma_semaphore, #tpu.memory_space<semaphore_mem>> -> memref<1x!tpu.dma_semaphore, #tpu.memory_space<semaphore_mem>>
      %dma_start3A_166 = tpu.memref_squeeze %dma_start3A_165 : memref<1x!tpu.dma_semaphore, #tpu.memory_space<semaphore_mem>> -> memref<!tpu.dma_semaphore, #tpu.memory_space<semaphore_mem>>
      %dma_start3A_167 = arith.constant 0 : i32
      %dma_start3A_168 = tpu.memref_slice %arg7[%add3A_158, %dma_start3A_167] : memref<320000x64xi32, #tpu.memory_space<hbm>> -> memref<80x64xi32, #tpu.memory_space<hbm>>
      %dma_start3A_169 = arith.constant 0 : i32
      %dma_start3A_170 = arith.constant 0 : i32
      %dma_start3A_171 = tpu.memref_slice %arg11[%rem3A_109, %dma_start3A_169, %dma_start3A_170] : memref<2x80x64xi32, #tpu.memory_space<vmem>> -> memref<1x80x64xi32, #tpu.memory_space<vmem>>
      %dma_start3A_172 = tpu.memref_squeeze %dma_start3A_171 : memref<1x80x64xi32, #tpu.memory_space<vmem>> -> memref<80x64xi32, #tpu.memory_space<vmem>>
      tpu.enqueue_dma source(%dma_start3A_172 : memref<80x64xi32, #tpu.memory_space<vmem>>) target(%dma_start3A_168 : memref<80x64xi32, #tpu.memory_space<hbm>>) target_semaphore(%dma_start3A_166 : memref<!tpu.dma_semaphore, #tpu.memory_space<semaphore_mem>>)
    }
    %scan3A_36 = arith.constant 125 : i32
    %add3A_37 = arith.constant 9840 : i32
    %add3A_38 = arith.addi %mul3A_2, %add3A_37 : i32
    %dma_wait3A = arith.constant 1 : i32
    %dma_wait3A_39 = arith.constant 1 : i32
    %dma_wait3A_40 = arith.constant 0 : i32
    %dma_wait3A_41 = arith.constant 0 : i32
    %dma_wait3A_42 = tpu.memref_slice %arg10[%dma_wait3A, %dma_wait3A_40, %dma_wait3A_41] : memref<2x80x64xi32, #tpu.memory_space<vmem>> -> memref<1x80x64xi32, #tpu.memory_space<vmem>>
    %dma_wait3A_43 = tpu.memref_squeeze %dma_wait3A_42 : memref<1x80x64xi32, #tpu.memory_space<vmem>> -> memref<80x64xi32, #tpu.memory_space<vmem>>
    %dma_wait3A_44 = arith.constant 0 : i32
    %dma_wait3A_45 = tpu.memref_slice %arg6[%add3A_38, %dma_wait3A_44] : memref<320000x64xi32, #tpu.memory_space<hbm>> -> memref<80x64xi32, #tpu.memory_space<hbm>>
    %dma_wait3A_46 = tpu.memref_slice %arg14[%dma_wait3A_39] : memref<2x!tpu.dma_semaphore, #tpu.memory_space<semaphore_mem>> -> memref<1x!tpu.dma_semaphore, #tpu.memory_space<semaphore_mem>>
    %dma_wait3A_47 = tpu.memref_squeeze %dma_wait3A_46 : memref<1x!tpu.dma_semaphore, #tpu.memory_space<semaphore_mem>> -> memref<!tpu.dma_semaphore, #tpu.memory_space<semaphore_mem>>
    %dma_wait3A_48 = arith.constant 0 : i32
    %dma_wait3A_49 = tpu.memref_slice %arg6[%add3A_38, %dma_wait3A_48] : memref<320000x64xi32, #tpu.memory_space<hbm>> -> memref<80x64xi32, #tpu.memory_space<hbm>>
    %dma_wait3A_50 = arith.constant 0 : i32
    %dma_wait3A_51 = arith.constant 0 : i32
    %dma_wait3A_52 = tpu.memref_slice %arg10[%dma_wait3A, %dma_wait3A_50, %dma_wait3A_51] : memref<2x80x64xi32, #tpu.memory_space<vmem>> -> memref<1x80x64xi32, #tpu.memory_space<vmem>>
    %dma_wait3A_53 = tpu.memref_squeeze %dma_wait3A_52 : memref<1x80x64xi32, #tpu.memory_space<vmem>> -> memref<80x64xi32, #tpu.memory_space<vmem>>
    tpu.wait_dma2 semaphore(%dma_wait3A_47 : memref<!tpu.dma_semaphore, #tpu.memory_space<semaphore_mem>>) src(%dma_wait3A_53 : memref<80x64xi32, #tpu.memory_space<vmem>>) dst(%dma_wait3A_49 : memref<80x64xi32, #tpu.memory_space<hbm>>)
    %add3A_54 = arith.constant 9840 : i32
    %add3A_55 = arith.addi %mul3A_2, %add3A_54 : i32
    %dma_wait3A_56 = arith.constant 1 : i32
    %dma_wait3A_57 = arith.constant 1 : i32
    %dma_wait3A_58 = arith.constant 0 : i32
    %dma_wait3A_59 = arith.constant 0 : i32
    %dma_wait3A_60 = tpu.memref_slice %arg11[%dma_wait3A_56, %dma_wait3A_58, %dma_wait3A_59] : memref<2x80x64xi32, #tpu.memory_space<vmem>> -> memref<1x80x64xi32, #tpu.memory_space<vmem>>
    %dma_wait3A_61 = tpu.memref_squeeze %dma_wait3A_60 : memref<1x80x64xi32, #tpu.memory_space<vmem>> -> memref<80x64xi32, #tpu.memory_space<vmem>>
    %dma_wait3A_62 = arith.constant 0 : i32
    %dma_wait3A_63 = tpu.memref_slice %arg7[%add3A_55, %dma_wait3A_62] : memref<320000x64xi32, #tpu.memory_space<hbm>> -> memref<80x64xi32, #tpu.memory_space<hbm>>
    %dma_wait3A_64 = tpu.memref_slice %arg15[%dma_wait3A_57] : memref<2x!tpu.dma_semaphore, #tpu.memory_space<semaphore_mem>> -> memref<1x!tpu.dma_semaphore, #tpu.memory_space<semaphore_mem>>
    %dma_wait3A_65 = tpu.memref_squeeze %dma_wait3A_64 : memref<1x!tpu.dma_semaphore, #tpu.memory_space<semaphore_mem>> -> memref<!tpu.dma_semaphore, #tpu.memory_space<semaphore_mem>>
    %dma_wait3A_66 = arith.constant 0 : i32
    %dma_wait3A_67 = tpu.memref_slice %arg7[%add3A_55, %dma_wait3A_66] : memref<320000x64xi32, #tpu.memory_space<hbm>> -> memref<80x64xi32, #tpu.memory_space<hbm>>
    %dma_wait3A_68 = arith.constant 0 : i32
    %dma_wait3A_69 = arith.constant 0 : i32
    %dma_wait3A_70 = tpu.memref_slice %arg11[%dma_wait3A_56, %dma_wait3A_68, %dma_wait3A_69] : memref<2x80x64xi32, #tpu.memory_space<vmem>> -> memref<1x80x64xi32, #tpu.memory_space<vmem>>
    %dma_wait3A_71 = tpu.memref_squeeze %dma_wait3A_70 : memref<1x80x64xi32, #tpu.memory_space<vmem>> -> memref<80x64xi32, #tpu.memory_space<vmem>>
    tpu.wait_dma2 semaphore(%dma_wait3A_65 : memref<!tpu.dma_semaphore, #tpu.memory_space<semaphore_mem>>) src(%dma_wait3A_71 : memref<80x64xi32, #tpu.memory_space<vmem>>) dst(%dma_wait3A_67 : memref<80x64xi32, #tpu.memory_space<hbm>>)
    %add3A_72 = arith.constant 9920 : i32
    %add3A_73 = arith.addi %mul3A_2, %add3A_72 : i32
    %dma_wait3A_74 = arith.constant 0 : i32
    %dma_wait3A_75 = arith.constant 0 : i32
    %dma_wait3A_76 = arith.constant 0 : i32
    %dma_wait3A_77 = arith.constant 0 : i32
    %dma_wait3A_78 = tpu.memref_slice %arg10[%dma_wait3A_74, %dma_wait3A_76, %dma_wait3A_77] : memref<2x80x64xi32, #tpu.memory_space<vmem>> -> memref<1x80x64xi32, #tpu.memory_space<vmem>>
    %dma_wait3A_79 = tpu.memref_squeeze %dma_wait3A_78 : memref<1x80x64xi32, #tpu.memory_space<vmem>> -> memref<80x64xi32, #tpu.memory_space<vmem>>
    %dma_wait3A_80 = arith.constant 0 : i32
    %dma_wait3A_81 = tpu.memref_slice %arg6[%add3A_73, %dma_wait3A_80] : memref<320000x64xi32, #tpu.memory_space<hbm>> -> memref<80x64xi32, #tpu.memory_space<hbm>>
    %dma_wait3A_82 = tpu.memref_slice %arg14[%dma_wait3A_75] : memref<2x!tpu.dma_semaphore, #tpu.memory_space<semaphore_mem>> -> memref<1x!tpu.dma_semaphore, #tpu.memory_space<semaphore_mem>>
    %dma_wait3A_83 = tpu.memref_squeeze %dma_wait3A_82 : memref<1x!tpu.dma_semaphore, #tpu.memory_space<semaphore_mem>> -> memref<!tpu.dma_semaphore, #tpu.memory_space<semaphore_mem>>
    %dma_wait3A_84 = arith.constant 0 : i32
    %dma_wait3A_85 = tpu.memref_slice %arg6[%add3A_73, %dma_wait3A_84] : memref<320000x64xi32, #tpu.memory_space<hbm>> -> memref<80x64xi32, #tpu.memory_space<hbm>>
    %dma_wait3A_86 = arith.constant 0 : i32
    %dma_wait3A_87 = arith.constant 0 : i32
    %dma_wait3A_88 = tpu.memref_slice %arg10[%dma_wait3A_74, %dma_wait3A_86, %dma_wait3A_87] : memref<2x80x64xi32, #tpu.memory_space<vmem>> -> memref<1x80x64xi32, #tpu.memory_space<vmem>>
    %dma_wait3A_89 = tpu.memref_squeeze %dma_wait3A_88 : memref<1x80x64xi32, #tpu.memory_space<vmem>> -> memref<80x64xi32, #tpu.memory_space<vmem>>
    tpu.wait_dma2 semaphore(%dma_wait3A_83 : memref<!tpu.dma_semaphore, #tpu.memory_space<semaphore_mem>>) src(%dma_wait3A_89 : memref<80x64xi32, #tpu.memory_space<vmem>>) dst(%dma_wait3A_85 : memref<80x64xi32, #tpu.memory_space<hbm>>)
    %add3A_90 = arith.constant 9920 : i32
    %add3A_91 = arith.addi %mul3A_2, %add3A_90 : i32
    %dma_wait3A_92 = arith.constant 0 : i32
    %dma_wait3A_93 = arith.constant 0 : i32
    %dma_wait3A_94 = arith.constant 0 : i32
    %dma_wait3A_95 = arith.constant 0 : i32
    %dma_wait3A_96 = tpu.memref_slice %arg11[%dma_wait3A_92, %dma_wait3A_94, %dma_wait3A_95] : memref<2x80x64xi32, #tpu.memory_space<vmem>> -> memref<1x80x64xi32, #tpu.memory_space<vmem>>
    %dma_wait3A_97 = tpu.memref_squeeze %dma_wait3A_96 : memref<1x80x64xi32, #tpu.memory_space<vmem>> -> memref<80x64xi32, #tpu.memory_space<vmem>>
    %dma_wait3A_98 = arith.constant 0 : i32
    %dma_wait3A_99 = tpu.memref_slice %arg7[%add3A_91, %dma_wait3A_98] : memref<320000x64xi32, #tpu.memory_space<hbm>> -> memref<80x64xi32, #tpu.memory_space<hbm>>
    %dma_wait3A_100 = tpu.memref_slice %arg15[%dma_wait3A_93] : memref<2x!tpu.dma_semaphore, #tpu.memory_space<semaphore_mem>> -> memref<1x!tpu.dma_semaphore, #tpu.memory_space<semaphore_mem>>
    %dma_wait3A_101 = tpu.memref_squeeze %dma_wait3A_100 : memref<1x!tpu.dma_semaphore, #tpu.memory_space<semaphore_mem>> -> memref<!tpu.dma_semaphore, #tpu.memory_space<semaphore_mem>>
    %dma_wait3A_102 = arith.constant 0 : i32
    %dma_wait3A_103 = tpu.memref_slice %arg7[%add3A_91, %dma_wait3A_102] : memref<320000x64xi32, #tpu.memory_space<hbm>> -> memref<80x64xi32, #tpu.memory_space<hbm>>
    %dma_wait3A_104 = arith.constant 0 : i32
    %dma_wait3A_105 = arith.constant 0 : i32
    %dma_wait3A_106 = tpu.memref_slice %arg11[%dma_wait3A_92, %dma_wait3A_104, %dma_wait3A_105] : memref<2x80x64xi32, #tpu.memory_space<vmem>> -> memref<1x80x64xi32, #tpu.memory_space<vmem>>
    %dma_wait3A_107 = tpu.memref_squeeze %dma_wait3A_106 : memref<1x80x64xi32, #tpu.memory_space<vmem>> -> memref<80x64xi32, #tpu.memory_space<vmem>>
    tpu.wait_dma2 semaphore(%dma_wait3A_101 : memref<!tpu.dma_semaphore, #tpu.memory_space<semaphore_mem>>) src(%dma_wait3A_107 : memref<80x64xi32, #tpu.memory_space<vmem>>) dst(%dma_wait3A_103 : memref<80x64xi32, #tpu.memory_space<hbm>>)
    return
  }
}

#map = affine_map<(d0, d1) -> (0, 0)>
#map1 = affine_map<(d0, d1) -> (0, 0, 0)>
module attributes {stable_mosaic.version = 14 : i64} {
  func.func @sc_scatter_add(%arg0: i32, %arg1: i32, %arg2: memref<320000x128xf32, #tpu.memory_space<hbm>>, %arg3: memref<32x125x80xi32, #tpu.memory_space<hbm>>, %arg4: memref<10000x128xf32, #tpu.memory_space<hbm>>, %arg5: memref<2x10000x128xf32, #tpu.memory_space<hbm>>, %arg6: memref<125x80xi32, #tpu.memory_space<vmem>>, %arg7: memref<2x80x128xf32, #tpu.memory_space<vmem>>, %arg8: memref<10000x128xf32, #tpu.memory_space<vmem_shared>>, %arg9: memref<2x!tpu.dma_semaphore, #tpu.memory_space<semaphore_mem>>, %arg10: memref<2x!tpu.dma_semaphore, #tpu.memory_space<semaphore_mem>>) attributes {dimension_semantics = [#tpu.dimension_semantics<core_parallel>, #tpu.dimension_semantics<subcore_parallel>], iteration_bounds = array<i64: 2, 16>, scalar_prefetch = 0 : i64, scratch_operands = 5 : i64, tpu.core_type = #tpu.core_type<sc_vector_subcore>, window_params = [{transform_indices = #map}, {transform_indices = #map1}, {transform_indices = #map}, {transform_indices = #map1}]} {
    %mul3A = arith.constant 2 : i32
    %mul3A_0 = arith.muli %arg1, %mul3A : i32
    %add3A = arith.addi %mul3A_0, %arg0 : i32
    %mul3A_1 = arith.constant 10000 : i32
    %mul3A_2 = arith.muli %add3A, %mul3A_1 : i32
    %dma_start3A = arith.constant 0 : i32
    %dma_start3A_3 = arith.constant 0 : i32
    %dma_start3A_4 = arith.constant 0 : i32
    %dma_start3A_5 = arith.constant 0 : i32
    %dma_start3A_6 = tpu.memref_slice %arg7[%dma_start3A, %dma_start3A_4, %dma_start3A_5] : memref<2x80x128xf32, #tpu.memory_space<vmem>> -> memref<1x80x128xf32, #tpu.memory_space<vmem>>
    %dma_start3A_7 = tpu.memref_squeeze %dma_start3A_6 : memref<1x80x128xf32, #tpu.memory_space<vmem>> -> memref<80x128xf32, #tpu.memory_space<vmem>>
    %dma_start3A_8 = arith.constant 0 : i32
    %dma_start3A_9 = tpu.memref_slice %arg2[%mul3A_2, %dma_start3A_8] : memref<320000x128xf32, #tpu.memory_space<hbm>> -> memref<80x128xf32, #tpu.memory_space<hbm>>
    %dma_start3A_10 = tpu.memref_slice %arg9[%dma_start3A_3] : memref<2x!tpu.dma_semaphore, #tpu.memory_space<semaphore_mem>> -> memref<1x!tpu.dma_semaphore, #tpu.memory_space<semaphore_mem>>
    %dma_start3A_11 = tpu.memref_squeeze %dma_start3A_10 : memref<1x!tpu.dma_semaphore, #tpu.memory_space<semaphore_mem>> -> memref<!tpu.dma_semaphore, #tpu.memory_space<semaphore_mem>>
    %dma_start3A_12 = arith.constant 0 : i32
    %dma_start3A_13 = arith.constant 0 : i32
    %dma_start3A_14 = tpu.memref_slice %arg7[%dma_start3A, %dma_start3A_12, %dma_start3A_13] : memref<2x80x128xf32, #tpu.memory_space<vmem>> -> memref<1x80x128xf32, #tpu.memory_space<vmem>>
    %dma_start3A_15 = tpu.memref_squeeze %dma_start3A_14 : memref<1x80x128xf32, #tpu.memory_space<vmem>> -> memref<80x128xf32, #tpu.memory_space<vmem>>
    %dma_start3A_16 = arith.constant 0 : i32
    %dma_start3A_17 = tpu.memref_slice %arg2[%mul3A_2, %dma_start3A_16] : memref<320000x128xf32, #tpu.memory_space<hbm>> -> memref<80x128xf32, #tpu.memory_space<hbm>>
    tpu.enqueue_dma source(%dma_start3A_17 : memref<80x128xf32, #tpu.memory_space<hbm>>) target(%dma_start3A_15 : memref<80x128xf32, #tpu.memory_space<vmem>>) target_semaphore(%dma_start3A_11 : memref<!tpu.dma_semaphore, #tpu.memory_space<semaphore_mem>>)
    "tpu.region"() ({
      %run_scoped3A = tpu.sem_alloc : memref<!tpu.dma_semaphore, #tpu.memory_space<semaphore_mem>>
      %dma_start3A_68 = arith.constant 0 : i32
      %dma_start3A_69 = arith.constant 0 : i32
      %dma_start3A_70 = tpu.memref_slice %arg3[%add3A, %dma_start3A_68, %dma_start3A_69] : memref<32x125x80xi32, #tpu.memory_space<hbm>> -> memref<1x125x80xi32, #tpu.memory_space<hbm>>
      %dma_start3A_71 = tpu.memref_squeeze %dma_start3A_70 : memref<1x125x80xi32, #tpu.memory_space<hbm>> -> memref<125x80xi32, #tpu.memory_space<hbm>>
      %dma_start3A_72 = arith.constant 0 : i32
      %dma_start3A_73 = arith.constant 0 : i32
      %dma_start3A_74 = tpu.memref_slice %arg3[%add3A, %dma_start3A_72, %dma_start3A_73] : memref<32x125x80xi32, #tpu.memory_space<hbm>> -> memref<1x125x80xi32, #tpu.memory_space<hbm>>
      %dma_start3A_75 = tpu.memref_squeeze %dma_start3A_74 : memref<1x125x80xi32, #tpu.memory_space<hbm>> -> memref<125x80xi32, #tpu.memory_space<hbm>>
      tpu.enqueue_dma source(%dma_start3A_75 : memref<125x80xi32, #tpu.memory_space<hbm>>) target(%arg6 : memref<125x80xi32, #tpu.memory_space<vmem>>) target_semaphore(%run_scoped3A : memref<!tpu.dma_semaphore, #tpu.memory_space<semaphore_mem>>)
      %dma_wait3A_76 = arith.constant 0 : i32
      %dma_wait3A_77 = arith.constant 0 : i32
      %dma_wait3A_78 = tpu.memref_slice %arg3[%add3A, %dma_wait3A_76, %dma_wait3A_77] : memref<32x125x80xi32, #tpu.memory_space<hbm>> -> memref<1x125x80xi32, #tpu.memory_space<hbm>>
      %dma_wait3A_79 = tpu.memref_squeeze %dma_wait3A_78 : memref<1x125x80xi32, #tpu.memory_space<hbm>> -> memref<125x80xi32, #tpu.memory_space<hbm>>
      %dma_wait3A_80 = arith.constant 0 : i32
      %dma_wait3A_81 = arith.constant 0 : i32
      %dma_wait3A_82 = tpu.memref_slice %arg3[%add3A, %dma_wait3A_80, %dma_wait3A_81] : memref<32x125x80xi32, #tpu.memory_space<hbm>> -> memref<1x125x80xi32, #tpu.memory_space<hbm>>
      %dma_wait3A_83 = tpu.memref_squeeze %dma_wait3A_82 : memref<1x125x80xi32, #tpu.memory_space<hbm>> -> memref<125x80xi32, #tpu.memory_space<hbm>>
      tpu.wait_dma2 semaphore(%run_scoped3A : memref<!tpu.dma_semaphore, #tpu.memory_space<semaphore_mem>>) src(%dma_wait3A_83 : memref<125x80xi32, #tpu.memory_space<hbm>>) dst(%arg6 : memref<125x80xi32, #tpu.memory_space<vmem>>)
      tpu.yield
    }) : () -> ()
    %mul3A_18 = arith.constant 624 : i32
    %mul3A_19 = arith.muli %arg1, %mul3A_18 : i32
    %mul3A_20 = arith.constant 624 : i32
    %mul3A_21 = arith.muli %arg1, %mul3A_20 : i32
    "tpu.region"() ({
      %run_scoped3A = tpu.sem_alloc : memref<!tpu.dma_semaphore, #tpu.memory_space<semaphore_mem>>
      %dma_start3A_68 = arith.constant 0 : i32
      %dma_start3A_69 = tpu.memref_slice %arg8[%mul3A_21, %dma_start3A_68] : memref<10000x128xf32, #tpu.memory_space<vmem_shared>> -> memref<624x128xf32, #tpu.memory_space<vmem_shared>>
      %dma_start3A_70 = arith.constant 0 : i32
      %dma_start3A_71 = tpu.memref_slice %arg4[%mul3A_19, %dma_start3A_70] : memref<10000x128xf32, #tpu.memory_space<hbm>> -> memref<624x128xf32, #tpu.memory_space<hbm>>
      tpu.enqueue_dma source(%dma_start3A_71 : memref<624x128xf32, #tpu.memory_space<hbm>>) target(%dma_start3A_69 : memref<624x128xf32, #tpu.memory_space<vmem_shared>>) target_semaphore(%run_scoped3A : memref<!tpu.dma_semaphore, #tpu.memory_space<semaphore_mem>>)
      %dma_wait3A_72 = arith.constant 0 : i32
      %dma_wait3A_73 = tpu.memref_slice %arg8[%mul3A_21, %dma_wait3A_72] : memref<10000x128xf32, #tpu.memory_space<vmem_shared>> -> memref<624x128xf32, #tpu.memory_space<vmem_shared>>
      %dma_wait3A_74 = arith.constant 0 : i32
      %dma_wait3A_75 = tpu.memref_slice %arg4[%mul3A_19, %dma_wait3A_74] : memref<10000x128xf32, #tpu.memory_space<hbm>> -> memref<624x128xf32, #tpu.memory_space<hbm>>
      tpu.wait_dma2 semaphore(%run_scoped3A : memref<!tpu.dma_semaphore, #tpu.memory_space<semaphore_mem>>) src(%dma_wait3A_75 : memref<624x128xf32, #tpu.memory_space<hbm>>) dst(%dma_wait3A_73 : memref<624x128xf32, #tpu.memory_space<vmem_shared>>)
      tpu.yield
    }) : () -> ()
    %eq3A = arith.constant 0 : i32
    %eq3A_22 = arith.cmpi eq, %arg1, %eq3A : i32
    %convert_element_type3A = arith.extui %eq3A_22 : i1 to i32
    %cond3A = arith.constant 0 : i32
    %cond3A_23 = arith.cmpi ne, %convert_element_type3A, %cond3A : i32
    scf.if %cond3A_23 {
      "tpu.region"() ({
        %run_scoped3A = tpu.sem_alloc : memref<!tpu.dma_semaphore, #tpu.memory_space<semaphore_mem>>
        %dma_start3A_68 = arith.constant 9984 : i32
        %dma_start3A_69 = arith.constant 0 : i32
        %dma_start3A_70 = tpu.memref_slice %arg8[%dma_start3A_68, %dma_start3A_69] : memref<10000x128xf32, #tpu.memory_space<vmem_shared>> -> memref<16x128xf32, #tpu.memory_space<vmem_shared>>
        %dma_start3A_71 = arith.constant 9984 : i32
        %dma_start3A_72 = arith.constant 0 : i32
        %dma_start3A_73 = tpu.memref_slice %arg4[%dma_start3A_71, %dma_start3A_72] : memref<10000x128xf32, #tpu.memory_space<hbm>> -> memref<16x128xf32, #tpu.memory_space<hbm>>
        tpu.enqueue_dma source(%dma_start3A_73 : memref<16x128xf32, #tpu.memory_space<hbm>>) target(%dma_start3A_70 : memref<16x128xf32, #tpu.memory_space<vmem_shared>>) target_semaphore(%run_scoped3A : memref<!tpu.dma_semaphore, #tpu.memory_space<semaphore_mem>>)
        %dma_wait3A_74 = arith.constant 9984 : i32
        %dma_wait3A_75 = arith.constant 0 : i32
        %dma_wait3A_76 = tpu.memref_slice %arg8[%dma_wait3A_74, %dma_wait3A_75] : memref<10000x128xf32, #tpu.memory_space<vmem_shared>> -> memref<16x128xf32, #tpu.memory_space<vmem_shared>>
        %dma_wait3A_77 = arith.constant 9984 : i32
        %dma_wait3A_78 = arith.constant 0 : i32
        %dma_wait3A_79 = tpu.memref_slice %arg4[%dma_wait3A_77, %dma_wait3A_78] : memref<10000x128xf32, #tpu.memory_space<hbm>> -> memref<16x128xf32, #tpu.memory_space<hbm>>
        tpu.wait_dma2 semaphore(%run_scoped3A : memref<!tpu.dma_semaphore, #tpu.memory_space<semaphore_mem>>) src(%dma_wait3A_79 : memref<16x128xf32, #tpu.memory_space<hbm>>) dst(%dma_wait3A_76 : memref<16x128xf32, #tpu.memory_space<vmem_shared>>)
        tpu.yield
      }) : () -> ()
    } else {
    }
    %barrier3A = arith.constant 0 : index
    tpu.barrier barrier_id(%barrier3A)
    %scan3A = arith.constant 0 : i32
    %scan3A_24 = arith.constant 0 : i32
    %scan3A_25 = arith.constant 125 : i32
    %scan3A_26 = arith.addi %scan3A_24, %scan3A_25 : i32
    %scan3A_27 = arith.constant 1 : i32
    scf.for %scan3A_68 = %scan3A_24 to %scan3A_26 step %scan3A_27  : i32 {
      %rem3A = arith.constant 2 : i32
      %rem3A_69 = arith.remsi %scan3A_68, %rem3A : i32
      %sub3A = arith.constant 1 : i32
      %sub3A_70 = arith.subi %sub3A, %rem3A_69 : i32
      %add3A_71 = arith.constant 1 : i32
      %add3A_72 = arith.addi %scan3A_68, %add3A_71 : i32
      %lt3A = arith.constant 125 : i32
      %lt3A_73 = arith.cmpi slt, %add3A_72, %lt3A : i32
      %convert_element_type3A_74 = arith.extui %lt3A_73 : i1 to i32
      %cond3A_75 = arith.constant 0 : i32
      %cond3A_76 = arith.cmpi ne, %convert_element_type3A_74, %cond3A_75 : i32
      scf.if %cond3A_76 {
        %ge3A = arith.constant 1 : i32
        %ge3A_106 = arith.cmpi sge, %scan3A_68, %ge3A : i32
        %convert_element_type3A_107 = arith.extui %ge3A_106 : i1 to i32
        %cond3A_108 = arith.constant 0 : i32
        %cond3A_109 = arith.cmpi ne, %convert_element_type3A_107, %cond3A_108 : i32
        scf.if %cond3A_109 {
          %sub3A_129 = arith.constant 1 : i32
          %sub3A_130 = arith.subi %scan3A_68, %sub3A_129 : i32
          %dma_wait3A_131 = arith.constant 0 : i32
          %dma_wait3A_132 = arith.constant 0 : i32
          %dma_wait3A_133 = tpu.memref_slice %arg7[%sub3A_70, %dma_wait3A_131, %dma_wait3A_132] : memref<2x80x128xf32, #tpu.memory_space<vmem>> -> memref<1x80x128xf32, #tpu.memory_space<vmem>>
          %dma_wait3A_134 = tpu.memref_squeeze %dma_wait3A_133 : memref<1x80x128xf32, #tpu.memory_space<vmem>> -> memref<80x128xf32, #tpu.memory_space<vmem>>
          %dma_wait3A_135 = arith.constant 0 : i32
          %dma_wait3A_136 = tpu.memref_slice %arg6[%sub3A_130, %dma_wait3A_135] : memref<125x80xi32, #tpu.memory_space<vmem>> -> memref<1x80xi32, #tpu.memory_space<vmem>>
          %dma_wait3A_137 = tpu.memref_squeeze %dma_wait3A_136 : memref<1x80xi32, #tpu.memory_space<vmem>> -> memref<80xi32, #tpu.memory_space<vmem>>
          %dma_wait3A_138 = arith.constant 0 : i32
          %dma_wait3A_139 = arith.constant 0 : i32
          %dma_wait3A_140 = tpu.memref_slice %arg8[%dma_wait3A_138, %dma_wait3A_139] : memref<10000x128xf32, #tpu.memory_space<vmem_shared>> -> memref<10000x128xf32, #tpu.memory_space<vmem_shared>>
          %dma_wait3A_141 = tpu.memref_slice %arg10[%sub3A_70] : memref<2x!tpu.dma_semaphore, #tpu.memory_space<semaphore_mem>> -> memref<1x!tpu.dma_semaphore, #tpu.memory_space<semaphore_mem>>
          %dma_wait3A_142 = tpu.memref_squeeze %dma_wait3A_141 : memref<1x!tpu.dma_semaphore, #tpu.memory_space<semaphore_mem>> -> memref<!tpu.dma_semaphore, #tpu.memory_space<semaphore_mem>>
          tpu.wait_indirect_dma semaphore(%dma_wait3A_142 : memref<!tpu.dma_semaphore, #tpu.memory_space<semaphore_mem>>) src(%dma_wait3A_134 : memref<80x128xf32, #tpu.memory_space<vmem>>) dst(%dma_wait3A_140 : memref<10000x128xf32, #tpu.memory_space<vmem_shared>>)
        } else {
        }
        %add3A_110 = arith.constant 1 : i32
        %add3A_111 = arith.addi %scan3A_68, %add3A_110 : i32
        %mul3A_112 = arith.constant 80 : i32
        %mul3A_113 = arith.muli %add3A_111, %mul3A_112 : i32
        %add3A_114 = arith.addi %mul3A_2, %mul3A_113 : i32
        %dma_start3A_115 = arith.constant 0 : i32
        %dma_start3A_116 = arith.constant 0 : i32
        %dma_start3A_117 = tpu.memref_slice %arg7[%sub3A_70, %dma_start3A_115, %dma_start3A_116] : memref<2x80x128xf32, #tpu.memory_space<vmem>> -> memref<1x80x128xf32, #tpu.memory_space<vmem>>
        %dma_start3A_118 = tpu.memref_squeeze %dma_start3A_117 : memref<1x80x128xf32, #tpu.memory_space<vmem>> -> memref<80x128xf32, #tpu.memory_space<vmem>>
        %dma_start3A_119 = arith.constant 0 : i32
        %dma_start3A_120 = tpu.memref_slice %arg2[%add3A_114, %dma_start3A_119] : memref<320000x128xf32, #tpu.memory_space<hbm>> -> memref<80x128xf32, #tpu.memory_space<hbm>>
        %dma_start3A_121 = tpu.memref_slice %arg9[%sub3A_70] : memref<2x!tpu.dma_semaphore, #tpu.memory_space<semaphore_mem>> -> memref<1x!tpu.dma_semaphore, #tpu.memory_space<semaphore_mem>>
        %dma_start3A_122 = tpu.memref_squeeze %dma_start3A_121 : memref<1x!tpu.dma_semaphore, #tpu.memory_space<semaphore_mem>> -> memref<!tpu.dma_semaphore, #tpu.memory_space<semaphore_mem>>
        %dma_start3A_123 = arith.constant 0 : i32
        %dma_start3A_124 = arith.constant 0 : i32
        %dma_start3A_125 = tpu.memref_slice %arg7[%sub3A_70, %dma_start3A_123, %dma_start3A_124] : memref<2x80x128xf32, #tpu.memory_space<vmem>> -> memref<1x80x128xf32, #tpu.memory_space<vmem>>
        %dma_start3A_126 = tpu.memref_squeeze %dma_start3A_125 : memref<1x80x128xf32, #tpu.memory_space<vmem>> -> memref<80x128xf32, #tpu.memory_space<vmem>>
        %dma_start3A_127 = arith.constant 0 : i32
        %dma_start3A_128 = tpu.memref_slice %arg2[%add3A_114, %dma_start3A_127] : memref<320000x128xf32, #tpu.memory_space<hbm>> -> memref<80x128xf32, #tpu.memory_space<hbm>>
        tpu.enqueue_dma source(%dma_start3A_128 : memref<80x128xf32, #tpu.memory_space<hbm>>) target(%dma_start3A_126 : memref<80x128xf32, #tpu.memory_space<vmem>>) target_semaphore(%dma_start3A_122 : memref<!tpu.dma_semaphore, #tpu.memory_space<semaphore_mem>>)
      } else {
      }
      %mul3A_77 = arith.constant 80 : i32
      %mul3A_78 = arith.muli %scan3A_68, %mul3A_77 : i32
      %add3A_79 = arith.addi %mul3A_2, %mul3A_78 : i32
      %dma_wait3A_80 = arith.constant 0 : i32
      %dma_wait3A_81 = arith.constant 0 : i32
      %dma_wait3A_82 = tpu.memref_slice %arg7[%rem3A_69, %dma_wait3A_80, %dma_wait3A_81] : memref<2x80x128xf32, #tpu.memory_space<vmem>> -> memref<1x80x128xf32, #tpu.memory_space<vmem>>
      %dma_wait3A_83 = tpu.memref_squeeze %dma_wait3A_82 : memref<1x80x128xf32, #tpu.memory_space<vmem>> -> memref<80x128xf32, #tpu.memory_space<vmem>>
      %dma_wait3A_84 = arith.constant 0 : i32
      %dma_wait3A_85 = tpu.memref_slice %arg2[%add3A_79, %dma_wait3A_84] : memref<320000x128xf32, #tpu.memory_space<hbm>> -> memref<80x128xf32, #tpu.memory_space<hbm>>
      %dma_wait3A_86 = tpu.memref_slice %arg9[%rem3A_69] : memref<2x!tpu.dma_semaphore, #tpu.memory_space<semaphore_mem>> -> memref<1x!tpu.dma_semaphore, #tpu.memory_space<semaphore_mem>>
      %dma_wait3A_87 = tpu.memref_squeeze %dma_wait3A_86 : memref<1x!tpu.dma_semaphore, #tpu.memory_space<semaphore_mem>> -> memref<!tpu.dma_semaphore, #tpu.memory_space<semaphore_mem>>
      %dma_wait3A_88 = arith.constant 0 : i32
      %dma_wait3A_89 = arith.constant 0 : i32
      %dma_wait3A_90 = tpu.memref_slice %arg7[%rem3A_69, %dma_wait3A_88, %dma_wait3A_89] : memref<2x80x128xf32, #tpu.memory_space<vmem>> -> memref<1x80x128xf32, #tpu.memory_space<vmem>>
      %dma_wait3A_91 = tpu.memref_squeeze %dma_wait3A_90 : memref<1x80x128xf32, #tpu.memory_space<vmem>> -> memref<80x128xf32, #tpu.memory_space<vmem>>
      %dma_wait3A_92 = arith.constant 0 : i32
      %dma_wait3A_93 = tpu.memref_slice %arg2[%add3A_79, %dma_wait3A_92] : memref<320000x128xf32, #tpu.memory_space<hbm>> -> memref<80x128xf32, #tpu.memory_space<hbm>>
      tpu.wait_dma2 semaphore(%dma_wait3A_87 : memref<!tpu.dma_semaphore, #tpu.memory_space<semaphore_mem>>) src(%dma_wait3A_93 : memref<80x128xf32, #tpu.memory_space<hbm>>) dst(%dma_wait3A_91 : memref<80x128xf32, #tpu.memory_space<vmem>>)
      %dma_start3A_94 = arith.constant 0 : i32
      %dma_start3A_95 = arith.constant 0 : i32
      %dma_start3A_96 = tpu.memref_slice %arg7[%rem3A_69, %dma_start3A_94, %dma_start3A_95] : memref<2x80x128xf32, #tpu.memory_space<vmem>> -> memref<1x80x128xf32, #tpu.memory_space<vmem>>
      %dma_start3A_97 = tpu.memref_squeeze %dma_start3A_96 : memref<1x80x128xf32, #tpu.memory_space<vmem>> -> memref<80x128xf32, #tpu.memory_space<vmem>>
      %dma_start3A_98 = arith.constant 0 : i32
      %dma_start3A_99 = tpu.memref_slice %arg6[%scan3A_68, %dma_start3A_98] : memref<125x80xi32, #tpu.memory_space<vmem>> -> memref<1x80xi32, #tpu.memory_space<vmem>>
      %dma_start3A_100 = tpu.memref_squeeze %dma_start3A_99 : memref<1x80xi32, #tpu.memory_space<vmem>> -> memref<80xi32, #tpu.memory_space<vmem>>
      %dma_start3A_101 = arith.constant 0 : i32
      %dma_start3A_102 = arith.constant 0 : i32
      %dma_start3A_103 = tpu.memref_slice %arg8[%dma_start3A_101, %dma_start3A_102] : memref<10000x128xf32, #tpu.memory_space<vmem_shared>> -> memref<10000x128xf32, #tpu.memory_space<vmem_shared>>
      %dma_start3A_104 = tpu.memref_slice %arg10[%rem3A_69] : memref<2x!tpu.dma_semaphore, #tpu.memory_space<semaphore_mem>> -> memref<1x!tpu.dma_semaphore, #tpu.memory_space<semaphore_mem>>
      %dma_start3A_105 = tpu.memref_squeeze %dma_start3A_104 : memref<1x!tpu.dma_semaphore, #tpu.memory_space<semaphore_mem>> -> memref<!tpu.dma_semaphore, #tpu.memory_space<semaphore_mem>>
      tpu.enqueue_indirect_dma source(%dma_start3A_97 : memref<80x128xf32, #tpu.memory_space<vmem>>) target(%dma_start3A_103 : memref<10000x128xf32, #tpu.memory_space<vmem_shared>>) offsets(%dma_start3A_100 : memref<80xi32, #tpu.memory_space<vmem>>) semaphore(%dma_start3A_105 : memref<!tpu.dma_semaphore, #tpu.memory_space<semaphore_mem>>) {add = true}
    }
    %scan3A_28 = arith.constant 125 : i32
    %dma_wait3A = arith.constant 1 : i32
    %dma_wait3A_29 = arith.constant 123 : i32
    %dma_wait3A_30 = arith.constant 1 : i32
    %dma_wait3A_31 = arith.constant 0 : i32
    %dma_wait3A_32 = arith.constant 0 : i32
    %dma_wait3A_33 = tpu.memref_slice %arg7[%dma_wait3A, %dma_wait3A_31, %dma_wait3A_32] : memref<2x80x128xf32, #tpu.memory_space<vmem>> -> memref<1x80x128xf32, #tpu.memory_space<vmem>>
    %dma_wait3A_34 = tpu.memref_squeeze %dma_wait3A_33 : memref<1x80x128xf32, #tpu.memory_space<vmem>> -> memref<80x128xf32, #tpu.memory_space<vmem>>
    %dma_wait3A_35 = arith.constant 0 : i32
    %dma_wait3A_36 = tpu.memref_slice %arg6[%dma_wait3A_29, %dma_wait3A_35] : memref<125x80xi32, #tpu.memory_space<vmem>> -> memref<1x80xi32, #tpu.memory_space<vmem>>
    %dma_wait3A_37 = tpu.memref_squeeze %dma_wait3A_36 : memref<1x80xi32, #tpu.memory_space<vmem>> -> memref<80xi32, #tpu.memory_space<vmem>>
    %dma_wait3A_38 = arith.constant 0 : i32
    %dma_wait3A_39 = arith.constant 0 : i32
    %dma_wait3A_40 = tpu.memref_slice %arg8[%dma_wait3A_38, %dma_wait3A_39] : memref<10000x128xf32, #tpu.memory_space<vmem_shared>> -> memref<10000x128xf32, #tpu.memory_space<vmem_shared>>
    %dma_wait3A_41 = tpu.memref_slice %arg10[%dma_wait3A_30] : memref<2x!tpu.dma_semaphore, #tpu.memory_space<semaphore_mem>> -> memref<1x!tpu.dma_semaphore, #tpu.memory_space<semaphore_mem>>
    %dma_wait3A_42 = tpu.memref_squeeze %dma_wait3A_41 : memref<1x!tpu.dma_semaphore, #tpu.memory_space<semaphore_mem>> -> memref<!tpu.dma_semaphore, #tpu.memory_space<semaphore_mem>>
    tpu.wait_indirect_dma semaphore(%dma_wait3A_42 : memref<!tpu.dma_semaphore, #tpu.memory_space<semaphore_mem>>) src(%dma_wait3A_34 : memref<80x128xf32, #tpu.memory_space<vmem>>) dst(%dma_wait3A_40 : memref<10000x128xf32, #tpu.memory_space<vmem_shared>>)
    %dma_wait3A_43 = arith.constant 0 : i32
    %dma_wait3A_44 = arith.constant 124 : i32
    %dma_wait3A_45 = arith.constant 0 : i32
    %dma_wait3A_46 = arith.constant 0 : i32
    %dma_wait3A_47 = arith.constant 0 : i32
    %dma_wait3A_48 = tpu.memref_slice %arg7[%dma_wait3A_43, %dma_wait3A_46, %dma_wait3A_47] : memref<2x80x128xf32, #tpu.memory_space<vmem>> -> memref<1x80x128xf32, #tpu.memory_space<vmem>>
    %dma_wait3A_49 = tpu.memref_squeeze %dma_wait3A_48 : memref<1x80x128xf32, #tpu.memory_space<vmem>> -> memref<80x128xf32, #tpu.memory_space<vmem>>
    %dma_wait3A_50 = arith.constant 0 : i32
    %dma_wait3A_51 = tpu.memref_slice %arg6[%dma_wait3A_44, %dma_wait3A_50] : memref<125x80xi32, #tpu.memory_space<vmem>> -> memref<1x80xi32, #tpu.memory_space<vmem>>
    %dma_wait3A_52 = tpu.memref_squeeze %dma_wait3A_51 : memref<1x80xi32, #tpu.memory_space<vmem>> -> memref<80xi32, #tpu.memory_space<vmem>>
    %dma_wait3A_53 = arith.constant 0 : i32
    %dma_wait3A_54 = arith.constant 0 : i32
    %dma_wait3A_55 = tpu.memref_slice %arg8[%dma_wait3A_53, %dma_wait3A_54] : memref<10000x128xf32, #tpu.memory_space<vmem_shared>> -> memref<10000x128xf32, #tpu.memory_space<vmem_shared>>
    %dma_wait3A_56 = tpu.memref_slice %arg10[%dma_wait3A_45] : memref<2x!tpu.dma_semaphore, #tpu.memory_space<semaphore_mem>> -> memref<1x!tpu.dma_semaphore, #tpu.memory_space<semaphore_mem>>
    %dma_wait3A_57 = tpu.memref_squeeze %dma_wait3A_56 : memref<1x!tpu.dma_semaphore, #tpu.memory_space<semaphore_mem>> -> memref<!tpu.dma_semaphore, #tpu.memory_space<semaphore_mem>>
    tpu.wait_indirect_dma semaphore(%dma_wait3A_57 : memref<!tpu.dma_semaphore, #tpu.memory_space<semaphore_mem>>) src(%dma_wait3A_49 : memref<80x128xf32, #tpu.memory_space<vmem>>) dst(%dma_wait3A_55 : memref<10000x128xf32, #tpu.memory_space<vmem_shared>>)
    %barrier3A_58 = arith.constant 0 : index
    tpu.barrier barrier_id(%barrier3A_58)
    %mul3A_59 = arith.constant 624 : i32
    %mul3A_60 = arith.muli %arg1, %mul3A_59 : i32
    %mul3A_61 = arith.constant 624 : i32
    %mul3A_62 = arith.muli %arg1, %mul3A_61 : i32
    "tpu.region"() ({
      %run_scoped3A = tpu.sem_alloc : memref<!tpu.dma_semaphore, #tpu.memory_space<semaphore_mem>>
      %dma_start3A_68 = arith.constant 0 : i32
      %dma_start3A_69 = arith.constant 0 : i32
      %dma_start3A_70 = tpu.memref_slice %arg5[%arg0, %dma_start3A_68, %dma_start3A_69] : memref<2x10000x128xf32, #tpu.memory_space<hbm>> -> memref<1x10000x128xf32, #tpu.memory_space<hbm>>
      %dma_start3A_71 = tpu.memref_squeeze %dma_start3A_70 : memref<1x10000x128xf32, #tpu.memory_space<hbm>> -> memref<10000x128xf32, #tpu.memory_space<hbm>>
      %dma_start3A_72 = arith.constant 0 : i32
      %dma_start3A_73 = tpu.memref_slice %dma_start3A_71[%mul3A_62, %dma_start3A_72] : memref<10000x128xf32, #tpu.memory_space<hbm>> -> memref<624x128xf32, #tpu.memory_space<hbm>>
      %dma_start3A_74 = arith.constant 0 : i32
      %dma_start3A_75 = tpu.memref_slice %arg8[%mul3A_60, %dma_start3A_74] : memref<10000x128xf32, #tpu.memory_space<vmem_shared>> -> memref<624x128xf32, #tpu.memory_space<vmem_shared>>
      tpu.enqueue_dma source(%dma_start3A_75 : memref<624x128xf32, #tpu.memory_space<vmem_shared>>) target(%dma_start3A_73 : memref<624x128xf32, #tpu.memory_space<hbm>>) target_semaphore(%run_scoped3A : memref<!tpu.dma_semaphore, #tpu.memory_space<semaphore_mem>>)
      %dma_wait3A_76 = arith.constant 0 : i32
      %dma_wait3A_77 = arith.constant 0 : i32
      %dma_wait3A_78 = tpu.memref_slice %arg5[%arg0, %dma_wait3A_76, %dma_wait3A_77] : memref<2x10000x128xf32, #tpu.memory_space<hbm>> -> memref<1x10000x128xf32, #tpu.memory_space<hbm>>
      %dma_wait3A_79 = tpu.memref_squeeze %dma_wait3A_78 : memref<1x10000x128xf32, #tpu.memory_space<hbm>> -> memref<10000x128xf32, #tpu.memory_space<hbm>>
      %dma_wait3A_80 = arith.constant 0 : i32
      %dma_wait3A_81 = tpu.memref_slice %dma_wait3A_79[%mul3A_62, %dma_wait3A_80] : memref<10000x128xf32, #tpu.memory_space<hbm>> -> memref<624x128xf32, #tpu.memory_space<hbm>>
      %dma_wait3A_82 = arith.constant 0 : i32
      %dma_wait3A_83 = tpu.memref_slice %arg8[%mul3A_60, %dma_wait3A_82] : memref<10000x128xf32, #tpu.memory_space<vmem_shared>> -> memref<624x128xf32, #tpu.memory_space<vmem_shared>>
      tpu.wait_dma2 semaphore(%run_scoped3A : memref<!tpu.dma_semaphore, #tpu.memory_space<semaphore_mem>>) src(%dma_wait3A_83 : memref<624x128xf32, #tpu.memory_space<vmem_shared>>) dst(%dma_wait3A_81 : memref<624x128xf32, #tpu.memory_space<hbm>>)
      tpu.yield
    }) : () -> ()
    %eq3A_63 = arith.constant 0 : i32
    %eq3A_64 = arith.cmpi eq, %arg1, %eq3A_63 : i32
    %convert_element_type3A_65 = arith.extui %eq3A_64 : i1 to i32
    %cond3A_66 = arith.constant 0 : i32
    %cond3A_67 = arith.cmpi ne, %convert_element_type3A_65, %cond3A_66 : i32
    scf.if %cond3A_67 {
      "tpu.region"() ({
        %run_scoped3A = tpu.sem_alloc : memref<!tpu.dma_semaphore, #tpu.memory_space<semaphore_mem>>
        %dma_start3A_68 = arith.constant 0 : i32
        %dma_start3A_69 = arith.constant 0 : i32
        %dma_start3A_70 = tpu.memref_slice %arg5[%arg0, %dma_start3A_68, %dma_start3A_69] : memref<2x10000x128xf32, #tpu.memory_space<hbm>> -> memref<1x10000x128xf32, #tpu.memory_space<hbm>>
        %dma_start3A_71 = tpu.memref_squeeze %dma_start3A_70 : memref<1x10000x128xf32, #tpu.memory_space<hbm>> -> memref<10000x128xf32, #tpu.memory_space<hbm>>
        %dma_start3A_72 = arith.constant 9984 : i32
        %dma_start3A_73 = arith.constant 0 : i32
        %dma_start3A_74 = tpu.memref_slice %dma_start3A_71[%dma_start3A_72, %dma_start3A_73] : memref<10000x128xf32, #tpu.memory_space<hbm>> -> memref<16x128xf32, #tpu.memory_space<hbm>>
        %dma_start3A_75 = arith.constant 9984 : i32
        %dma_start3A_76 = arith.constant 0 : i32
        %dma_start3A_77 = tpu.memref_slice %arg8[%dma_start3A_75, %dma_start3A_76] : memref<10000x128xf32, #tpu.memory_space<vmem_shared>> -> memref<16x128xf32, #tpu.memory_space<vmem_shared>>
        tpu.enqueue_dma source(%dma_start3A_77 : memref<16x128xf32, #tpu.memory_space<vmem_shared>>) target(%dma_start3A_74 : memref<16x128xf32, #tpu.memory_space<hbm>>) target_semaphore(%run_scoped3A : memref<!tpu.dma_semaphore, #tpu.memory_space<semaphore_mem>>)
        %dma_wait3A_78 = arith.constant 0 : i32
        %dma_wait3A_79 = arith.constant 0 : i32
        %dma_wait3A_80 = tpu.memref_slice %arg5[%arg0, %dma_wait3A_78, %dma_wait3A_79] : memref<2x10000x128xf32, #tpu.memory_space<hbm>> -> memref<1x10000x128xf32, #tpu.memory_space<hbm>>
        %dma_wait3A_81 = tpu.memref_squeeze %dma_wait3A_80 : memref<1x10000x128xf32, #tpu.memory_space<hbm>> -> memref<10000x128xf32, #tpu.memory_space<hbm>>
        %dma_wait3A_82 = arith.constant 9984 : i32
        %dma_wait3A_83 = arith.constant 0 : i32
        %dma_wait3A_84 = tpu.memref_slice %dma_wait3A_81[%dma_wait3A_82, %dma_wait3A_83] : memref<10000x128xf32, #tpu.memory_space<hbm>> -> memref<16x128xf32, #tpu.memory_space<hbm>>
        %dma_wait3A_85 = arith.constant 9984 : i32
        %dma_wait3A_86 = arith.constant 0 : i32
        %dma_wait3A_87 = tpu.memref_slice %arg8[%dma_wait3A_85, %dma_wait3A_86] : memref<10000x128xf32, #tpu.memory_space<vmem_shared>> -> memref<16x128xf32, #tpu.memory_space<vmem_shared>>
        tpu.wait_dma2 semaphore(%run_scoped3A : memref<!tpu.dma_semaphore, #tpu.memory_space<semaphore_mem>>) src(%dma_wait3A_87 : memref<16x128xf32, #tpu.memory_space<vmem_shared>>) dst(%dma_wait3A_84 : memref<16x128xf32, #tpu.memory_space<hbm>>)
        tpu.yield
      }) : () -> ()
    } else {
    }
    return
  }
}

#map = affine_map<(d0, d1) -> (0, 0)>
#map1 = affine_map<(d0, d1) -> (0, 0, 0)>
module attributes {stable_mosaic.version = 14 : i64} {
  func.func @sc_scatter_add(%arg0: i32, %arg1: i32, %arg2: memref<320000x128xf32, #tpu.memory_space<hbm>>, %arg3: memref<32x125x80xi32, #tpu.memory_space<hbm>>, %arg4: memref<10000x128xf32, #tpu.memory_space<hbm>>, %arg5: memref<2x10000x128xf32, #tpu.memory_space<hbm>>, %arg6: memref<125x80xi32, #tpu.memory_space<vmem>>, %arg7: memref<2x80x128xf32, #tpu.memory_space<vmem>>, %arg8: memref<10000x128xf32, #tpu.memory_space<vmem_shared>>, %arg9: memref<2x!tpu.dma_semaphore, #tpu.memory_space<semaphore_mem>>, %arg10: memref<2x!tpu.dma_semaphore, #tpu.memory_space<semaphore_mem>>) attributes {dimension_semantics = [#tpu.dimension_semantics<core_parallel>, #tpu.dimension_semantics<subcore_parallel>], iteration_bounds = array<i64: 2, 16>, scalar_prefetch = 0 : i64, scratch_operands = 5 : i64, tpu.core_type = #tpu.core_type<sc_vector_subcore>, window_params = [{transform_indices = #map}, {transform_indices = #map1}, {transform_indices = #map}, {transform_indices = #map1}]} {
    %mul3A = arith.constant 2 : i32
    %mul3A_0 = arith.muli %arg1, %mul3A : i32
    %add3A = arith.addi %mul3A_0, %arg0 : i32
    %mul3A_1 = arith.constant 10000 : i32
    %mul3A_2 = arith.muli %add3A, %mul3A_1 : i32
    %dma_start3A = arith.constant 0 : i32
    %dma_start3A_3 = arith.constant 0 : i32
    %dma_start3A_4 = arith.constant 0 : i32
    %dma_start3A_5 = arith.constant 0 : i32
    %dma_start3A_6 = tpu.memref_slice %arg7[%dma_start3A, %dma_start3A_4, %dma_start3A_5] : memref<2x80x128xf32, #tpu.memory_space<vmem>> -> memref<1x80x128xf32, #tpu.memory_space<vmem>>
    %dma_start3A_7 = tpu.memref_squeeze %dma_start3A_6 : memref<1x80x128xf32, #tpu.memory_space<vmem>> -> memref<80x128xf32, #tpu.memory_space<vmem>>
    %dma_start3A_8 = arith.constant 0 : i32
    %dma_start3A_9 = tpu.memref_slice %arg2[%mul3A_2, %dma_start3A_8] : memref<320000x128xf32, #tpu.memory_space<hbm>> -> memref<80x128xf32, #tpu.memory_space<hbm>>
    %dma_start3A_10 = tpu.memref_slice %arg9[%dma_start3A_3] : memref<2x!tpu.dma_semaphore, #tpu.memory_space<semaphore_mem>> -> memref<1x!tpu.dma_semaphore, #tpu.memory_space<semaphore_mem>>
    %dma_start3A_11 = tpu.memref_squeeze %dma_start3A_10 : memref<1x!tpu.dma_semaphore, #tpu.memory_space<semaphore_mem>> -> memref<!tpu.dma_semaphore, #tpu.memory_space<semaphore_mem>>
    %dma_start3A_12 = arith.constant 0 : i32
    %dma_start3A_13 = arith.constant 0 : i32
    %dma_start3A_14 = tpu.memref_slice %arg7[%dma_start3A, %dma_start3A_12, %dma_start3A_13] : memref<2x80x128xf32, #tpu.memory_space<vmem>> -> memref<1x80x128xf32, #tpu.memory_space<vmem>>
    %dma_start3A_15 = tpu.memref_squeeze %dma_start3A_14 : memref<1x80x128xf32, #tpu.memory_space<vmem>> -> memref<80x128xf32, #tpu.memory_space<vmem>>
    %dma_start3A_16 = arith.constant 0 : i32
    %dma_start3A_17 = tpu.memref_slice %arg2[%mul3A_2, %dma_start3A_16] : memref<320000x128xf32, #tpu.memory_space<hbm>> -> memref<80x128xf32, #tpu.memory_space<hbm>>
    tpu.enqueue_dma source(%dma_start3A_17 : memref<80x128xf32, #tpu.memory_space<hbm>>) target(%dma_start3A_15 : memref<80x128xf32, #tpu.memory_space<vmem>>) target_semaphore(%dma_start3A_11 : memref<!tpu.dma_semaphore, #tpu.memory_space<semaphore_mem>>)
    "tpu.region"() ({
      %run_scoped3A = tpu.sem_alloc : memref<!tpu.dma_semaphore, #tpu.memory_space<semaphore_mem>>
      %dma_start3A_68 = arith.constant 0 : i32
      %dma_start3A_69 = arith.constant 0 : i32
      %dma_start3A_70 = tpu.memref_slice %arg3[%add3A, %dma_start3A_68, %dma_start3A_69] : memref<32x125x80xi32, #tpu.memory_space<hbm>> -> memref<1x125x80xi32, #tpu.memory_space<hbm>>
      %dma_start3A_71 = tpu.memref_squeeze %dma_start3A_70 : memref<1x125x80xi32, #tpu.memory_space<hbm>> -> memref<125x80xi32, #tpu.memory_space<hbm>>
      %dma_start3A_72 = arith.constant 0 : i32
      %dma_start3A_73 = arith.constant 0 : i32
      %dma_start3A_74 = tpu.memref_slice %arg3[%add3A, %dma_start3A_72, %dma_start3A_73] : memref<32x125x80xi32, #tpu.memory_space<hbm>> -> memref<1x125x80xi32, #tpu.memory_space<hbm>>
      %dma_start3A_75 = tpu.memref_squeeze %dma_start3A_74 : memref<1x125x80xi32, #tpu.memory_space<hbm>> -> memref<125x80xi32, #tpu.memory_space<hbm>>
      tpu.enqueue_dma source(%dma_start3A_75 : memref<125x80xi32, #tpu.memory_space<hbm>>) target(%arg6 : memref<125x80xi32, #tpu.memory_space<vmem>>) target_semaphore(%run_scoped3A : memref<!tpu.dma_semaphore, #tpu.memory_space<semaphore_mem>>)
      %dma_wait3A_76 = arith.constant 0 : i32
      %dma_wait3A_77 = arith.constant 0 : i32
      %dma_wait3A_78 = tpu.memref_slice %arg3[%add3A, %dma_wait3A_76, %dma_wait3A_77] : memref<32x125x80xi32, #tpu.memory_space<hbm>> -> memref<1x125x80xi32, #tpu.memory_space<hbm>>
      %dma_wait3A_79 = tpu.memref_squeeze %dma_wait3A_78 : memref<1x125x80xi32, #tpu.memory_space<hbm>> -> memref<125x80xi32, #tpu.memory_space<hbm>>
      %dma_wait3A_80 = arith.constant 0 : i32
      %dma_wait3A_81 = arith.constant 0 : i32
      %dma_wait3A_82 = tpu.memref_slice %arg3[%add3A, %dma_wait3A_80, %dma_wait3A_81] : memref<32x125x80xi32, #tpu.memory_space<hbm>> -> memref<1x125x80xi32, #tpu.memory_space<hbm>>
      %dma_wait3A_83 = tpu.memref_squeeze %dma_wait3A_82 : memref<1x125x80xi32, #tpu.memory_space<hbm>> -> memref<125x80xi32, #tpu.memory_space<hbm>>
      tpu.wait_dma2 semaphore(%run_scoped3A : memref<!tpu.dma_semaphore, #tpu.memory_space<semaphore_mem>>) src(%dma_wait3A_83 : memref<125x80xi32, #tpu.memory_space<hbm>>) dst(%arg6 : memref<125x80xi32, #tpu.memory_space<vmem>>)
      tpu.yield
    }) : () -> ()
    %mul3A_18 = arith.constant 624 : i32
    %mul3A_19 = arith.muli %arg1, %mul3A_18 : i32
    %mul3A_20 = arith.constant 624 : i32
    %mul3A_21 = arith.muli %arg1, %mul3A_20 : i32
    "tpu.region"() ({
      %run_scoped3A = tpu.sem_alloc : memref<!tpu.dma_semaphore, #tpu.memory_space<semaphore_mem>>
      %dma_start3A_68 = arith.constant 0 : i32
      %dma_start3A_69 = tpu.memref_slice %arg8[%mul3A_21, %dma_start3A_68] : memref<10000x128xf32, #tpu.memory_space<vmem_shared>> -> memref<624x128xf32, #tpu.memory_space<vmem_shared>>
      %dma_start3A_70 = arith.constant 0 : i32
      %dma_start3A_71 = tpu.memref_slice %arg4[%mul3A_19, %dma_start3A_70] : memref<10000x128xf32, #tpu.memory_space<hbm>> -> memref<624x128xf32, #tpu.memory_space<hbm>>
      tpu.enqueue_dma source(%dma_start3A_71 : memref<624x128xf32, #tpu.memory_space<hbm>>) target(%dma_start3A_69 : memref<624x128xf32, #tpu.memory_space<vmem_shared>>) target_semaphore(%run_scoped3A : memref<!tpu.dma_semaphore, #tpu.memory_space<semaphore_mem>>)
      %dma_wait3A_72 = arith.constant 0 : i32
      %dma_wait3A_73 = tpu.memref_slice %arg8[%mul3A_21, %dma_wait3A_72] : memref<10000x128xf32, #tpu.memory_space<vmem_shared>> -> memref<624x128xf32, #tpu.memory_space<vmem_shared>>
      %dma_wait3A_74 = arith.constant 0 : i32
      %dma_wait3A_75 = tpu.memref_slice %arg4[%mul3A_19, %dma_wait3A_74] : memref<10000x128xf32, #tpu.memory_space<hbm>> -> memref<624x128xf32, #tpu.memory_space<hbm>>
      tpu.wait_dma2 semaphore(%run_scoped3A : memref<!tpu.dma_semaphore, #tpu.memory_space<semaphore_mem>>) src(%dma_wait3A_75 : memref<624x128xf32, #tpu.memory_space<hbm>>) dst(%dma_wait3A_73 : memref<624x128xf32, #tpu.memory_space<vmem_shared>>)
      tpu.yield
    }) : () -> ()
    %eq3A = arith.constant 0 : i32
    %eq3A_22 = arith.cmpi eq, %arg1, %eq3A : i32
    %convert_element_type3A = arith.extui %eq3A_22 : i1 to i32
    %cond3A = arith.constant 0 : i32
    %cond3A_23 = arith.cmpi ne, %convert_element_type3A, %cond3A : i32
    scf.if %cond3A_23 {
      "tpu.region"() ({
        %run_scoped3A = tpu.sem_alloc : memref<!tpu.dma_semaphore, #tpu.memory_space<semaphore_mem>>
        %dma_start3A_68 = arith.constant 9984 : i32
        %dma_start3A_69 = arith.constant 0 : i32
        %dma_start3A_70 = tpu.memref_slice %arg8[%dma_start3A_68, %dma_start3A_69] : memref<10000x128xf32, #tpu.memory_space<vmem_shared>> -> memref<16x128xf32, #tpu.memory_space<vmem_shared>>
        %dma_start3A_71 = arith.constant 9984 : i32
        %dma_start3A_72 = arith.constant 0 : i32
        %dma_start3A_73 = tpu.memref_slice %arg4[%dma_start3A_71, %dma_start3A_72] : memref<10000x128xf32, #tpu.memory_space<hbm>> -> memref<16x128xf32, #tpu.memory_space<hbm>>
        tpu.enqueue_dma source(%dma_start3A_73 : memref<16x128xf32, #tpu.memory_space<hbm>>) target(%dma_start3A_70 : memref<16x128xf32, #tpu.memory_space<vmem_shared>>) target_semaphore(%run_scoped3A : memref<!tpu.dma_semaphore, #tpu.memory_space<semaphore_mem>>)
        %dma_wait3A_74 = arith.constant 9984 : i32
        %dma_wait3A_75 = arith.constant 0 : i32
        %dma_wait3A_76 = tpu.memref_slice %arg8[%dma_wait3A_74, %dma_wait3A_75] : memref<10000x128xf32, #tpu.memory_space<vmem_shared>> -> memref<16x128xf32, #tpu.memory_space<vmem_shared>>
        %dma_wait3A_77 = arith.constant 9984 : i32
        %dma_wait3A_78 = arith.constant 0 : i32
        %dma_wait3A_79 = tpu.memref_slice %arg4[%dma_wait3A_77, %dma_wait3A_78] : memref<10000x128xf32, #tpu.memory_space<hbm>> -> memref<16x128xf32, #tpu.memory_space<hbm>>
        tpu.wait_dma2 semaphore(%run_scoped3A : memref<!tpu.dma_semaphore, #tpu.memory_space<semaphore_mem>>) src(%dma_wait3A_79 : memref<16x128xf32, #tpu.memory_space<hbm>>) dst(%dma_wait3A_76 : memref<16x128xf32, #tpu.memory_space<vmem_shared>>)
        tpu.yield
      }) : () -> ()
    } else {
    }
    %barrier3A = arith.constant 0 : index
    tpu.barrier barrier_id(%barrier3A)
    %scan3A = arith.constant 0 : i32
    %scan3A_24 = arith.constant 0 : i32
    %scan3A_25 = arith.constant 125 : i32
    %scan3A_26 = arith.addi %scan3A_24, %scan3A_25 : i32
    %scan3A_27 = arith.constant 1 : i32
    scf.for %scan3A_68 = %scan3A_24 to %scan3A_26 step %scan3A_27  : i32 {
      %rem3A = arith.constant 2 : i32
      %rem3A_69 = arith.remsi %scan3A_68, %rem3A : i32
      %sub3A = arith.constant 1 : i32
      %sub3A_70 = arith.subi %sub3A, %rem3A_69 : i32
      %add3A_71 = arith.constant 1 : i32
      %add3A_72 = arith.addi %scan3A_68, %add3A_71 : i32
      %lt3A = arith.constant 125 : i32
      %lt3A_73 = arith.cmpi slt, %add3A_72, %lt3A : i32
      %convert_element_type3A_74 = arith.extui %lt3A_73 : i1 to i32
      %cond3A_75 = arith.constant 0 : i32
      %cond3A_76 = arith.cmpi ne, %convert_element_type3A_74, %cond3A_75 : i32
      scf.if %cond3A_76 {
        %ge3A = arith.constant 1 : i32
        %ge3A_106 = arith.cmpi sge, %scan3A_68, %ge3A : i32
        %convert_element_type3A_107 = arith.extui %ge3A_106 : i1 to i32
        %cond3A_108 = arith.constant 0 : i32
        %cond3A_109 = arith.cmpi ne, %convert_element_type3A_107, %cond3A_108 : i32
        scf.if %cond3A_109 {
          %sub3A_129 = arith.constant 1 : i32
          %sub3A_130 = arith.subi %scan3A_68, %sub3A_129 : i32
          %dma_wait3A_131 = arith.constant 0 : i32
          %dma_wait3A_132 = arith.constant 0 : i32
          %dma_wait3A_133 = tpu.memref_slice %arg7[%sub3A_70, %dma_wait3A_131, %dma_wait3A_132] : memref<2x80x128xf32, #tpu.memory_space<vmem>> -> memref<1x80x128xf32, #tpu.memory_space<vmem>>
          %dma_wait3A_134 = tpu.memref_squeeze %dma_wait3A_133 : memref<1x80x128xf32, #tpu.memory_space<vmem>> -> memref<80x128xf32, #tpu.memory_space<vmem>>
          %dma_wait3A_135 = arith.constant 0 : i32
          %dma_wait3A_136 = tpu.memref_slice %arg6[%sub3A_130, %dma_wait3A_135] : memref<125x80xi32, #tpu.memory_space<vmem>> -> memref<1x80xi32, #tpu.memory_space<vmem>>
          %dma_wait3A_137 = tpu.memref_squeeze %dma_wait3A_136 : memref<1x80xi32, #tpu.memory_space<vmem>> -> memref<80xi32, #tpu.memory_space<vmem>>
          %dma_wait3A_138 = arith.constant 0 : i32
          %dma_wait3A_139 = arith.constant 0 : i32
          %dma_wait3A_140 = tpu.memref_slice %arg8[%dma_wait3A_138, %dma_wait3A_139] : memref<10000x128xf32, #tpu.memory_space<vmem_shared>> -> memref<10000x128xf32, #tpu.memory_space<vmem_shared>>
          %dma_wait3A_141 = tpu.memref_slice %arg10[%sub3A_70] : memref<2x!tpu.dma_semaphore, #tpu.memory_space<semaphore_mem>> -> memref<1x!tpu.dma_semaphore, #tpu.memory_space<semaphore_mem>>
          %dma_wait3A_142 = tpu.memref_squeeze %dma_wait3A_141 : memref<1x!tpu.dma_semaphore, #tpu.memory_space<semaphore_mem>> -> memref<!tpu.dma_semaphore, #tpu.memory_space<semaphore_mem>>
          tpu.wait_indirect_dma semaphore(%dma_wait3A_142 : memref<!tpu.dma_semaphore, #tpu.memory_space<semaphore_mem>>) src(%dma_wait3A_134 : memref<80x128xf32, #tpu.memory_space<vmem>>) dst(%dma_wait3A_140 : memref<10000x128xf32, #tpu.memory_space<vmem_shared>>)
        } else {
        }
        %add3A_110 = arith.constant 1 : i32
        %add3A_111 = arith.addi %scan3A_68, %add3A_110 : i32
        %mul3A_112 = arith.constant 80 : i32
        %mul3A_113 = arith.muli %add3A_111, %mul3A_112 : i32
        %add3A_114 = arith.addi %mul3A_2, %mul3A_113 : i32
        %dma_start3A_115 = arith.constant 0 : i32
        %dma_start3A_116 = arith.constant 0 : i32
        %dma_start3A_117 = tpu.memref_slice %arg7[%sub3A_70, %dma_start3A_115, %dma_start3A_116] : memref<2x80x128xf32, #tpu.memory_space<vmem>> -> memref<1x80x128xf32, #tpu.memory_space<vmem>>
        %dma_start3A_118 = tpu.memref_squeeze %dma_start3A_117 : memref<1x80x128xf32, #tpu.memory_space<vmem>> -> memref<80x128xf32, #tpu.memory_space<vmem>>
        %dma_start3A_119 = arith.constant 0 : i32
        %dma_start3A_120 = tpu.memref_slice %arg2[%add3A_114, %dma_start3A_119] : memref<320000x128xf32, #tpu.memory_space<hbm>> -> memref<80x128xf32, #tpu.memory_space<hbm>>
        %dma_start3A_121 = tpu.memref_slice %arg9[%sub3A_70] : memref<2x!tpu.dma_semaphore, #tpu.memory_space<semaphore_mem>> -> memref<1x!tpu.dma_semaphore, #tpu.memory_space<semaphore_mem>>
        %dma_start3A_122 = tpu.memref_squeeze %dma_start3A_121 : memref<1x!tpu.dma_semaphore, #tpu.memory_space<semaphore_mem>> -> memref<!tpu.dma_semaphore, #tpu.memory_space<semaphore_mem>>
        %dma_start3A_123 = arith.constant 0 : i32
        %dma_start3A_124 = arith.constant 0 : i32
        %dma_start3A_125 = tpu.memref_slice %arg7[%sub3A_70, %dma_start3A_123, %dma_start3A_124] : memref<2x80x128xf32, #tpu.memory_space<vmem>> -> memref<1x80x128xf32, #tpu.memory_space<vmem>>
        %dma_start3A_126 = tpu.memref_squeeze %dma_start3A_125 : memref<1x80x128xf32, #tpu.memory_space<vmem>> -> memref<80x128xf32, #tpu.memory_space<vmem>>
        %dma_start3A_127 = arith.constant 0 : i32
        %dma_start3A_128 = tpu.memref_slice %arg2[%add3A_114, %dma_start3A_127] : memref<320000x128xf32, #tpu.memory_space<hbm>> -> memref<80x128xf32, #tpu.memory_space<hbm>>
        tpu.enqueue_dma source(%dma_start3A_128 : memref<80x128xf32, #tpu.memory_space<hbm>>) target(%dma_start3A_126 : memref<80x128xf32, #tpu.memory_space<vmem>>) target_semaphore(%dma_start3A_122 : memref<!tpu.dma_semaphore, #tpu.memory_space<semaphore_mem>>)
      } else {
      }
      %mul3A_77 = arith.constant 80 : i32
      %mul3A_78 = arith.muli %scan3A_68, %mul3A_77 : i32
      %add3A_79 = arith.addi %mul3A_2, %mul3A_78 : i32
      %dma_wait3A_80 = arith.constant 0 : i32
      %dma_wait3A_81 = arith.constant 0 : i32
      %dma_wait3A_82 = tpu.memref_slice %arg7[%rem3A_69, %dma_wait3A_80, %dma_wait3A_81] : memref<2x80x128xf32, #tpu.memory_space<vmem>> -> memref<1x80x128xf32, #tpu.memory_space<vmem>>
      %dma_wait3A_83 = tpu.memref_squeeze %dma_wait3A_82 : memref<1x80x128xf32, #tpu.memory_space<vmem>> -> memref<80x128xf32, #tpu.memory_space<vmem>>
      %dma_wait3A_84 = arith.constant 0 : i32
      %dma_wait3A_85 = tpu.memref_slice %arg2[%add3A_79, %dma_wait3A_84] : memref<320000x128xf32, #tpu.memory_space<hbm>> -> memref<80x128xf32, #tpu.memory_space<hbm>>
      %dma_wait3A_86 = tpu.memref_slice %arg9[%rem3A_69] : memref<2x!tpu.dma_semaphore, #tpu.memory_space<semaphore_mem>> -> memref<1x!tpu.dma_semaphore, #tpu.memory_space<semaphore_mem>>
      %dma_wait3A_87 = tpu.memref_squeeze %dma_wait3A_86 : memref<1x!tpu.dma_semaphore, #tpu.memory_space<semaphore_mem>> -> memref<!tpu.dma_semaphore, #tpu.memory_space<semaphore_mem>>
      %dma_wait3A_88 = arith.constant 0 : i32
      %dma_wait3A_89 = arith.constant 0 : i32
      %dma_wait3A_90 = tpu.memref_slice %arg7[%rem3A_69, %dma_wait3A_88, %dma_wait3A_89] : memref<2x80x128xf32, #tpu.memory_space<vmem>> -> memref<1x80x128xf32, #tpu.memory_space<vmem>>
      %dma_wait3A_91 = tpu.memref_squeeze %dma_wait3A_90 : memref<1x80x128xf32, #tpu.memory_space<vmem>> -> memref<80x128xf32, #tpu.memory_space<vmem>>
      %dma_wait3A_92 = arith.constant 0 : i32
      %dma_wait3A_93 = tpu.memref_slice %arg2[%add3A_79, %dma_wait3A_92] : memref<320000x128xf32, #tpu.memory_space<hbm>> -> memref<80x128xf32, #tpu.memory_space<hbm>>
      tpu.wait_dma2 semaphore(%dma_wait3A_87 : memref<!tpu.dma_semaphore, #tpu.memory_space<semaphore_mem>>) src(%dma_wait3A_93 : memref<80x128xf32, #tpu.memory_space<hbm>>) dst(%dma_wait3A_91 : memref<80x128xf32, #tpu.memory_space<vmem>>)
      %dma_start3A_94 = arith.constant 0 : i32
      %dma_start3A_95 = arith.constant 0 : i32
      %dma_start3A_96 = tpu.memref_slice %arg7[%rem3A_69, %dma_start3A_94, %dma_start3A_95] : memref<2x80x128xf32, #tpu.memory_space<vmem>> -> memref<1x80x128xf32, #tpu.memory_space<vmem>>
      %dma_start3A_97 = tpu.memref_squeeze %dma_start3A_96 : memref<1x80x128xf32, #tpu.memory_space<vmem>> -> memref<80x128xf32, #tpu.memory_space<vmem>>
      %dma_start3A_98 = arith.constant 0 : i32
      %dma_start3A_99 = tpu.memref_slice %arg6[%scan3A_68, %dma_start3A_98] : memref<125x80xi32, #tpu.memory_space<vmem>> -> memref<1x80xi32, #tpu.memory_space<vmem>>
      %dma_start3A_100 = tpu.memref_squeeze %dma_start3A_99 : memref<1x80xi32, #tpu.memory_space<vmem>> -> memref<80xi32, #tpu.memory_space<vmem>>
      %dma_start3A_101 = arith.constant 0 : i32
      %dma_start3A_102 = arith.constant 0 : i32
      %dma_start3A_103 = tpu.memref_slice %arg8[%dma_start3A_101, %dma_start3A_102] : memref<10000x128xf32, #tpu.memory_space<vmem_shared>> -> memref<10000x128xf32, #tpu.memory_space<vmem_shared>>
      %dma_start3A_104 = tpu.memref_slice %arg10[%rem3A_69] : memref<2x!tpu.dma_semaphore, #tpu.memory_space<semaphore_mem>> -> memref<1x!tpu.dma_semaphore, #tpu.memory_space<semaphore_mem>>
      %dma_start3A_105 = tpu.memref_squeeze %dma_start3A_104 : memref<1x!tpu.dma_semaphore, #tpu.memory_space<semaphore_mem>> -> memref<!tpu.dma_semaphore, #tpu.memory_space<semaphore_mem>>
      tpu.enqueue_indirect_dma source(%dma_start3A_97 : memref<80x128xf32, #tpu.memory_space<vmem>>) target(%dma_start3A_103 : memref<10000x128xf32, #tpu.memory_space<vmem_shared>>) offsets(%dma_start3A_100 : memref<80xi32, #tpu.memory_space<vmem>>) semaphore(%dma_start3A_105 : memref<!tpu.dma_semaphore, #tpu.memory_space<semaphore_mem>>) {add = true}
    }
    %scan3A_28 = arith.constant 125 : i32
    %dma_wait3A = arith.constant 1 : i32
    %dma_wait3A_29 = arith.constant 123 : i32
    %dma_wait3A_30 = arith.constant 1 : i32
    %dma_wait3A_31 = arith.constant 0 : i32
    %dma_wait3A_32 = arith.constant 0 : i32
    %dma_wait3A_33 = tpu.memref_slice %arg7[%dma_wait3A, %dma_wait3A_31, %dma_wait3A_32] : memref<2x80x128xf32, #tpu.memory_space<vmem>> -> memref<1x80x128xf32, #tpu.memory_space<vmem>>
    %dma_wait3A_34 = tpu.memref_squeeze %dma_wait3A_33 : memref<1x80x128xf32, #tpu.memory_space<vmem>> -> memref<80x128xf32, #tpu.memory_space<vmem>>
    %dma_wait3A_35 = arith.constant 0 : i32
    %dma_wait3A_36 = tpu.memref_slice %arg6[%dma_wait3A_29, %dma_wait3A_35] : memref<125x80xi32, #tpu.memory_space<vmem>> -> memref<1x80xi32, #tpu.memory_space<vmem>>
    %dma_wait3A_37 = tpu.memref_squeeze %dma_wait3A_36 : memref<1x80xi32, #tpu.memory_space<vmem>> -> memref<80xi32, #tpu.memory_space<vmem>>
    %dma_wait3A_38 = arith.constant 0 : i32
    %dma_wait3A_39 = arith.constant 0 : i32
    %dma_wait3A_40 = tpu.memref_slice %arg8[%dma_wait3A_38, %dma_wait3A_39] : memref<10000x128xf32, #tpu.memory_space<vmem_shared>> -> memref<10000x128xf32, #tpu.memory_space<vmem_shared>>
    %dma_wait3A_41 = tpu.memref_slice %arg10[%dma_wait3A_30] : memref<2x!tpu.dma_semaphore, #tpu.memory_space<semaphore_mem>> -> memref<1x!tpu.dma_semaphore, #tpu.memory_space<semaphore_mem>>
    %dma_wait3A_42 = tpu.memref_squeeze %dma_wait3A_41 : memref<1x!tpu.dma_semaphore, #tpu.memory_space<semaphore_mem>> -> memref<!tpu.dma_semaphore, #tpu.memory_space<semaphore_mem>>
    tpu.wait_indirect_dma semaphore(%dma_wait3A_42 : memref<!tpu.dma_semaphore, #tpu.memory_space<semaphore_mem>>) src(%dma_wait3A_34 : memref<80x128xf32, #tpu.memory_space<vmem>>) dst(%dma_wait3A_40 : memref<10000x128xf32, #tpu.memory_space<vmem_shared>>)
    %dma_wait3A_43 = arith.constant 0 : i32
    %dma_wait3A_44 = arith.constant 124 : i32
    %dma_wait3A_45 = arith.constant 0 : i32
    %dma_wait3A_46 = arith.constant 0 : i32
    %dma_wait3A_47 = arith.constant 0 : i32
    %dma_wait3A_48 = tpu.memref_slice %arg7[%dma_wait3A_43, %dma_wait3A_46, %dma_wait3A_47] : memref<2x80x128xf32, #tpu.memory_space<vmem>> -> memref<1x80x128xf32, #tpu.memory_space<vmem>>
    %dma_wait3A_49 = tpu.memref_squeeze %dma_wait3A_48 : memref<1x80x128xf32, #tpu.memory_space<vmem>> -> memref<80x128xf32, #tpu.memory_space<vmem>>
    %dma_wait3A_50 = arith.constant 0 : i32
    %dma_wait3A_51 = tpu.memref_slice %arg6[%dma_wait3A_44, %dma_wait3A_50] : memref<125x80xi32, #tpu.memory_space<vmem>> -> memref<1x80xi32, #tpu.memory_space<vmem>>
    %dma_wait3A_52 = tpu.memref_squeeze %dma_wait3A_51 : memref<1x80xi32, #tpu.memory_space<vmem>> -> memref<80xi32, #tpu.memory_space<vmem>>
    %dma_wait3A_53 = arith.constant 0 : i32
    %dma_wait3A_54 = arith.constant 0 : i32
    %dma_wait3A_55 = tpu.memref_slice %arg8[%dma_wait3A_53, %dma_wait3A_54] : memref<10000x128xf32, #tpu.memory_space<vmem_shared>> -> memref<10000x128xf32, #tpu.memory_space<vmem_shared>>
    %dma_wait3A_56 = tpu.memref_slice %arg10[%dma_wait3A_45] : memref<2x!tpu.dma_semaphore, #tpu.memory_space<semaphore_mem>> -> memref<1x!tpu.dma_semaphore, #tpu.memory_space<semaphore_mem>>
    %dma_wait3A_57 = tpu.memref_squeeze %dma_wait3A_56 : memref<1x!tpu.dma_semaphore, #tpu.memory_space<semaphore_mem>> -> memref<!tpu.dma_semaphore, #tpu.memory_space<semaphore_mem>>
    tpu.wait_indirect_dma semaphore(%dma_wait3A_57 : memref<!tpu.dma_semaphore, #tpu.memory_space<semaphore_mem>>) src(%dma_wait3A_49 : memref<80x128xf32, #tpu.memory_space<vmem>>) dst(%dma_wait3A_55 : memref<10000x128xf32, #tpu.memory_space<vmem_shared>>)
    %barrier3A_58 = arith.constant 0 : index
    tpu.barrier barrier_id(%barrier3A_58)
    %mul3A_59 = arith.constant 624 : i32
    %mul3A_60 = arith.muli %arg1, %mul3A_59 : i32
    %mul3A_61 = arith.constant 624 : i32
    %mul3A_62 = arith.muli %arg1, %mul3A_61 : i32
    "tpu.region"() ({
      %run_scoped3A = tpu.sem_alloc : memref<!tpu.dma_semaphore, #tpu.memory_space<semaphore_mem>>
      %dma_start3A_68 = arith.constant 0 : i32
      %dma_start3A_69 = arith.constant 0 : i32
      %dma_start3A_70 = tpu.memref_slice %arg5[%arg0, %dma_start3A_68, %dma_start3A_69] : memref<2x10000x128xf32, #tpu.memory_space<hbm>> -> memref<1x10000x128xf32, #tpu.memory_space<hbm>>
      %dma_start3A_71 = tpu.memref_squeeze %dma_start3A_70 : memref<1x10000x128xf32, #tpu.memory_space<hbm>> -> memref<10000x128xf32, #tpu.memory_space<hbm>>
      %dma_start3A_72 = arith.constant 0 : i32
      %dma_start3A_73 = tpu.memref_slice %dma_start3A_71[%mul3A_62, %dma_start3A_72] : memref<10000x128xf32, #tpu.memory_space<hbm>> -> memref<624x128xf32, #tpu.memory_space<hbm>>
      %dma_start3A_74 = arith.constant 0 : i32
      %dma_start3A_75 = tpu.memref_slice %arg8[%mul3A_60, %dma_start3A_74] : memref<10000x128xf32, #tpu.memory_space<vmem_shared>> -> memref<624x128xf32, #tpu.memory_space<vmem_shared>>
      tpu.enqueue_dma source(%dma_start3A_75 : memref<624x128xf32, #tpu.memory_space<vmem_shared>>) target(%dma_start3A_73 : memref<624x128xf32, #tpu.memory_space<hbm>>) target_semaphore(%run_scoped3A : memref<!tpu.dma_semaphore, #tpu.memory_space<semaphore_mem>>)
      %dma_wait3A_76 = arith.constant 0 : i32
      %dma_wait3A_77 = arith.constant 0 : i32
      %dma_wait3A_78 = tpu.memref_slice %arg5[%arg0, %dma_wait3A_76, %dma_wait3A_77] : memref<2x10000x128xf32, #tpu.memory_space<hbm>> -> memref<1x10000x128xf32, #tpu.memory_space<hbm>>
      %dma_wait3A_79 = tpu.memref_squeeze %dma_wait3A_78 : memref<1x10000x128xf32, #tpu.memory_space<hbm>> -> memref<10000x128xf32, #tpu.memory_space<hbm>>
      %dma_wait3A_80 = arith.constant 0 : i32
      %dma_wait3A_81 = tpu.memref_slice %dma_wait3A_79[%mul3A_62, %dma_wait3A_80] : memref<10000x128xf32, #tpu.memory_space<hbm>> -> memref<624x128xf32, #tpu.memory_space<hbm>>
      %dma_wait3A_82 = arith.constant 0 : i32
      %dma_wait3A_83 = tpu.memref_slice %arg8[%mul3A_60, %dma_wait3A_82] : memref<10000x128xf32, #tpu.memory_space<vmem_shared>> -> memref<624x128xf32, #tpu.memory_space<vmem_shared>>
      tpu.wait_dma2 semaphore(%run_scoped3A : memref<!tpu.dma_semaphore, #tpu.memory_space<semaphore_mem>>) src(%dma_wait3A_83 : memref<624x128xf32, #tpu.memory_space<vmem_shared>>) dst(%dma_wait3A_81 : memref<624x128xf32, #tpu.memory_space<hbm>>)
      tpu.yield
    }) : () -> ()
    %eq3A_63 = arith.constant 0 : i32
    %eq3A_64 = arith.cmpi eq, %arg1, %eq3A_63 : i32
    %convert_element_type3A_65 = arith.extui %eq3A_64 : i1 to i32
    %cond3A_66 = arith.constant 0 : i32
    %cond3A_67 = arith.cmpi ne, %convert_element_type3A_65, %cond3A_66 : i32
    scf.if %cond3A_67 {
      "tpu.region"() ({
        %run_scoped3A = tpu.sem_alloc : memref<!tpu.dma_semaphore, #tpu.memory_space<semaphore_mem>>
        %dma_start3A_68 = arith.constant 0 : i32
        %dma_start3A_69 = arith.constant 0 : i32
        %dma_start3A_70 = tpu.memref_slice %arg5[%arg0, %dma_start3A_68, %dma_start3A_69] : memref<2x10000x128xf32, #tpu.memory_space<hbm>> -> memref<1x10000x128xf32, #tpu.memory_space<hbm>>
        %dma_start3A_71 = tpu.memref_squeeze %dma_start3A_70 : memref<1x10000x128xf32, #tpu.memory_space<hbm>> -> memref<10000x128xf32, #tpu.memory_space<hbm>>
        %dma_start3A_72 = arith.constant 9984 : i32
        %dma_start3A_73 = arith.constant 0 : i32
        %dma_start3A_74 = tpu.memref_slice %dma_start3A_71[%dma_start3A_72, %dma_start3A_73] : memref<10000x128xf32, #tpu.memory_space<hbm>> -> memref<16x128xf32, #tpu.memory_space<hbm>>
        %dma_start3A_75 = arith.constant 9984 : i32
        %dma_start3A_76 = arith.constant 0 : i32
        %dma_start3A_77 = tpu.memref_slice %arg8[%dma_start3A_75, %dma_start3A_76] : memref<10000x128xf32, #tpu.memory_space<vmem_shared>> -> memref<16x128xf32, #tpu.memory_space<vmem_shared>>
        tpu.enqueue_dma source(%dma_start3A_77 : memref<16x128xf32, #tpu.memory_space<vmem_shared>>) target(%dma_start3A_74 : memref<16x128xf32, #tpu.memory_space<hbm>>) target_semaphore(%run_scoped3A : memref<!tpu.dma_semaphore, #tpu.memory_space<semaphore_mem>>)
        %dma_wait3A_78 = arith.constant 0 : i32
        %dma_wait3A_79 = arith.constant 0 : i32
        %dma_wait3A_80 = tpu.memref_slice %arg5[%arg0, %dma_wait3A_78, %dma_wait3A_79] : memref<2x10000x128xf32, #tpu.memory_space<hbm>> -> memref<1x10000x128xf32, #tpu.memory_space<hbm>>
        %dma_wait3A_81 = tpu.memref_squeeze %dma_wait3A_80 : memref<1x10000x128xf32, #tpu.memory_space<hbm>> -> memref<10000x128xf32, #tpu.memory_space<hbm>>
        %dma_wait3A_82 = arith.constant 9984 : i32
        %dma_wait3A_83 = arith.constant 0 : i32
        %dma_wait3A_84 = tpu.memref_slice %dma_wait3A_81[%dma_wait3A_82, %dma_wait3A_83] : memref<10000x128xf32, #tpu.memory_space<hbm>> -> memref<16x128xf32, #tpu.memory_space<hbm>>
        %dma_wait3A_85 = arith.constant 9984 : i32
        %dma_wait3A_86 = arith.constant 0 : i32
        %dma_wait3A_87 = tpu.memref_slice %arg8[%dma_wait3A_85, %dma_wait3A_86] : memref<10000x128xf32, #tpu.memory_space<vmem_shared>> -> memref<16x128xf32, #tpu.memory_space<vmem_shared>>
        tpu.wait_dma2 semaphore(%run_scoped3A : memref<!tpu.dma_semaphore, #tpu.memory_space<semaphore_mem>>) src(%dma_wait3A_87 : memref<16x128xf32, #tpu.memory_space<vmem_shared>>) dst(%dma_wait3A_84 : memref<16x128xf32, #tpu.memory_space<hbm>>)
        tpu.yield
      }) : () -> ()
    } else {
    }
    return
  }
}

module attributes {stable_mosaic.version = 14 : i64} {
  func.func @_ymm_body(%arg0: i32, %arg1: memref<2000x128xf32, #tpu.memory_space<vmem>>, %arg2: memref<128x128xf32, #tpu.memory_space<vmem>>, %arg3: memref<128x128xf32, #tpu.memory_space<vmem>>, %arg4: memref<2000x64xi32, #tpu.memory_space<vmem>>, %arg5: memref<2000x64xi32, #tpu.memory_space<vmem>>) attributes {dimension_semantics = [#tpu.dimension_semantics<arbitrary>], iteration_bounds = array<i64: 5>, scalar_prefetch = 0 : i64, scratch_operands = 0 : i64, tpu.core_type = #tpu.core_type<tc>, window_params = [{transform_indices = @transform_0, window_bounds = array<i64: 2000, 128>}, {pipeline_mode = #tpu.pipeline_mode<synchronous>, transform_indices = @transform_1, window_bounds = array<i64: 128, 128>}, {pipeline_mode = #tpu.pipeline_mode<synchronous>, transform_indices = @transform_2, window_bounds = array<i64: 128, 128>}, {transform_indices = @transform_3, window_bounds = array<i64: 2000, 64>}, {transform_indices = @transform_4, window_bounds = array<i64: 2000, 64>}]} {
    %get3A = arith.constant 0 : index
    %get3A_0 = arith.constant 0 : index
    %get3A_1 = vector.load %arg1[%get3A, %get3A_0] : memref<2000x128xf32, #tpu.memory_space<vmem>>, vector<2000x128xf32>
    %get3A_2 = arith.constant 0 : index
    %get3A_3 = arith.constant 0 : index
    %get3A_4 = vector.load %arg2[%get3A_2, %get3A_3] : memref<128x128xf32, #tpu.memory_space<vmem>>, vector<128x128xf32>
    %dot_general3A = arith.constant dense<0.000000e+00> : vector<2000x128xf32>
    %dot_general3A_5 = tpu.matmul %get3A_1, %get3A_4, %dot_general3A {dimension_numbers = #tpu.dot_dimension_numbers<[1], [0], [0], [1], [0, 0, 1, 1], [], []>, transpose_lhs_hint = false} : vector<2000x128xf32>, vector<128x128xf32>, vector<2000x128xf32> -> vector<2000x128xf32>
    %convert_element_type3A = arith.truncf %dot_general3A_5 : vector<2000x128xf32> to vector<2000x128xbf16>
    %bitcast_convert_type3A = tpu.bitcast %convert_element_type3A : vector<2000x128xbf16> -> vector<2000x128xi16>
    %slice3A = vector.extract_strided_slice %bitcast_convert_type3A {offsets = [0, 0], sizes = [2000, 64], strides = [1, 1]} : vector<2000x128xi16> to vector<2000x64xi16>
    %convert_element_type3A_6 = arith.extui %slice3A : vector<2000x64xi16> to vector<2000x64xi32>
    %slice3A_7 = vector.extract_strided_slice %bitcast_convert_type3A {offsets = [0, 64], sizes = [2000, 64], strides = [1, 1]} : vector<2000x128xi16> to vector<2000x64xi16>
    %convert_element_type3A_8 = arith.extui %slice3A_7 : vector<2000x64xi16> to vector<2000x64xi32>
    %shift_left3A = arith.constant 16 : i32
    %shift_left3A_9 = vector.broadcast %shift_left3A : i32 to vector<2000x64xi32>
    %shift_left3A_10 = arith.shli %convert_element_type3A_8, %shift_left3A_9 : vector<2000x64xi32>
    %or3A = arith.ori %convert_element_type3A_6, %shift_left3A_10 : vector<2000x64xi32>
    %bitcast_convert_type3A_11 = tpu.bitcast %or3A : vector<2000x64xi32> -> vector<2000x64xi32>
    %swap3A = arith.constant 0 : index
    %swap3A_12 = arith.constant 0 : index
    %swap3A_13 = vector.load %arg4[%swap3A, %swap3A_12] : memref<2000x64xi32, #tpu.memory_space<vmem>>, vector<2000x64xi32>
    tpu.vector_store %arg4[%swap3A, %swap3A_12], %bitcast_convert_type3A_11 {strides = array<i32>} : memref<2000x64xi32, #tpu.memory_space<vmem>>, vector<2000x64xi32>,
    %get3A_14 = arith.constant 0 : index
    %get3A_15 = arith.constant 0 : index
    %get3A_16 = vector.load %arg3[%get3A_14, %get3A_15] : memref<128x128xf32, #tpu.memory_space<vmem>>, vector<128x128xf32>
    %dot_general3A_17 = arith.constant dense<0.000000e+00> : vector<2000x128xf32>
    %dot_general3A_18 = tpu.matmul %get3A_1, %get3A_16, %dot_general3A_17 {dimension_numbers = #tpu.dot_dimension_numbers<[1], [0], [0], [1], [0, 0, 1, 1], [], []>, transpose_lhs_hint = false} : vector<2000x128xf32>, vector<128x128xf32>, vector<2000x128xf32> -> vector<2000x128xf32>
    %convert_element_type3A_19 = arith.truncf %dot_general3A_18 : vector<2000x128xf32> to vector<2000x128xbf16>
    %bitcast_convert_type3A_20 = tpu.bitcast %convert_element_type3A_19 : vector<2000x128xbf16> -> vector<2000x128xi16>
    %slice3A_21 = vector.extract_strided_slice %bitcast_convert_type3A_20 {offsets = [0, 0], sizes = [2000, 64], strides = [1, 1]} : vector<2000x128xi16> to vector<2000x64xi16>
    %convert_element_type3A_22 = arith.extui %slice3A_21 : vector<2000x64xi16> to vector<2000x64xi32>
    %slice3A_23 = vector.extract_strided_slice %bitcast_convert_type3A_20 {offsets = [0, 64], sizes = [2000, 64], strides = [1, 1]} : vector<2000x128xi16> to vector<2000x64xi16>
    %convert_element_type3A_24 = arith.extui %slice3A_23 : vector<2000x64xi16> to vector<2000x64xi32>
    %shift_left3A_25 = arith.constant 16 : i32
    %shift_left3A_26 = vector.broadcast %shift_left3A_25 : i32 to vector<2000x64xi32>
    %shift_left3A_27 = arith.shli %convert_element_type3A_24, %shift_left3A_26 : vector<2000x64xi32>
    %or3A_28 = arith.ori %convert_element_type3A_22, %shift_left3A_27 : vector<2000x64xi32>
    %bitcast_convert_type3A_29 = tpu.bitcast %or3A_28 : vector<2000x64xi32> -> vector<2000x64xi32>
    %swap3A_30 = arith.constant 0 : index
    %swap3A_31 = arith.constant 0 : index
    %swap3A_32 = vector.load %arg5[%swap3A_30, %swap3A_31] : memref<2000x64xi32, #tpu.memory_space<vmem>>, vector<2000x64xi32>
    tpu.vector_store %arg5[%swap3A_30, %swap3A_31], %bitcast_convert_type3A_29 {strides = array<i32>} : memref<2000x64xi32, #tpu.memory_space<vmem>>, vector<2000x64xi32>,
    return
  }
  func.func @transform_0(%arg0: i32) -> (i32, i32) {
    %c0_i32 = arith.constant 0 : i32
    %c0_i32_0 = arith.constant 0 : i32
    return %arg0, %c0_i32 : i32, i32
  }
  func.func @transform_1(%arg0: i32) -> (i32, i32) {
    %c0_i32 = arith.constant 0 : i32
    %c0_i32_0 = arith.constant 0 : i32
    %c0_i32_1 = arith.constant 0 : i32
    return %c0_i32, %c0_i32_0 : i32, i32
  }
  func.func @transform_2(%arg0: i32) -> (i32, i32) {
    %c0_i32 = arith.constant 0 : i32
    %c0_i32_0 = arith.constant 0 : i32
    %c0_i32_1 = arith.constant 0 : i32
    return %c0_i32, %c0_i32_0 : i32, i32
  }
  func.func @transform_3(%arg0: i32) -> (i32, i32) {
    %c0_i32 = arith.constant 0 : i32
    %c0_i32_0 = arith.constant 0 : i32
    return %arg0, %c0_i32 : i32, i32
  }
  func.func @transform_4(%arg0: i32) -> (i32, i32) {
    %c0_i32 = arith.constant 0 : i32
    %c0_i32_0 = arith.constant 0 : i32
    return %arg0, %c0_i32 : i32, i32
  }
}

module attributes {stable_mosaic.version = 14 : i64} {
  func.func @_edge1_body(%arg0: i32, %arg1: memref<1000x128xi32, #tpu.memory_space<vmem>>, %arg2: memref<1000x128xi32, #tpu.memory_space<vmem>>, %arg3: memref<2000x16xf32, #tpu.memory_space<vmem>>, %arg4: memref<16x128xf32, #tpu.memory_space<vmem>>, %arg5: memref<1x128xf32, #tpu.memory_space<vmem>>, %arg6: memref<128x128xf32, #tpu.memory_space<vmem>>, %arg7: memref<1x128xf32, #tpu.memory_space<vmem>>, %arg8: memref<1x128xf32, #tpu.memory_space<vmem>>, %arg9: memref<1x128xf32, #tpu.memory_space<vmem>>, %arg10: memref<128x128xf32, #tpu.memory_space<vmem>>, %arg11: memref<1x128xf32, #tpu.memory_space<vmem>>, %arg12: memref<128x128xf32, #tpu.memory_space<vmem>>, %arg13: memref<1x128xf32, #tpu.memory_space<vmem>>, %arg14: memref<1x128xf32, #tpu.memory_space<vmem>>, %arg15: memref<1x128xf32, #tpu.memory_space<vmem>>, %arg16: memref<2000x128xf32, #tpu.memory_space<vmem>>) attributes {dimension_semantics = [#tpu.dimension_semantics<arbitrary>], iteration_bounds = array<i64: 160>, scalar_prefetch = 0 : i64, scratch_operands = 0 : i64, tpu.core_type = #tpu.core_type<tc>, window_params = [{transform_indices = @transform_0, window_bounds = array<i64: 1000, 128>}, {transform_indices = @transform_1, window_bounds = array<i64: 1000, 128>}, {transform_indices = @transform_2, window_bounds = array<i64: 2000, 16>}, {pipeline_mode = #tpu.pipeline_mode<synchronous>, transform_indices = @transform_3, window_bounds = array<i64: 16, 128>}, {pipeline_mode = #tpu.pipeline_mode<synchronous>, transform_indices = @transform_4, window_bounds = array<i64: 1, 128>}, {pipeline_mode = #tpu.pipeline_mode<synchronous>, transform_indices = @transform_5, window_bounds = array<i64: 128, 128>}, {pipeline_mode = #tpu.pipeline_mode<synchronous>, transform_indices = @transform_6, window_bounds = array<i64: 1, 128>}, {pipeline_mode = #tpu.pipeline_mode<synchronous>, transform_indices = @transform_7, window_bounds = array<i64: 1, 128>}, {pipeline_mode = #tpu.pipeline_mode<synchronous>, transform_indices = @transform_8, window_bounds = array<i64: 1, 128>}, {pipeline_mode = #tpu.pipeline_mode<synchronous>, transform_indices = @transform_9, window_bounds = array<i64: 128, 128>}, {pipeline_mode = #tpu.pipeline_mode<synchronous>, transform_indices = @transform_10, window_bounds = array<i64: 1, 128>}, {pipeline_mode = #tpu.pipeline_mode<synchronous>, transform_indices = @transform_11, window_bounds = array<i64: 128, 128>}, {pipeline_mode = #tpu.pipeline_mode<synchronous>, transform_indices = @transform_12, window_bounds = array<i64: 1, 128>}, {pipeline_mode = #tpu.pipeline_mode<synchronous>, transform_indices = @transform_13, window_bounds = array<i64: 1, 128>}, {pipeline_mode = #tpu.pipeline_mode<synchronous>, transform_indices = @transform_14, window_bounds = array<i64: 1, 128>}, {transform_indices = @transform_15, window_bounds = array<i64: 2000, 128>}]} {
    %get3A = arith.constant 0 : index
    %get3A_0 = arith.constant 0 : index
    %get3A_1 = vector.load %arg3[%get3A, %get3A_0] : memref<2000x16xf32, #tpu.memory_space<vmem>>, vector<2000x16xf32>
    %get3A_2 = arith.constant 0 : index
    %get3A_3 = arith.constant 0 : index
    %get3A_4 = vector.load %arg4[%get3A_2, %get3A_3] : memref<16x128xf32, #tpu.memory_space<vmem>>, vector<16x128xf32>
    %dot_general3A = arith.constant dense<0.000000e+00> : vector<2000x128xf32>
    %dot_general3A_5 = tpu.matmul %get3A_1, %get3A_4, %dot_general3A {dimension_numbers = #tpu.dot_dimension_numbers<[1], [0], [0], [1], [0, 0, 1, 1], [], []>, transpose_lhs_hint = false} : vector<2000x16xf32>, vector<16x128xf32>, vector<2000x128xf32> -> vector<2000x128xf32>
    %get3A_6 = arith.constant 0 : index
    %get3A_7 = arith.constant 0 : index
    %get3A_8 = vector.load %arg5[%get3A_6, %get3A_7] : memref<1x128xf32, #tpu.memory_space<vmem>>, vector<1x128xf32>
    %add3A = vector.broadcast %get3A_8 : vector<1x128xf32> to vector<2000x128xf32>
    %add3A_9 = arith.addf %dot_general3A_5, %add3A : vector<2000x128xf32>
    %integer_pow3A = arith.mulf %add3A_9, %add3A_9 : vector<2000x128xf32>
    %integer_pow3A_10 = arith.mulf %add3A_9, %integer_pow3A : vector<2000x128xf32>
    %mul3A = arith.constant 4.471500e-02 : f32
    %mul3A_11 = vector.broadcast %mul3A : f32 to vector<2000x128xf32>
    %mul3A_12 = arith.mulf %mul3A_11, %integer_pow3A_10 : vector<2000x128xf32>
    %add3A_13 = arith.addf %add3A_9, %mul3A_12 : vector<2000x128xf32>
    %mul3A_14 = arith.constant 0.797884583 : f32
    %mul3A_15 = vector.broadcast %mul3A_14 : f32 to vector<2000x128xf32>
    %mul3A_16 = arith.mulf %mul3A_15, %add3A_13 : vector<2000x128xf32>
    %tanh3A = math.tanh %mul3A_16 : vector<2000x128xf32>
    %add3A_17 = arith.constant 1.000000e+00 : f32
    %add3A_18 = vector.broadcast %add3A_17 : f32 to vector<2000x128xf32>
    %add3A_19 = arith.addf %add3A_18, %tanh3A : vector<2000x128xf32>
    %mul3A_20 = arith.constant 5.000000e-01 : f32
    %mul3A_21 = vector.broadcast %mul3A_20 : f32 to vector<2000x128xf32>
    %mul3A_22 = arith.mulf %mul3A_21, %add3A_19 : vector<2000x128xf32>
    %mul3A_23 = arith.mulf %add3A_9, %mul3A_22 : vector<2000x128xf32>
    %get3A_24 = arith.constant 0 : index
    %get3A_25 = arith.constant 0 : index
    %get3A_26 = vector.load %arg6[%get3A_24, %get3A_25] : memref<128x128xf32, #tpu.memory_space<vmem>>, vector<128x128xf32>
    %dot_general3A_27 = arith.constant dense<0.000000e+00> : vector<2000x128xf32>
    %dot_general3A_28 = tpu.matmul %mul3A_23, %get3A_26, %dot_general3A_27 {dimension_numbers = #tpu.dot_dimension_numbers<[1], [0], [0], [1], [0, 0, 1, 1], [], []>, transpose_lhs_hint = false} : vector<2000x128xf32>, vector<128x128xf32>, vector<2000x128xf32> -> vector<2000x128xf32>
    %get3A_29 = arith.constant 0 : index
    %get3A_30 = arith.constant 0 : index
    %get3A_31 = vector.load %arg7[%get3A_29, %get3A_30] : memref<1x128xf32, #tpu.memory_space<vmem>>, vector<1x128xf32>
    %add3A_32 = vector.broadcast %get3A_31 : vector<1x128xf32> to vector<2000x128xf32>
    %add3A_33 = arith.addf %dot_general3A_28, %add3A_32 : vector<2000x128xf32>
    %get3A_34 = arith.constant 0 : index
    %get3A_35 = arith.constant 0 : index
    %get3A_36 = vector.load %arg8[%get3A_34, %get3A_35] : memref<1x128xf32, #tpu.memory_space<vmem>>, vector<1x128xf32>
    %get3A_37 = arith.constant 0 : index
    %get3A_38 = arith.constant 0 : index
    %get3A_39 = vector.load %arg9[%get3A_37, %get3A_38] : memref<1x128xf32, #tpu.memory_space<vmem>>, vector<1x128xf32>
    %reduce_sum3A = arith.constant dense<0.000000e+00> : vector<2000xf32>
    %reduce_sum3A_40 = vector.multi_reduction <add>, %add3A_33, %reduce_sum3A [1] : vector<2000x128xf32> to vector<2000xf32>
    %broadcast_in_dim3A = vector.shape_cast %reduce_sum3A_40 : vector<2000xf32> to vector<2000x1xf32>
    %div3A = arith.constant 1.280000e+02 : f32
    %div3A_41 = vector.broadcast %div3A : f32 to vector<2000x1xf32>
    %div3A_42 = arith.divf %broadcast_in_dim3A, %div3A_41 : vector<2000x1xf32>
    %sub3A = vector.broadcast %div3A_42 : vector<2000x1xf32> to vector<2000x128xf32>
    %sub3A_43 = arith.subf %add3A_33, %sub3A : vector<2000x128xf32>
    %mul3A_44 = arith.mulf %sub3A_43, %sub3A_43 : vector<2000x128xf32>
    %reduce_sum3A_45 = arith.constant dense<0.000000e+00> : vector<2000xf32>
    %reduce_sum3A_46 = vector.multi_reduction <add>, %mul3A_44, %reduce_sum3A_45 [1] : vector<2000x128xf32> to vector<2000xf32>
    %broadcast_in_dim3A_47 = vector.shape_cast %reduce_sum3A_46 : vector<2000xf32> to vector<2000x1xf32>
    %div3A_48 = arith.constant 1.280000e+02 : f32
    %div3A_49 = vector.broadcast %div3A_48 : f32 to vector<2000x1xf32>
    %div3A_50 = arith.divf %broadcast_in_dim3A_47, %div3A_49 : vector<2000x1xf32>
    %add3A_51 = arith.constant 9.99999974E-6 : f32
    %add3A_52 = vector.broadcast %add3A_51 : f32 to vector<2000x1xf32>
    %add3A_53 = arith.addf %div3A_50, %add3A_52 : vector<2000x1xf32>
    %rsqrt3A = math.rsqrt %add3A_53 : vector<2000x1xf32>
    %mul3A_54 = vector.broadcast %rsqrt3A : vector<2000x1xf32> to vector<2000x128xf32>
    %mul3A_55 = arith.mulf %sub3A_43, %mul3A_54 : vector<2000x128xf32>
    %mul3A_56 = vector.broadcast %get3A_36 : vector<1x128xf32> to vector<2000x128xf32>
    %mul3A_57 = arith.mulf %mul3A_55, %mul3A_56 : vector<2000x128xf32>
    %add3A_58 = vector.broadcast %get3A_39 : vector<1x128xf32> to vector<2000x128xf32>
    %add3A_59 = arith.addf %mul3A_57, %add3A_58 : vector<2000x128xf32>
    %get3A_60 = arith.constant 0 : index
    %get3A_61 = arith.constant 0 : index
    %get3A_62 = vector.load %arg1[%get3A_60, %get3A_61] : memref<1000x128xi32, #tpu.memory_space<vmem>>, vector<1000x128xi32>
    %bitcast_convert_type3A = tpu.bitcast %get3A_62 : vector<1000x128xi32> -> vector<1000x128xi32>
    %shift_left3A = arith.constant 16 : i32
    %shift_left3A_63 = vector.broadcast %shift_left3A : i32 to vector<1000x128xi32>
    %shift_left3A_64 = arith.shli %bitcast_convert_type3A, %shift_left3A_63 : vector<1000x128xi32>
    %bitcast_convert_type3A_65 = tpu.bitcast %shift_left3A_64 : vector<1000x128xi32> -> vector<1000x128xf32>
    %and3A = arith.constant -65536 : i32
    %and3A_66 = vector.broadcast %and3A : i32 to vector<1000x128xi32>
    %and3A_67 = arith.andi %bitcast_convert_type3A, %and3A_66 : vector<1000x128xi32>
    %bitcast_convert_type3A_68 = tpu.bitcast %and3A_67 : vector<1000x128xi32> -> vector<1000x128xf32>
    %slice3A = vector.extract_strided_slice %bitcast_convert_type3A_65 {offsets = [0, 0], sizes = [1000, 64], strides = [1, 1]} : vector<1000x128xf32> to vector<1000x64xf32>
    %slice3A_69 = vector.extract_strided_slice %bitcast_convert_type3A_68 {offsets = [0, 0], sizes = [1000, 64], strides = [1, 1]} : vector<1000x128xf32> to vector<1000x64xf32>
    %concatenate3A = tpu.concatenate %slice3A, %slice3A_69 in 1 : vector<1000x64xf32>, vector<1000x64xf32> -> vector<1000x128xf32>
    %slice3A_70 = vector.extract_strided_slice %bitcast_convert_type3A_65 {offsets = [0, 64], sizes = [1000, 64], strides = [1, 1]} : vector<1000x128xf32> to vector<1000x64xf32>
    %slice3A_71 = vector.extract_strided_slice %bitcast_convert_type3A_68 {offsets = [0, 64], sizes = [1000, 64], strides = [1, 1]} : vector<1000x128xf32> to vector<1000x64xf32>
    %concatenate3A_72 = tpu.concatenate %slice3A_70, %slice3A_71 in 1 : vector<1000x64xf32>, vector<1000x64xf32> -> vector<1000x128xf32>
    %concatenate3A_73 = tpu.concatenate %concatenate3A, %concatenate3A_72 in 0 : vector<1000x128xf32>, vector<1000x128xf32> -> vector<2000x128xf32>
    %get3A_74 = arith.constant 0 : index
    %get3A_75 = arith.constant 0 : index
    %get3A_76 = vector.load %arg2[%get3A_74, %get3A_75] : memref<1000x128xi32, #tpu.memory_space<vmem>>, vector<1000x128xi32>
    %bitcast_convert_type3A_77 = tpu.bitcast %get3A_76 : vector<1000x128xi32> -> vector<1000x128xi32>
    %shift_left3A_78 = arith.constant 16 : i32
    %shift_left3A_79 = vector.broadcast %shift_left3A_78 : i32 to vector<1000x128xi32>
    %shift_left3A_80 = arith.shli %bitcast_convert_type3A_77, %shift_left3A_79 : vector<1000x128xi32>
    %bitcast_convert_type3A_81 = tpu.bitcast %shift_left3A_80 : vector<1000x128xi32> -> vector<1000x128xf32>
    %and3A_82 = arith.constant -65536 : i32
    %and3A_83 = vector.broadcast %and3A_82 : i32 to vector<1000x128xi32>
    %and3A_84 = arith.andi %bitcast_convert_type3A_77, %and3A_83 : vector<1000x128xi32>
    %bitcast_convert_type3A_85 = tpu.bitcast %and3A_84 : vector<1000x128xi32> -> vector<1000x128xf32>
    %slice3A_86 = vector.extract_strided_slice %bitcast_convert_type3A_81 {offsets = [0, 0], sizes = [1000, 64], strides = [1, 1]} : vector<1000x128xf32> to vector<1000x64xf32>
    %slice3A_87 = vector.extract_strided_slice %bitcast_convert_type3A_85 {offsets = [0, 0], sizes = [1000, 64], strides = [1, 1]} : vector<1000x128xf32> to vector<1000x64xf32>
    %concatenate3A_88 = tpu.concatenate %slice3A_86, %slice3A_87 in 1 : vector<1000x64xf32>, vector<1000x64xf32> -> vector<1000x128xf32>
    %slice3A_89 = vector.extract_strided_slice %bitcast_convert_type3A_81 {offsets = [0, 64], sizes = [1000, 64], strides = [1, 1]} : vector<1000x128xf32> to vector<1000x64xf32>
    %slice3A_90 = vector.extract_strided_slice %bitcast_convert_type3A_85 {offsets = [0, 64], sizes = [1000, 64], strides = [1, 1]} : vector<1000x128xf32> to vector<1000x64xf32>
    %concatenate3A_91 = tpu.concatenate %slice3A_89, %slice3A_90 in 1 : vector<1000x64xf32>, vector<1000x64xf32> -> vector<1000x128xf32>
    %concatenate3A_92 = tpu.concatenate %concatenate3A_88, %concatenate3A_91 in 0 : vector<1000x128xf32>, vector<1000x128xf32> -> vector<2000x128xf32>
    %add3A_93 = arith.addf %concatenate3A_73, %concatenate3A_92 : vector<2000x128xf32>
    %get3A_94 = arith.constant 0 : index
    %get3A_95 = arith.constant 0 : index
    %get3A_96 = vector.load %arg10[%get3A_94, %get3A_95] : memref<128x128xf32, #tpu.memory_space<vmem>>, vector<128x128xf32>
    %dot_general3A_97 = arith.constant dense<0.000000e+00> : vector<2000x128xf32>
    %dot_general3A_98 = tpu.matmul %add3A_59, %get3A_96, %dot_general3A_97 {dimension_numbers = #tpu.dot_dimension_numbers<[1], [0], [0], [1], [0, 0, 1, 1], [], []>, transpose_lhs_hint = false} : vector<2000x128xf32>, vector<128x128xf32>, vector<2000x128xf32> -> vector<2000x128xf32>
    %add3A_99 = arith.addf %dot_general3A_98, %add3A_93 : vector<2000x128xf32>
    %get3A_100 = arith.constant 0 : index
    %get3A_101 = arith.constant 0 : index
    %get3A_102 = vector.load %arg11[%get3A_100, %get3A_101] : memref<1x128xf32, #tpu.memory_space<vmem>>, vector<1x128xf32>
    %add3A_103 = vector.broadcast %get3A_102 : vector<1x128xf32> to vector<2000x128xf32>
    %add3A_104 = arith.addf %add3A_99, %add3A_103 : vector<2000x128xf32>
    %integer_pow3A_105 = arith.mulf %add3A_104, %add3A_104 : vector<2000x128xf32>
    %integer_pow3A_106 = arith.mulf %add3A_104, %integer_pow3A_105 : vector<2000x128xf32>
    %mul3A_107 = arith.constant 4.471500e-02 : f32
    %mul3A_108 = vector.broadcast %mul3A_107 : f32 to vector<2000x128xf32>
    %mul3A_109 = arith.mulf %mul3A_108, %integer_pow3A_106 : vector<2000x128xf32>
    %add3A_110 = arith.addf %add3A_104, %mul3A_109 : vector<2000x128xf32>
    %mul3A_111 = arith.constant 0.797884583 : f32
    %mul3A_112 = vector.broadcast %mul3A_111 : f32 to vector<2000x128xf32>
    %mul3A_113 = arith.mulf %mul3A_112, %add3A_110 : vector<2000x128xf32>
    %tanh3A_114 = math.tanh %mul3A_113 : vector<2000x128xf32>
    %add3A_115 = arith.constant 1.000000e+00 : f32
    %add3A_116 = vector.broadcast %add3A_115 : f32 to vector<2000x128xf32>
    %add3A_117 = arith.addf %add3A_116, %tanh3A_114 : vector<2000x128xf32>
    %mul3A_118 = arith.constant 5.000000e-01 : f32
    %mul3A_119 = vector.broadcast %mul3A_118 : f32 to vector<2000x128xf32>
    %mul3A_120 = arith.mulf %mul3A_119, %add3A_117 : vector<2000x128xf32>
    %mul3A_121 = arith.mulf %add3A_104, %mul3A_120 : vector<2000x128xf32>
    %get3A_122 = arith.constant 0 : index
    %get3A_123 = arith.constant 0 : index
    %get3A_124 = vector.load %arg12[%get3A_122, %get3A_123] : memref<128x128xf32, #tpu.memory_space<vmem>>, vector<128x128xf32>
    %dot_general3A_125 = arith.constant dense<0.000000e+00> : vector<2000x128xf32>
    %dot_general3A_126 = tpu.matmul %mul3A_121, %get3A_124, %dot_general3A_125 {dimension_numbers = #tpu.dot_dimension_numbers<[1], [0], [0], [1], [0, 0, 1, 1], [], []>, transpose_lhs_hint = false} : vector<2000x128xf32>, vector<128x128xf32>, vector<2000x128xf32> -> vector<2000x128xf32>
    %get3A_127 = arith.constant 0 : index
    %get3A_128 = arith.constant 0 : index
    %get3A_129 = vector.load %arg13[%get3A_127, %get3A_128] : memref<1x128xf32, #tpu.memory_space<vmem>>, vector<1x128xf32>
    %add3A_130 = vector.broadcast %get3A_129 : vector<1x128xf32> to vector<2000x128xf32>
    %add3A_131 = arith.addf %dot_general3A_126, %add3A_130 : vector<2000x128xf32>
    %get3A_132 = arith.constant 0 : index
    %get3A_133 = arith.constant 0 : index
    %get3A_134 = vector.load %arg14[%get3A_132, %get3A_133] : memref<1x128xf32, #tpu.memory_space<vmem>>, vector<1x128xf32>
    %get3A_135 = arith.constant 0 : index
    %get3A_136 = arith.constant 0 : index
    %get3A_137 = vector.load %arg15[%get3A_135, %get3A_136] : memref<1x128xf32, #tpu.memory_space<vmem>>, vector<1x128xf32>
    %reduce_sum3A_138 = arith.constant dense<0.000000e+00> : vector<2000xf32>
    %reduce_sum3A_139 = vector.multi_reduction <add>, %add3A_131, %reduce_sum3A_138 [1] : vector<2000x128xf32> to vector<2000xf32>
    %broadcast_in_dim3A_140 = vector.shape_cast %reduce_sum3A_139 : vector<2000xf32> to vector<2000x1xf32>
    %div3A_141 = arith.constant 1.280000e+02 : f32
    %div3A_142 = vector.broadcast %div3A_141 : f32 to vector<2000x1xf32>
    %div3A_143 = arith.divf %broadcast_in_dim3A_140, %div3A_142 : vector<2000x1xf32>
    %sub3A_144 = vector.broadcast %div3A_143 : vector<2000x1xf32> to vector<2000x128xf32>
    %sub3A_145 = arith.subf %add3A_131, %sub3A_144 : vector<2000x128xf32>
    %mul3A_146 = arith.mulf %sub3A_145, %sub3A_145 : vector<2000x128xf32>
    %reduce_sum3A_147 = arith.constant dense<0.000000e+00> : vector<2000xf32>
    %reduce_sum3A_148 = vector.multi_reduction <add>, %mul3A_146, %reduce_sum3A_147 [1] : vector<2000x128xf32> to vector<2000xf32>
    %broadcast_in_dim3A_149 = vector.shape_cast %reduce_sum3A_148 : vector<2000xf32> to vector<2000x1xf32>
    %div3A_150 = arith.constant 1.280000e+02 : f32
    %div3A_151 = vector.broadcast %div3A_150 : f32 to vector<2000x1xf32>
    %div3A_152 = arith.divf %broadcast_in_dim3A_149, %div3A_151 : vector<2000x1xf32>
    %add3A_153 = arith.constant 9.99999974E-6 : f32
    %add3A_154 = vector.broadcast %add3A_153 : f32 to vector<2000x1xf32>
    %add3A_155 = arith.addf %div3A_152, %add3A_154 : vector<2000x1xf32>
    %rsqrt3A_156 = math.rsqrt %add3A_155 : vector<2000x1xf32>
    %mul3A_157 = vector.broadcast %rsqrt3A_156 : vector<2000x1xf32> to vector<2000x128xf32>
    %mul3A_158 = arith.mulf %sub3A_145, %mul3A_157 : vector<2000x128xf32>
    %mul3A_159 = vector.broadcast %get3A_134 : vector<1x128xf32> to vector<2000x128xf32>
    %mul3A_160 = arith.mulf %mul3A_158, %mul3A_159 : vector<2000x128xf32>
    %add3A_161 = vector.broadcast %get3A_137 : vector<1x128xf32> to vector<2000x128xf32>
    %add3A_162 = arith.addf %mul3A_160, %add3A_161 : vector<2000x128xf32>
    %swap3A = arith.constant 0 : index
    %swap3A_163 = arith.constant 0 : index
    %swap3A_164 = vector.load %arg16[%swap3A, %swap3A_163] : memref<2000x128xf32, #tpu.memory_space<vmem>>, vector<2000x128xf32>
    tpu.vector_store %arg16[%swap3A, %swap3A_163], %add3A_162 {strides = array<i32>} : memref<2000x128xf32, #tpu.memory_space<vmem>>, vector<2000x128xf32>,
    return
  }
  func.func @transform_0(%arg0: i32) -> (i32, i32) {
    %c0_i32 = arith.constant 0 : i32
    %c0_i32_0 = arith.constant 0 : i32
    return %arg0, %c0_i32 : i32, i32
  }
  func.func @transform_1(%arg0: i32) -> (i32, i32) {
    %c0_i32 = arith.constant 0 : i32
    %c0_i32_0 = arith.constant 0 : i32
    return %arg0, %c0_i32 : i32, i32
  }
  func.func @transform_2(%arg0: i32) -> (i32, i32) {
    %c0_i32 = arith.constant 0 : i32
    %c0_i32_0 = arith.constant 0 : i32
    return %arg0, %c0_i32 : i32, i32
  }
  func.func @transform_3(%arg0: i32) -> (i32, i32) {
    %c0_i32 = arith.constant 0 : i32
    %c0_i32_0 = arith.constant 0 : i32
    %c0_i32_1 = arith.constant 0 : i32
    return %c0_i32, %c0_i32_0 : i32, i32
  }
  func.func @transform_4(%arg0: i32) -> (i32, i32) {
    %c0_i32 = arith.constant 0 : i32
    %c0_i32_0 = arith.constant 0 : i32
    %c0_i32_1 = arith.constant 0 : i32
    return %c0_i32, %c0_i32_0 : i32, i32
  }
  func.func @transform_5(%arg0: i32) -> (i32, i32) {
    %c0_i32 = arith.constant 0 : i32
    %c0_i32_0 = arith.constant 0 : i32
    %c0_i32_1 = arith.constant 0 : i32
    return %c0_i32, %c0_i32_0 : i32, i32
  }
  func.func @transform_6(%arg0: i32) -> (i32, i32) {
    %c0_i32 = arith.constant 0 : i32
    %c0_i32_0 = arith.constant 0 : i32
    %c0_i32_1 = arith.constant 0 : i32
    return %c0_i32, %c0_i32_0 : i32, i32
  }
  func.func @transform_7(%arg0: i32) -> (i32, i32) {
    %c0_i32 = arith.constant 0 : i32
    %c0_i32_0 = arith.constant 0 : i32
    %c0_i32_1 = arith.constant 0 : i32
    return %c0_i32, %c0_i32_0 : i32, i32
  }
  func.func @transform_8(%arg0: i32) -> (i32, i32) {
    %c0_i32 = arith.constant 0 : i32
    %c0_i32_0 = arith.constant 0 : i32
    %c0_i32_1 = arith.constant 0 : i32
    return %c0_i32, %c0_i32_0 : i32, i32
  }
  func.func @transform_9(%arg0: i32) -> (i32, i32) {
    %c0_i32 = arith.constant 0 : i32
    %c0_i32_0 = arith.constant 0 : i32
    %c0_i32_1 = arith.constant 0 : i32
    return %c0_i32, %c0_i32_0 : i32, i32
  }
  func.func @transform_10(%arg0: i32) -> (i32, i32) {
    %c0_i32 = arith.constant 0 : i32
    %c0_i32_0 = arith.constant 0 : i32
    %c0_i32_1 = arith.constant 0 : i32
    return %c0_i32, %c0_i32_0 : i32, i32
  }
  func.func @transform_11(%arg0: i32) -> (i32, i32) {
    %c0_i32 = arith.constant 0 : i32
    %c0_i32_0 = arith.constant 0 : i32
    %c0_i32_1 = arith.constant 0 : i32
    return %c0_i32, %c0_i32_0 : i32, i32
  }
  func.func @transform_12(%arg0: i32) -> (i32, i32) {
    %c0_i32 = arith.constant 0 : i32
    %c0_i32_0 = arith.constant 0 : i32
    %c0_i32_1 = arith.constant 0 : i32
    return %c0_i32, %c0_i32_0 : i32, i32
  }
  func.func @transform_13(%arg0: i32) -> (i32, i32) {
    %c0_i32 = arith.constant 0 : i32
    %c0_i32_0 = arith.constant 0 : i32
    %c0_i32_1 = arith.constant 0 : i32
    return %c0_i32, %c0_i32_0 : i32, i32
  }
  func.func @transform_14(%arg0: i32) -> (i32, i32) {
    %c0_i32 = arith.constant 0 : i32
    %c0_i32_0 = arith.constant 0 : i32
    %c0_i32_1 = arith.constant 0 : i32
    return %c0_i32, %c0_i32_0 : i32, i32
  }
  func.func @transform_15(%arg0: i32) -> (i32, i32) {
    %c0_i32 = arith.constant 0 : i32
    %c0_i32_0 = arith.constant 0 : i32
    return %arg0, %c0_i32 : i32, i32
  }
}

module attributes {stable_mosaic.version = 14 : i64} {
  func.func @_node_y_body(%arg0: i32, %arg1: memref<2000x128xf32, #tpu.memory_space<vmem>>, %arg2: memref<2000x128xf32, #tpu.memory_space<vmem>>, %arg3: memref<2000x128xf32, #tpu.memory_space<vmem>>, %arg4: memref<128x128xf32, #tpu.memory_space<vmem>>, %arg5: memref<128x128xf32, #tpu.memory_space<vmem>>, %arg6: memref<1x128xf32, #tpu.memory_space<vmem>>, %arg7: memref<128x128xf32, #tpu.memory_space<vmem>>, %arg8: memref<1x128xf32, #tpu.memory_space<vmem>>, %arg9: memref<1x128xf32, #tpu.memory_space<vmem>>, %arg10: memref<1x128xf32, #tpu.memory_space<vmem>>, %arg11: memref<128x128xf32, #tpu.memory_space<vmem>>, %arg12: memref<128x128xf32, #tpu.memory_space<vmem>>, %arg13: memref<2000x128xf32, #tpu.memory_space<vmem>>, %arg14: memref<2000x64xi32, #tpu.memory_space<vmem>>, %arg15: memref<2000x64xi32, #tpu.memory_space<vmem>>) attributes {dimension_semantics = [#tpu.dimension_semantics<arbitrary>], iteration_bounds = array<i64: 5>, scalar_prefetch = 0 : i64, scratch_operands = 0 : i64, tpu.core_type = #tpu.core_type<tc>, window_params = [{transform_indices = @transform_0, window_bounds = array<i64: 2000, 128>}, {transform_indices = @transform_1, window_bounds = array<i64: 2000, 128>}, {transform_indices = @transform_2, window_bounds = array<i64: 2000, 128>}, {pipeline_mode = #tpu.pipeline_mode<synchronous>, transform_indices = @transform_3, window_bounds = array<i64: 128, 128>}, {pipeline_mode = #tpu.pipeline_mode<synchronous>, transform_indices = @transform_4, window_bounds = array<i64: 128, 128>}, {pipeline_mode = #tpu.pipeline_mode<synchronous>, transform_indices = @transform_5, window_bounds = array<i64: 1, 128>}, {pipeline_mode = #tpu.pipeline_mode<synchronous>, transform_indices = @transform_6, window_bounds = array<i64: 128, 128>}, {pipeline_mode = #tpu.pipeline_mode<synchronous>, transform_indices = @transform_7, window_bounds = array<i64: 1, 128>}, {pipeline_mode = #tpu.pipeline_mode<synchronous>, transform_indices = @transform_8, window_bounds = array<i64: 1, 128>}, {pipeline_mode = #tpu.pipeline_mode<synchronous>, transform_indices = @transform_9, window_bounds = array<i64: 1, 128>}, {pipeline_mode = #tpu.pipeline_mode<synchronous>, transform_indices = @transform_10, window_bounds = array<i64: 128, 128>}, {pipeline_mode = #tpu.pipeline_mode<synchronous>, transform_indices = @transform_11, window_bounds = array<i64: 128, 128>}, {transform_indices = @transform_12, window_bounds = array<i64: 2000, 128>}, {transform_indices = @transform_13, window_bounds = array<i64: 2000, 64>}, {transform_indices = @transform_14, window_bounds = array<i64: 2000, 64>}]} {
    %get3A = arith.constant 0 : index
    %get3A_0 = arith.constant 0 : index
    %get3A_1 = vector.load %arg1[%get3A, %get3A_0] : memref<2000x128xf32, #tpu.memory_space<vmem>>, vector<2000x128xf32>
    %get3A_2 = arith.constant 0 : index
    %get3A_3 = arith.constant 0 : index
    %get3A_4 = vector.load %arg2[%get3A_2, %get3A_3] : memref<2000x128xf32, #tpu.memory_space<vmem>>, vector<2000x128xf32>
    %get3A_5 = arith.constant 0 : index
    %get3A_6 = arith.constant 0 : index
    %get3A_7 = vector.load %arg3[%get3A_5, %get3A_6] : memref<2000x128xf32, #tpu.memory_space<vmem>>, vector<2000x128xf32>
    %add3A = arith.addf %get3A_4, %get3A_7 : vector<2000x128xf32>
    %get3A_8 = arith.constant 0 : index
    %get3A_9 = arith.constant 0 : index
    %get3A_10 = vector.load %arg4[%get3A_8, %get3A_9] : memref<128x128xf32, #tpu.memory_space<vmem>>, vector<128x128xf32>
    %dot_general3A = arith.constant dense<0.000000e+00> : vector<2000x128xf32>
    %dot_general3A_11 = tpu.matmul %get3A_1, %get3A_10, %dot_general3A {dimension_numbers = #tpu.dot_dimension_numbers<[1], [0], [0], [1], [0, 0, 1, 1], [], []>, transpose_lhs_hint = false} : vector<2000x128xf32>, vector<128x128xf32>, vector<2000x128xf32> -> vector<2000x128xf32>
    %get3A_12 = arith.constant 0 : index
    %get3A_13 = arith.constant 0 : index
    %get3A_14 = vector.load %arg5[%get3A_12, %get3A_13] : memref<128x128xf32, #tpu.memory_space<vmem>>, vector<128x128xf32>
    %dot_general3A_15 = arith.constant dense<0.000000e+00> : vector<2000x128xf32>
    %dot_general3A_16 = tpu.matmul %add3A, %get3A_14, %dot_general3A_15 {dimension_numbers = #tpu.dot_dimension_numbers<[1], [0], [0], [1], [0, 0, 1, 1], [], []>, transpose_lhs_hint = false} : vector<2000x128xf32>, vector<128x128xf32>, vector<2000x128xf32> -> vector<2000x128xf32>
    %add3A_17 = arith.addf %dot_general3A_11, %dot_general3A_16 : vector<2000x128xf32>
    %get3A_18 = arith.constant 0 : index
    %get3A_19 = arith.constant 0 : index
    %get3A_20 = vector.load %arg6[%get3A_18, %get3A_19] : memref<1x128xf32, #tpu.memory_space<vmem>>, vector<1x128xf32>
    %add3A_21 = vector.broadcast %get3A_20 : vector<1x128xf32> to vector<2000x128xf32>
    %add3A_22 = arith.addf %add3A_17, %add3A_21 : vector<2000x128xf32>
    %integer_pow3A = arith.mulf %add3A_22, %add3A_22 : vector<2000x128xf32>
    %integer_pow3A_23 = arith.mulf %add3A_22, %integer_pow3A : vector<2000x128xf32>
    %mul3A = arith.constant 4.471500e-02 : f32
    %mul3A_24 = vector.broadcast %mul3A : f32 to vector<2000x128xf32>
    %mul3A_25 = arith.mulf %mul3A_24, %integer_pow3A_23 : vector<2000x128xf32>
    %add3A_26 = arith.addf %add3A_22, %mul3A_25 : vector<2000x128xf32>
    %mul3A_27 = arith.constant 0.797884583 : f32
    %mul3A_28 = vector.broadcast %mul3A_27 : f32 to vector<2000x128xf32>
    %mul3A_29 = arith.mulf %mul3A_28, %add3A_26 : vector<2000x128xf32>
    %tanh3A = math.tanh %mul3A_29 : vector<2000x128xf32>
    %add3A_30 = arith.constant 1.000000e+00 : f32
    %add3A_31 = vector.broadcast %add3A_30 : f32 to vector<2000x128xf32>
    %add3A_32 = arith.addf %add3A_31, %tanh3A : vector<2000x128xf32>
    %mul3A_33 = arith.constant 5.000000e-01 : f32
    %mul3A_34 = vector.broadcast %mul3A_33 : f32 to vector<2000x128xf32>
    %mul3A_35 = arith.mulf %mul3A_34, %add3A_32 : vector<2000x128xf32>
    %mul3A_36 = arith.mulf %add3A_22, %mul3A_35 : vector<2000x128xf32>
    %get3A_37 = arith.constant 0 : index
    %get3A_38 = arith.constant 0 : index
    %get3A_39 = vector.load %arg7[%get3A_37, %get3A_38] : memref<128x128xf32, #tpu.memory_space<vmem>>, vector<128x128xf32>
    %dot_general3A_40 = arith.constant dense<0.000000e+00> : vector<2000x128xf32>
    %dot_general3A_41 = tpu.matmul %mul3A_36, %get3A_39, %dot_general3A_40 {dimension_numbers = #tpu.dot_dimension_numbers<[1], [0], [0], [1], [0, 0, 1, 1], [], []>, transpose_lhs_hint = false} : vector<2000x128xf32>, vector<128x128xf32>, vector<2000x128xf32> -> vector<2000x128xf32>
    %get3A_42 = arith.constant 0 : index
    %get3A_43 = arith.constant 0 : index
    %get3A_44 = vector.load %arg8[%get3A_42, %get3A_43] : memref<1x128xf32, #tpu.memory_space<vmem>>, vector<1x128xf32>
    %add3A_45 = vector.broadcast %get3A_44 : vector<1x128xf32> to vector<2000x128xf32>
    %add3A_46 = arith.addf %dot_general3A_41, %add3A_45 : vector<2000x128xf32>
    %get3A_47 = arith.constant 0 : index
    %get3A_48 = arith.constant 0 : index
    %get3A_49 = vector.load %arg9[%get3A_47, %get3A_48] : memref<1x128xf32, #tpu.memory_space<vmem>>, vector<1x128xf32>
    %get3A_50 = arith.constant 0 : index
    %get3A_51 = arith.constant 0 : index
    %get3A_52 = vector.load %arg10[%get3A_50, %get3A_51] : memref<1x128xf32, #tpu.memory_space<vmem>>, vector<1x128xf32>
    %reduce_sum3A = arith.constant dense<0.000000e+00> : vector<2000xf32>
    %reduce_sum3A_53 = vector.multi_reduction <add>, %add3A_46, %reduce_sum3A [1] : vector<2000x128xf32> to vector<2000xf32>
    %broadcast_in_dim3A = vector.shape_cast %reduce_sum3A_53 : vector<2000xf32> to vector<2000x1xf32>
    %div3A = arith.constant 1.280000e+02 : f32
    %div3A_54 = vector.broadcast %div3A : f32 to vector<2000x1xf32>
    %div3A_55 = arith.divf %broadcast_in_dim3A, %div3A_54 : vector<2000x1xf32>
    %sub3A = vector.broadcast %div3A_55 : vector<2000x1xf32> to vector<2000x128xf32>
    %sub3A_56 = arith.subf %add3A_46, %sub3A : vector<2000x128xf32>
    %mul3A_57 = arith.mulf %sub3A_56, %sub3A_56 : vector<2000x128xf32>
    %reduce_sum3A_58 = arith.constant dense<0.000000e+00> : vector<2000xf32>
    %reduce_sum3A_59 = vector.multi_reduction <add>, %mul3A_57, %reduce_sum3A_58 [1] : vector<2000x128xf32> to vector<2000xf32>
    %broadcast_in_dim3A_60 = vector.shape_cast %reduce_sum3A_59 : vector<2000xf32> to vector<2000x1xf32>
    %div3A_61 = arith.constant 1.280000e+02 : f32
    %div3A_62 = vector.broadcast %div3A_61 : f32 to vector<2000x1xf32>
    %div3A_63 = arith.divf %broadcast_in_dim3A_60, %div3A_62 : vector<2000x1xf32>
    %add3A_64 = arith.constant 9.99999974E-6 : f32
    %add3A_65 = vector.broadcast %add3A_64 : f32 to vector<2000x1xf32>
    %add3A_66 = arith.addf %div3A_63, %add3A_65 : vector<2000x1xf32>
    %rsqrt3A = math.rsqrt %add3A_66 : vector<2000x1xf32>
    %mul3A_67 = vector.broadcast %rsqrt3A : vector<2000x1xf32> to vector<2000x128xf32>
    %mul3A_68 = arith.mulf %sub3A_56, %mul3A_67 : vector<2000x128xf32>
    %mul3A_69 = vector.broadcast %get3A_49 : vector<1x128xf32> to vector<2000x128xf32>
    %mul3A_70 = arith.mulf %mul3A_68, %mul3A_69 : vector<2000x128xf32>
    %add3A_71 = vector.broadcast %get3A_52 : vector<1x128xf32> to vector<2000x128xf32>
    %add3A_72 = arith.addf %mul3A_70, %add3A_71 : vector<2000x128xf32>
    %add3A_73 = arith.addf %add3A_72, %get3A_1 : vector<2000x128xf32>
    %swap3A = arith.constant 0 : index
    %swap3A_74 = arith.constant 0 : index
    %swap3A_75 = vector.load %arg13[%swap3A, %swap3A_74] : memref<2000x128xf32, #tpu.memory_space<vmem>>, vector<2000x128xf32>
    tpu.vector_store %arg13[%swap3A, %swap3A_74], %add3A_73 {strides = array<i32>} : memref<2000x128xf32, #tpu.memory_space<vmem>>, vector<2000x128xf32>,
    %get3A_76 = arith.constant 0 : index
    %get3A_77 = arith.constant 0 : index
    %get3A_78 = vector.load %arg11[%get3A_76, %get3A_77] : memref<128x128xf32, #tpu.memory_space<vmem>>, vector<128x128xf32>
    %dot_general3A_79 = arith.constant dense<0.000000e+00> : vector<2000x128xf32>
    %dot_general3A_80 = tpu.matmul %add3A_73, %get3A_78, %dot_general3A_79 {dimension_numbers = #tpu.dot_dimension_numbers<[1], [0], [0], [1], [0, 0, 1, 1], [], []>, transpose_lhs_hint = false} : vector<2000x128xf32>, vector<128x128xf32>, vector<2000x128xf32> -> vector<2000x128xf32>
    %convert_element_type3A = arith.truncf %dot_general3A_80 : vector<2000x128xf32> to vector<2000x128xbf16>
    %bitcast_convert_type3A = tpu.bitcast %convert_element_type3A : vector<2000x128xbf16> -> vector<2000x128xi16>
    %slice3A = vector.extract_strided_slice %bitcast_convert_type3A {offsets = [0, 0], sizes = [2000, 64], strides = [1, 1]} : vector<2000x128xi16> to vector<2000x64xi16>
    %convert_element_type3A_81 = arith.extui %slice3A : vector<2000x64xi16> to vector<2000x64xi32>
    %slice3A_82 = vector.extract_strided_slice %bitcast_convert_type3A {offsets = [0, 64], sizes = [2000, 64], strides = [1, 1]} : vector<2000x128xi16> to vector<2000x64xi16>
    %convert_element_type3A_83 = arith.extui %slice3A_82 : vector<2000x64xi16> to vector<2000x64xi32>
    %shift_left3A = arith.constant 16 : i32
    %shift_left3A_84 = vector.broadcast %shift_left3A : i32 to vector<2000x64xi32>
    %shift_left3A_85 = arith.shli %convert_element_type3A_83, %shift_left3A_84 : vector<2000x64xi32>
    %or3A = arith.ori %convert_element_type3A_81, %shift_left3A_85 : vector<2000x64xi32>
    %bitcast_convert_type3A_86 = tpu.bitcast %or3A : vector<2000x64xi32> -> vector<2000x64xi32>
    %swap3A_87 = arith.constant 0 : index
    %swap3A_88 = arith.constant 0 : index
    %swap3A_89 = vector.load %arg14[%swap3A_87, %swap3A_88] : memref<2000x64xi32, #tpu.memory_space<vmem>>, vector<2000x64xi32>
    tpu.vector_store %arg14[%swap3A_87, %swap3A_88], %bitcast_convert_type3A_86 {strides = array<i32>} : memref<2000x64xi32, #tpu.memory_space<vmem>>, vector<2000x64xi32>,
    %get3A_90 = arith.constant 0 : index
    %get3A_91 = arith.constant 0 : index
    %get3A_92 = vector.load %arg12[%get3A_90, %get3A_91] : memref<128x128xf32, #tpu.memory_space<vmem>>, vector<128x128xf32>
    %dot_general3A_93 = arith.constant dense<0.000000e+00> : vector<2000x128xf32>
    %dot_general3A_94 = tpu.matmul %add3A_73, %get3A_92, %dot_general3A_93 {dimension_numbers = #tpu.dot_dimension_numbers<[1], [0], [0], [1], [0, 0, 1, 1], [], []>, transpose_lhs_hint = false} : vector<2000x128xf32>, vector<128x128xf32>, vector<2000x128xf32> -> vector<2000x128xf32>
    %convert_element_type3A_95 = arith.truncf %dot_general3A_94 : vector<2000x128xf32> to vector<2000x128xbf16>
    %bitcast_convert_type3A_96 = tpu.bitcast %convert_element_type3A_95 : vector<2000x128xbf16> -> vector<2000x128xi16>
    %slice3A_97 = vector.extract_strided_slice %bitcast_convert_type3A_96 {offsets = [0, 0], sizes = [2000, 64], strides = [1, 1]} : vector<2000x128xi16> to vector<2000x64xi16>
    %convert_element_type3A_98 = arith.extui %slice3A_97 : vector<2000x64xi16> to vector<2000x64xi32>
    %slice3A_99 = vector.extract_strided_slice %bitcast_convert_type3A_96 {offsets = [0, 64], sizes = [2000, 64], strides = [1, 1]} : vector<2000x128xi16> to vector<2000x64xi16>
    %convert_element_type3A_100 = arith.extui %slice3A_99 : vector<2000x64xi16> to vector<2000x64xi32>
    %shift_left3A_101 = arith.constant 16 : i32
    %shift_left3A_102 = vector.broadcast %shift_left3A_101 : i32 to vector<2000x64xi32>
    %shift_left3A_103 = arith.shli %convert_element_type3A_100, %shift_left3A_102 : vector<2000x64xi32>
    %or3A_104 = arith.ori %convert_element_type3A_98, %shift_left3A_103 : vector<2000x64xi32>
    %bitcast_convert_type3A_105 = tpu.bitcast %or3A_104 : vector<2000x64xi32> -> vector<2000x64xi32>
    %swap3A_106 = arith.constant 0 : index
    %swap3A_107 = arith.constant 0 : index
    %swap3A_108 = vector.load %arg15[%swap3A_106, %swap3A_107] : memref<2000x64xi32, #tpu.memory_space<vmem>>, vector<2000x64xi32>
    tpu.vector_store %arg15[%swap3A_106, %swap3A_107], %bitcast_convert_type3A_105 {strides = array<i32>} : memref<2000x64xi32, #tpu.memory_space<vmem>>, vector<2000x64xi32>,
    return
  }
  func.func @transform_0(%arg0: i32) -> (i32, i32) {
    %c0_i32 = arith.constant 0 : i32
    %c0_i32_0 = arith.constant 0 : i32
    return %arg0, %c0_i32 : i32, i32
  }
  func.func @transform_1(%arg0: i32) -> (i32, i32) {
    %c0_i32 = arith.constant 0 : i32
    %c0_i32_0 = arith.constant 0 : i32
    return %arg0, %c0_i32 : i32, i32
  }
  func.func @transform_2(%arg0: i32) -> (i32, i32) {
    %c0_i32 = arith.constant 0 : i32
    %c0_i32_0 = arith.constant 0 : i32
    return %arg0, %c0_i32 : i32, i32
  }
  func.func @transform_3(%arg0: i32) -> (i32, i32) {
    %c0_i32 = arith.constant 0 : i32
    %c0_i32_0 = arith.constant 0 : i32
    %c0_i32_1 = arith.constant 0 : i32
    return %c0_i32, %c0_i32_0 : i32, i32
  }
  func.func @transform_4(%arg0: i32) -> (i32, i32) {
    %c0_i32 = arith.constant 0 : i32
    %c0_i32_0 = arith.constant 0 : i32
    %c0_i32_1 = arith.constant 0 : i32
    return %c0_i32, %c0_i32_0 : i32, i32
  }
  func.func @transform_5(%arg0: i32) -> (i32, i32) {
    %c0_i32 = arith.constant 0 : i32
    %c0_i32_0 = arith.constant 0 : i32
    %c0_i32_1 = arith.constant 0 : i32
    return %c0_i32, %c0_i32_0 : i32, i32
  }
  func.func @transform_6(%arg0: i32) -> (i32, i32) {
    %c0_i32 = arith.constant 0 : i32
    %c0_i32_0 = arith.constant 0 : i32
    %c0_i32_1 = arith.constant 0 : i32
    return %c0_i32, %c0_i32_0 : i32, i32
  }
  func.func @transform_7(%arg0: i32) -> (i32, i32) {
    %c0_i32 = arith.constant 0 : i32
    %c0_i32_0 = arith.constant 0 : i32
    %c0_i32_1 = arith.constant 0 : i32
    return %c0_i32, %c0_i32_0 : i32, i32
  }
  func.func @transform_8(%arg0: i32) -> (i32, i32) {
    %c0_i32 = arith.constant 0 : i32
    %c0_i32_0 = arith.constant 0 : i32
    %c0_i32_1 = arith.constant 0 : i32
    return %c0_i32, %c0_i32_0 : i32, i32
  }
  func.func @transform_9(%arg0: i32) -> (i32, i32) {
    %c0_i32 = arith.constant 0 : i32
    %c0_i32_0 = arith.constant 0 : i32
    %c0_i32_1 = arith.constant 0 : i32
    return %c0_i32, %c0_i32_0 : i32, i32
  }
  func.func @transform_10(%arg0: i32) -> (i32, i32) {
    %c0_i32 = arith.constant 0 : i32
    %c0_i32_0 = arith.constant 0 : i32
    %c0_i32_1 = arith.constant 0 : i32
    return %c0_i32, %c0_i32_0 : i32, i32
  }
  func.func @transform_11(%arg0: i32) -> (i32, i32) {
    %c0_i32 = arith.constant 0 : i32
    %c0_i32_0 = arith.constant 0 : i32
    %c0_i32_1 = arith.constant 0 : i32
    return %c0_i32, %c0_i32_0 : i32, i32
  }
  func.func @transform_12(%arg0: i32) -> (i32, i32) {
    %c0_i32 = arith.constant 0 : i32
    %c0_i32_0 = arith.constant 0 : i32
    return %arg0, %c0_i32 : i32, i32
  }
  func.func @transform_13(%arg0: i32) -> (i32, i32) {
    %c0_i32 = arith.constant 0 : i32
    %c0_i32_0 = arith.constant 0 : i32
    return %arg0, %c0_i32 : i32, i32
  }
  func.func @transform_14(%arg0: i32) -> (i32, i32) {
    %c0_i32 = arith.constant 0 : i32
    %c0_i32_0 = arith.constant 0 : i32
    return %arg0, %c0_i32 : i32, i32
  }
}

module attributes {stable_mosaic.version = 14 : i64} {
  func.func @_edge_body(%arg0: i32, %arg1: memref<1000x128xi32, #tpu.memory_space<vmem>>, %arg2: memref<1000x128xi32, #tpu.memory_space<vmem>>, %arg3: memref<2000x128xf32, #tpu.memory_space<vmem>>, %arg4: memref<128x128xf32, #tpu.memory_space<vmem>>, %arg5: memref<1x128xf32, #tpu.memory_space<vmem>>, %arg6: memref<128x128xf32, #tpu.memory_space<vmem>>, %arg7: memref<1x128xf32, #tpu.memory_space<vmem>>, %arg8: memref<1x128xf32, #tpu.memory_space<vmem>>, %arg9: memref<1x128xf32, #tpu.memory_space<vmem>>, %arg10: memref<2000x128xf32, #tpu.memory_space<vmem>>) attributes {dimension_semantics = [#tpu.dimension_semantics<arbitrary>], iteration_bounds = array<i64: 160>, scalar_prefetch = 0 : i64, scratch_operands = 0 : i64, tpu.core_type = #tpu.core_type<tc>, window_params = [{transform_indices = @transform_0, window_bounds = array<i64: 1000, 128>}, {transform_indices = @transform_1, window_bounds = array<i64: 1000, 128>}, {transform_indices = @transform_2, window_bounds = array<i64: 2000, 128>}, {pipeline_mode = #tpu.pipeline_mode<synchronous>, transform_indices = @transform_3, window_bounds = array<i64: 128, 128>}, {pipeline_mode = #tpu.pipeline_mode<synchronous>, transform_indices = @transform_4, window_bounds = array<i64: 1, 128>}, {pipeline_mode = #tpu.pipeline_mode<synchronous>, transform_indices = @transform_5, window_bounds = array<i64: 128, 128>}, {pipeline_mode = #tpu.pipeline_mode<synchronous>, transform_indices = @transform_6, window_bounds = array<i64: 1, 128>}, {pipeline_mode = #tpu.pipeline_mode<synchronous>, transform_indices = @transform_7, window_bounds = array<i64: 1, 128>}, {pipeline_mode = #tpu.pipeline_mode<synchronous>, transform_indices = @transform_8, window_bounds = array<i64: 1, 128>}, {transform_indices = @transform_9, window_bounds = array<i64: 2000, 128>}]} {
    %get3A = arith.constant 0 : index
    %get3A_0 = arith.constant 0 : index
    %get3A_1 = vector.load %arg1[%get3A, %get3A_0] : memref<1000x128xi32, #tpu.memory_space<vmem>>, vector<1000x128xi32>
    %bitcast_convert_type3A = tpu.bitcast %get3A_1 : vector<1000x128xi32> -> vector<1000x128xi32>
    %shift_left3A = arith.constant 16 : i32
    %shift_left3A_2 = vector.broadcast %shift_left3A : i32 to vector<1000x128xi32>
    %shift_left3A_3 = arith.shli %bitcast_convert_type3A, %shift_left3A_2 : vector<1000x128xi32>
    %bitcast_convert_type3A_4 = tpu.bitcast %shift_left3A_3 : vector<1000x128xi32> -> vector<1000x128xf32>
    %and3A = arith.constant -65536 : i32
    %and3A_5 = vector.broadcast %and3A : i32 to vector<1000x128xi32>
    %and3A_6 = arith.andi %bitcast_convert_type3A, %and3A_5 : vector<1000x128xi32>
    %bitcast_convert_type3A_7 = tpu.bitcast %and3A_6 : vector<1000x128xi32> -> vector<1000x128xf32>
    %slice3A = vector.extract_strided_slice %bitcast_convert_type3A_4 {offsets = [0, 0], sizes = [1000, 64], strides = [1, 1]} : vector<1000x128xf32> to vector<1000x64xf32>
    %slice3A_8 = vector.extract_strided_slice %bitcast_convert_type3A_7 {offsets = [0, 0], sizes = [1000, 64], strides = [1, 1]} : vector<1000x128xf32> to vector<1000x64xf32>
    %concatenate3A = tpu.concatenate %slice3A, %slice3A_8 in 1 : vector<1000x64xf32>, vector<1000x64xf32> -> vector<1000x128xf32>
    %slice3A_9 = vector.extract_strided_slice %bitcast_convert_type3A_4 {offsets = [0, 64], sizes = [1000, 64], strides = [1, 1]} : vector<1000x128xf32> to vector<1000x64xf32>
    %slice3A_10 = vector.extract_strided_slice %bitcast_convert_type3A_7 {offsets = [0, 64], sizes = [1000, 64], strides = [1, 1]} : vector<1000x128xf32> to vector<1000x64xf32>
    %concatenate3A_11 = tpu.concatenate %slice3A_9, %slice3A_10 in 1 : vector<1000x64xf32>, vector<1000x64xf32> -> vector<1000x128xf32>
    %concatenate3A_12 = tpu.concatenate %concatenate3A, %concatenate3A_11 in 0 : vector<1000x128xf32>, vector<1000x128xf32> -> vector<2000x128xf32>
    %get3A_13 = arith.constant 0 : index
    %get3A_14 = arith.constant 0 : index
    %get3A_15 = vector.load %arg2[%get3A_13, %get3A_14] : memref<1000x128xi32, #tpu.memory_space<vmem>>, vector<1000x128xi32>
    %bitcast_convert_type3A_16 = tpu.bitcast %get3A_15 : vector<1000x128xi32> -> vector<1000x128xi32>
    %shift_left3A_17 = arith.constant 16 : i32
    %shift_left3A_18 = vector.broadcast %shift_left3A_17 : i32 to vector<1000x128xi32>
    %shift_left3A_19 = arith.shli %bitcast_convert_type3A_16, %shift_left3A_18 : vector<1000x128xi32>
    %bitcast_convert_type3A_20 = tpu.bitcast %shift_left3A_19 : vector<1000x128xi32> -> vector<1000x128xf32>
    %and3A_21 = arith.constant -65536 : i32
    %and3A_22 = vector.broadcast %and3A_21 : i32 to vector<1000x128xi32>
    %and3A_23 = arith.andi %bitcast_convert_type3A_16, %and3A_22 : vector<1000x128xi32>
    %bitcast_convert_type3A_24 = tpu.bitcast %and3A_23 : vector<1000x128xi32> -> vector<1000x128xf32>
    %slice3A_25 = vector.extract_strided_slice %bitcast_convert_type3A_20 {offsets = [0, 0], sizes = [1000, 64], strides = [1, 1]} : vector<1000x128xf32> to vector<1000x64xf32>
    %slice3A_26 = vector.extract_strided_slice %bitcast_convert_type3A_24 {offsets = [0, 0], sizes = [1000, 64], strides = [1, 1]} : vector<1000x128xf32> to vector<1000x64xf32>
    %concatenate3A_27 = tpu.concatenate %slice3A_25, %slice3A_26 in 1 : vector<1000x64xf32>, vector<1000x64xf32> -> vector<1000x128xf32>
    %slice3A_28 = vector.extract_strided_slice %bitcast_convert_type3A_20 {offsets = [0, 64], sizes = [1000, 64], strides = [1, 1]} : vector<1000x128xf32> to vector<1000x64xf32>
    %slice3A_29 = vector.extract_strided_slice %bitcast_convert_type3A_24 {offsets = [0, 64], sizes = [1000, 64], strides = [1, 1]} : vector<1000x128xf32> to vector<1000x64xf32>
    %concatenate3A_30 = tpu.concatenate %slice3A_28, %slice3A_29 in 1 : vector<1000x64xf32>, vector<1000x64xf32> -> vector<1000x128xf32>
    %concatenate3A_31 = tpu.concatenate %concatenate3A_27, %concatenate3A_30 in 0 : vector<1000x128xf32>, vector<1000x128xf32> -> vector<2000x128xf32>
    %add3A = arith.addf %concatenate3A_12, %concatenate3A_31 : vector<2000x128xf32>
    %get3A_32 = arith.constant 0 : index
    %get3A_33 = arith.constant 0 : index
    %get3A_34 = vector.load %arg3[%get3A_32, %get3A_33] : memref<2000x128xf32, #tpu.memory_space<vmem>>, vector<2000x128xf32>
    %get3A_35 = arith.constant 0 : index
    %get3A_36 = arith.constant 0 : index
    %get3A_37 = vector.load %arg4[%get3A_35, %get3A_36] : memref<128x128xf32, #tpu.memory_space<vmem>>, vector<128x128xf32>
    %dot_general3A = arith.constant dense<0.000000e+00> : vector<2000x128xf32>
    %dot_general3A_38 = tpu.matmul %get3A_34, %get3A_37, %dot_general3A {dimension_numbers = #tpu.dot_dimension_numbers<[1], [0], [0], [1], [0, 0, 1, 1], [], []>, transpose_lhs_hint = false} : vector<2000x128xf32>, vector<128x128xf32>, vector<2000x128xf32> -> vector<2000x128xf32>
    %add3A_39 = arith.addf %dot_general3A_38, %add3A : vector<2000x128xf32>
    %get3A_40 = arith.constant 0 : index
    %get3A_41 = arith.constant 0 : index
    %get3A_42 = vector.load %arg5[%get3A_40, %get3A_41] : memref<1x128xf32, #tpu.memory_space<vmem>>, vector<1x128xf32>
    %add3A_43 = vector.broadcast %get3A_42 : vector<1x128xf32> to vector<2000x128xf32>
    %add3A_44 = arith.addf %add3A_39, %add3A_43 : vector<2000x128xf32>
    %integer_pow3A = arith.mulf %add3A_44, %add3A_44 : vector<2000x128xf32>
    %integer_pow3A_45 = arith.mulf %add3A_44, %integer_pow3A : vector<2000x128xf32>
    %mul3A = arith.constant 4.471500e-02 : f32
    %mul3A_46 = vector.broadcast %mul3A : f32 to vector<2000x128xf32>
    %mul3A_47 = arith.mulf %mul3A_46, %integer_pow3A_45 : vector<2000x128xf32>
    %add3A_48 = arith.addf %add3A_44, %mul3A_47 : vector<2000x128xf32>
    %mul3A_49 = arith.constant 0.797884583 : f32
    %mul3A_50 = vector.broadcast %mul3A_49 : f32 to vector<2000x128xf32>
    %mul3A_51 = arith.mulf %mul3A_50, %add3A_48 : vector<2000x128xf32>
    %tanh3A = math.tanh %mul3A_51 : vector<2000x128xf32>
    %add3A_52 = arith.constant 1.000000e+00 : f32
    %add3A_53 = vector.broadcast %add3A_52 : f32 to vector<2000x128xf32>
    %add3A_54 = arith.addf %add3A_53, %tanh3A : vector<2000x128xf32>
    %mul3A_55 = arith.constant 5.000000e-01 : f32
    %mul3A_56 = vector.broadcast %mul3A_55 : f32 to vector<2000x128xf32>
    %mul3A_57 = arith.mulf %mul3A_56, %add3A_54 : vector<2000x128xf32>
    %mul3A_58 = arith.mulf %add3A_44, %mul3A_57 : vector<2000x128xf32>
    %get3A_59 = arith.constant 0 : index
    %get3A_60 = arith.constant 0 : index
    %get3A_61 = vector.load %arg6[%get3A_59, %get3A_60] : memref<128x128xf32, #tpu.memory_space<vmem>>, vector<128x128xf32>
    %dot_general3A_62 = arith.constant dense<0.000000e+00> : vector<2000x128xf32>
    %dot_general3A_63 = tpu.matmul %mul3A_58, %get3A_61, %dot_general3A_62 {dimension_numbers = #tpu.dot_dimension_numbers<[1], [0], [0], [1], [0, 0, 1, 1], [], []>, transpose_lhs_hint = false} : vector<2000x128xf32>, vector<128x128xf32>, vector<2000x128xf32> -> vector<2000x128xf32>
    %get3A_64 = arith.constant 0 : index
    %get3A_65 = arith.constant 0 : index
    %get3A_66 = vector.load %arg7[%get3A_64, %get3A_65] : memref<1x128xf32, #tpu.memory_space<vmem>>, vector<1x128xf32>
    %add3A_67 = vector.broadcast %get3A_66 : vector<1x128xf32> to vector<2000x128xf32>
    %add3A_68 = arith.addf %dot_general3A_63, %add3A_67 : vector<2000x128xf32>
    %get3A_69 = arith.constant 0 : index
    %get3A_70 = arith.constant 0 : index
    %get3A_71 = vector.load %arg8[%get3A_69, %get3A_70] : memref<1x128xf32, #tpu.memory_space<vmem>>, vector<1x128xf32>
    %get3A_72 = arith.constant 0 : index
    %get3A_73 = arith.constant 0 : index
    %get3A_74 = vector.load %arg9[%get3A_72, %get3A_73] : memref<1x128xf32, #tpu.memory_space<vmem>>, vector<1x128xf32>
    %reduce_sum3A = arith.constant dense<0.000000e+00> : vector<2000xf32>
    %reduce_sum3A_75 = vector.multi_reduction <add>, %add3A_68, %reduce_sum3A [1] : vector<2000x128xf32> to vector<2000xf32>
    %broadcast_in_dim3A = vector.shape_cast %reduce_sum3A_75 : vector<2000xf32> to vector<2000x1xf32>
    %div3A = arith.constant 1.280000e+02 : f32
    %div3A_76 = vector.broadcast %div3A : f32 to vector<2000x1xf32>
    %div3A_77 = arith.divf %broadcast_in_dim3A, %div3A_76 : vector<2000x1xf32>
    %sub3A = vector.broadcast %div3A_77 : vector<2000x1xf32> to vector<2000x128xf32>
    %sub3A_78 = arith.subf %add3A_68, %sub3A : vector<2000x128xf32>
    %mul3A_79 = arith.mulf %sub3A_78, %sub3A_78 : vector<2000x128xf32>
    %reduce_sum3A_80 = arith.constant dense<0.000000e+00> : vector<2000xf32>
    %reduce_sum3A_81 = vector.multi_reduction <add>, %mul3A_79, %reduce_sum3A_80 [1] : vector<2000x128xf32> to vector<2000xf32>
    %broadcast_in_dim3A_82 = vector.shape_cast %reduce_sum3A_81 : vector<2000xf32> to vector<2000x1xf32>
    %div3A_83 = arith.constant 1.280000e+02 : f32
    %div3A_84 = vector.broadcast %div3A_83 : f32 to vector<2000x1xf32>
    %div3A_85 = arith.divf %broadcast_in_dim3A_82, %div3A_84 : vector<2000x1xf32>
    %add3A_86 = arith.constant 9.99999974E-6 : f32
    %add3A_87 = vector.broadcast %add3A_86 : f32 to vector<2000x1xf32>
    %add3A_88 = arith.addf %div3A_85, %add3A_87 : vector<2000x1xf32>
    %rsqrt3A = math.rsqrt %add3A_88 : vector<2000x1xf32>
    %mul3A_89 = vector.broadcast %rsqrt3A : vector<2000x1xf32> to vector<2000x128xf32>
    %mul3A_90 = arith.mulf %sub3A_78, %mul3A_89 : vector<2000x128xf32>
    %mul3A_91 = vector.broadcast %get3A_71 : vector<1x128xf32> to vector<2000x128xf32>
    %mul3A_92 = arith.mulf %mul3A_90, %mul3A_91 : vector<2000x128xf32>
    %add3A_93 = vector.broadcast %get3A_74 : vector<1x128xf32> to vector<2000x128xf32>
    %add3A_94 = arith.addf %mul3A_92, %add3A_93 : vector<2000x128xf32>
    %swap3A = arith.constant 0 : index
    %swap3A_95 = arith.constant 0 : index
    %swap3A_96 = vector.load %arg10[%swap3A, %swap3A_95] : memref<2000x128xf32, #tpu.memory_space<vmem>>, vector<2000x128xf32>
    tpu.vector_store %arg10[%swap3A, %swap3A_95], %add3A_94 {strides = array<i32>} : memref<2000x128xf32, #tpu.memory_space<vmem>>, vector<2000x128xf32>,
    return
  }
  func.func @transform_0(%arg0: i32) -> (i32, i32) {
    %c0_i32 = arith.constant 0 : i32
    %c0_i32_0 = arith.constant 0 : i32
    return %arg0, %c0_i32 : i32, i32
  }
  func.func @transform_1(%arg0: i32) -> (i32, i32) {
    %c0_i32 = arith.constant 0 : i32
    %c0_i32_0 = arith.constant 0 : i32
    return %arg0, %c0_i32 : i32, i32
  }
  func.func @transform_2(%arg0: i32) -> (i32, i32) {
    %c0_i32 = arith.constant 0 : i32
    %c0_i32_0 = arith.constant 0 : i32
    return %arg0, %c0_i32 : i32, i32
  }
  func.func @transform_3(%arg0: i32) -> (i32, i32) {
    %c0_i32 = arith.constant 0 : i32
    %c0_i32_0 = arith.constant 0 : i32
    %c0_i32_1 = arith.constant 0 : i32
    return %c0_i32, %c0_i32_0 : i32, i32
  }
  func.func @transform_4(%arg0: i32) -> (i32, i32) {
    %c0_i32 = arith.constant 0 : i32
    %c0_i32_0 = arith.constant 0 : i32
    %c0_i32_1 = arith.constant 0 : i32
    return %c0_i32, %c0_i32_0 : i32, i32
  }
  func.func @transform_5(%arg0: i32) -> (i32, i32) {
    %c0_i32 = arith.constant 0 : i32
    %c0_i32_0 = arith.constant 0 : i32
    %c0_i32_1 = arith.constant 0 : i32
    return %c0_i32, %c0_i32_0 : i32, i32
  }
  func.func @transform_6(%arg0: i32) -> (i32, i32) {
    %c0_i32 = arith.constant 0 : i32
    %c0_i32_0 = arith.constant 0 : i32
    %c0_i32_1 = arith.constant 0 : i32
    return %c0_i32, %c0_i32_0 : i32, i32
  }
  func.func @transform_7(%arg0: i32) -> (i32, i32) {
    %c0_i32 = arith.constant 0 : i32
    %c0_i32_0 = arith.constant 0 : i32
    %c0_i32_1 = arith.constant 0 : i32
    return %c0_i32, %c0_i32_0 : i32, i32
  }
  func.func @transform_8(%arg0: i32) -> (i32, i32) {
    %c0_i32 = arith.constant 0 : i32
    %c0_i32_0 = arith.constant 0 : i32
    %c0_i32_1 = arith.constant 0 : i32
    return %c0_i32, %c0_i32_0 : i32, i32
  }
  func.func @transform_9(%arg0: i32) -> (i32, i32) {
    %c0_i32 = arith.constant 0 : i32
    %c0_i32_0 = arith.constant 0 : i32
    return %arg0, %c0_i32 : i32, i32
  }
}

module attributes {stable_mosaic.version = 14 : i64} {
  func.func @_node_body(%arg0: i32, %arg1: memref<2000x128xf32, #tpu.memory_space<vmem>>, %arg2: memref<2000x128xf32, #tpu.memory_space<vmem>>, %arg3: memref<2000x128xf32, #tpu.memory_space<vmem>>, %arg4: memref<128x128xf32, #tpu.memory_space<vmem>>, %arg5: memref<128x128xf32, #tpu.memory_space<vmem>>, %arg6: memref<1x128xf32, #tpu.memory_space<vmem>>, %arg7: memref<128x128xf32, #tpu.memory_space<vmem>>, %arg8: memref<1x128xf32, #tpu.memory_space<vmem>>, %arg9: memref<1x128xf32, #tpu.memory_space<vmem>>, %arg10: memref<1x128xf32, #tpu.memory_space<vmem>>, %arg11: memref<2000x128xf32, #tpu.memory_space<vmem>>) attributes {dimension_semantics = [#tpu.dimension_semantics<arbitrary>], iteration_bounds = array<i64: 5>, scalar_prefetch = 0 : i64, scratch_operands = 0 : i64, tpu.core_type = #tpu.core_type<tc>, window_params = [{transform_indices = @transform_0, window_bounds = array<i64: 2000, 128>}, {transform_indices = @transform_1, window_bounds = array<i64: 2000, 128>}, {transform_indices = @transform_2, window_bounds = array<i64: 2000, 128>}, {pipeline_mode = #tpu.pipeline_mode<synchronous>, transform_indices = @transform_3, window_bounds = array<i64: 128, 128>}, {pipeline_mode = #tpu.pipeline_mode<synchronous>, transform_indices = @transform_4, window_bounds = array<i64: 128, 128>}, {pipeline_mode = #tpu.pipeline_mode<synchronous>, transform_indices = @transform_5, window_bounds = array<i64: 1, 128>}, {pipeline_mode = #tpu.pipeline_mode<synchronous>, transform_indices = @transform_6, window_bounds = array<i64: 128, 128>}, {pipeline_mode = #tpu.pipeline_mode<synchronous>, transform_indices = @transform_7, window_bounds = array<i64: 1, 128>}, {pipeline_mode = #tpu.pipeline_mode<synchronous>, transform_indices = @transform_8, window_bounds = array<i64: 1, 128>}, {pipeline_mode = #tpu.pipeline_mode<synchronous>, transform_indices = @transform_9, window_bounds = array<i64: 1, 128>}, {transform_indices = @transform_10, window_bounds = array<i64: 2000, 128>}]} {
    %get3A = arith.constant 0 : index
    %get3A_0 = arith.constant 0 : index
    %get3A_1 = vector.load %arg1[%get3A, %get3A_0] : memref<2000x128xf32, #tpu.memory_space<vmem>>, vector<2000x128xf32>
    %get3A_2 = arith.constant 0 : index
    %get3A_3 = arith.constant 0 : index
    %get3A_4 = vector.load %arg2[%get3A_2, %get3A_3] : memref<2000x128xf32, #tpu.memory_space<vmem>>, vector<2000x128xf32>
    %get3A_5 = arith.constant 0 : index
    %get3A_6 = arith.constant 0 : index
    %get3A_7 = vector.load %arg3[%get3A_5, %get3A_6] : memref<2000x128xf32, #tpu.memory_space<vmem>>, vector<2000x128xf32>
    %add3A = arith.addf %get3A_4, %get3A_7 : vector<2000x128xf32>
    %get3A_8 = arith.constant 0 : index
    %get3A_9 = arith.constant 0 : index
    %get3A_10 = vector.load %arg4[%get3A_8, %get3A_9] : memref<128x128xf32, #tpu.memory_space<vmem>>, vector<128x128xf32>
    %dot_general3A = arith.constant dense<0.000000e+00> : vector<2000x128xf32>
    %dot_general3A_11 = tpu.matmul %get3A_1, %get3A_10, %dot_general3A {dimension_numbers = #tpu.dot_dimension_numbers<[1], [0], [0], [1], [0, 0, 1, 1], [], []>, transpose_lhs_hint = false} : vector<2000x128xf32>, vector<128x128xf32>, vector<2000x128xf32> -> vector<2000x128xf32>
    %get3A_12 = arith.constant 0 : index
    %get3A_13 = arith.constant 0 : index
    %get3A_14 = vector.load %arg5[%get3A_12, %get3A_13] : memref<128x128xf32, #tpu.memory_space<vmem>>, vector<128x128xf32>
    %dot_general3A_15 = arith.constant dense<0.000000e+00> : vector<2000x128xf32>
    %dot_general3A_16 = tpu.matmul %add3A, %get3A_14, %dot_general3A_15 {dimension_numbers = #tpu.dot_dimension_numbers<[1], [0], [0], [1], [0, 0, 1, 1], [], []>, transpose_lhs_hint = false} : vector<2000x128xf32>, vector<128x128xf32>, vector<2000x128xf32> -> vector<2000x128xf32>
    %add3A_17 = arith.addf %dot_general3A_11, %dot_general3A_16 : vector<2000x128xf32>
    %get3A_18 = arith.constant 0 : index
    %get3A_19 = arith.constant 0 : index
    %get3A_20 = vector.load %arg6[%get3A_18, %get3A_19] : memref<1x128xf32, #tpu.memory_space<vmem>>, vector<1x128xf32>
    %add3A_21 = vector.broadcast %get3A_20 : vector<1x128xf32> to vector<2000x128xf32>
    %add3A_22 = arith.addf %add3A_17, %add3A_21 : vector<2000x128xf32>
    %integer_pow3A = arith.mulf %add3A_22, %add3A_22 : vector<2000x128xf32>
    %integer_pow3A_23 = arith.mulf %add3A_22, %integer_pow3A : vector<2000x128xf32>
    %mul3A = arith.constant 4.471500e-02 : f32
    %mul3A_24 = vector.broadcast %mul3A : f32 to vector<2000x128xf32>
    %mul3A_25 = arith.mulf %mul3A_24, %integer_pow3A_23 : vector<2000x128xf32>
    %add3A_26 = arith.addf %add3A_22, %mul3A_25 : vector<2000x128xf32>
    %mul3A_27 = arith.constant 0.797884583 : f32
    %mul3A_28 = vector.broadcast %mul3A_27 : f32 to vector<2000x128xf32>
    %mul3A_29 = arith.mulf %mul3A_28, %add3A_26 : vector<2000x128xf32>
    %tanh3A = math.tanh %mul3A_29 : vector<2000x128xf32>
    %add3A_30 = arith.constant 1.000000e+00 : f32
    %add3A_31 = vector.broadcast %add3A_30 : f32 to vector<2000x128xf32>
    %add3A_32 = arith.addf %add3A_31, %tanh3A : vector<2000x128xf32>
    %mul3A_33 = arith.constant 5.000000e-01 : f32
    %mul3A_34 = vector.broadcast %mul3A_33 : f32 to vector<2000x128xf32>
    %mul3A_35 = arith.mulf %mul3A_34, %add3A_32 : vector<2000x128xf32>
    %mul3A_36 = arith.mulf %add3A_22, %mul3A_35 : vector<2000x128xf32>
    %get3A_37 = arith.constant 0 : index
    %get3A_38 = arith.constant 0 : index
    %get3A_39 = vector.load %arg7[%get3A_37, %get3A_38] : memref<128x128xf32, #tpu.memory_space<vmem>>, vector<128x128xf32>
    %dot_general3A_40 = arith.constant dense<0.000000e+00> : vector<2000x128xf32>
    %dot_general3A_41 = tpu.matmul %mul3A_36, %get3A_39, %dot_general3A_40 {dimension_numbers = #tpu.dot_dimension_numbers<[1], [0], [0], [1], [0, 0, 1, 1], [], []>, transpose_lhs_hint = false} : vector<2000x128xf32>, vector<128x128xf32>, vector<2000x128xf32> -> vector<2000x128xf32>
    %get3A_42 = arith.constant 0 : index
    %get3A_43 = arith.constant 0 : index
    %get3A_44 = vector.load %arg8[%get3A_42, %get3A_43] : memref<1x128xf32, #tpu.memory_space<vmem>>, vector<1x128xf32>
    %add3A_45 = vector.broadcast %get3A_44 : vector<1x128xf32> to vector<2000x128xf32>
    %add3A_46 = arith.addf %dot_general3A_41, %add3A_45 : vector<2000x128xf32>
    %get3A_47 = arith.constant 0 : index
    %get3A_48 = arith.constant 0 : index
    %get3A_49 = vector.load %arg9[%get3A_47, %get3A_48] : memref<1x128xf32, #tpu.memory_space<vmem>>, vector<1x128xf32>
    %get3A_50 = arith.constant 0 : index
    %get3A_51 = arith.constant 0 : index
    %get3A_52 = vector.load %arg10[%get3A_50, %get3A_51] : memref<1x128xf32, #tpu.memory_space<vmem>>, vector<1x128xf32>
    %reduce_sum3A = arith.constant dense<0.000000e+00> : vector<2000xf32>
    %reduce_sum3A_53 = vector.multi_reduction <add>, %add3A_46, %reduce_sum3A [1] : vector<2000x128xf32> to vector<2000xf32>
    %broadcast_in_dim3A = vector.shape_cast %reduce_sum3A_53 : vector<2000xf32> to vector<2000x1xf32>
    %div3A = arith.constant 1.280000e+02 : f32
    %div3A_54 = vector.broadcast %div3A : f32 to vector<2000x1xf32>
    %div3A_55 = arith.divf %broadcast_in_dim3A, %div3A_54 : vector<2000x1xf32>
    %sub3A = vector.broadcast %div3A_55 : vector<2000x1xf32> to vector<2000x128xf32>
    %sub3A_56 = arith.subf %add3A_46, %sub3A : vector<2000x128xf32>
    %mul3A_57 = arith.mulf %sub3A_56, %sub3A_56 : vector<2000x128xf32>
    %reduce_sum3A_58 = arith.constant dense<0.000000e+00> : vector<2000xf32>
    %reduce_sum3A_59 = vector.multi_reduction <add>, %mul3A_57, %reduce_sum3A_58 [1] : vector<2000x128xf32> to vector<2000xf32>
    %broadcast_in_dim3A_60 = vector.shape_cast %reduce_sum3A_59 : vector<2000xf32> to vector<2000x1xf32>
    %div3A_61 = arith.constant 1.280000e+02 : f32
    %div3A_62 = vector.broadcast %div3A_61 : f32 to vector<2000x1xf32>
    %div3A_63 = arith.divf %broadcast_in_dim3A_60, %div3A_62 : vector<2000x1xf32>
    %add3A_64 = arith.constant 9.99999974E-6 : f32
    %add3A_65 = vector.broadcast %add3A_64 : f32 to vector<2000x1xf32>
    %add3A_66 = arith.addf %div3A_63, %add3A_65 : vector<2000x1xf32>
    %rsqrt3A = math.rsqrt %add3A_66 : vector<2000x1xf32>
    %mul3A_67 = vector.broadcast %rsqrt3A : vector<2000x1xf32> to vector<2000x128xf32>
    %mul3A_68 = arith.mulf %sub3A_56, %mul3A_67 : vector<2000x128xf32>
    %mul3A_69 = vector.broadcast %get3A_49 : vector<1x128xf32> to vector<2000x128xf32>
    %mul3A_70 = arith.mulf %mul3A_68, %mul3A_69 : vector<2000x128xf32>
    %add3A_71 = vector.broadcast %get3A_52 : vector<1x128xf32> to vector<2000x128xf32>
    %add3A_72 = arith.addf %mul3A_70, %add3A_71 : vector<2000x128xf32>
    %add3A_73 = arith.addf %add3A_72, %get3A_1 : vector<2000x128xf32>
    %swap3A = arith.constant 0 : index
    %swap3A_74 = arith.constant 0 : index
    %swap3A_75 = vector.load %arg11[%swap3A, %swap3A_74] : memref<2000x128xf32, #tpu.memory_space<vmem>>, vector<2000x128xf32>
    tpu.vector_store %arg11[%swap3A, %swap3A_74], %add3A_73 {strides = array<i32>} : memref<2000x128xf32, #tpu.memory_space<vmem>>, vector<2000x128xf32>,
    return
  }
  func.func @transform_0(%arg0: i32) -> (i32, i32) {
    %c0_i32 = arith.constant 0 : i32
    %c0_i32_0 = arith.constant 0 : i32
    return %arg0, %c0_i32 : i32, i32
  }
  func.func @transform_1(%arg0: i32) -> (i32, i32) {
    %c0_i32 = arith.constant 0 : i32
    %c0_i32_0 = arith.constant 0 : i32
    return %arg0, %c0_i32 : i32, i32
  }
  func.func @transform_2(%arg0: i32) -> (i32, i32) {
    %c0_i32 = arith.constant 0 : i32
    %c0_i32_0 = arith.constant 0 : i32
    return %arg0, %c0_i32 : i32, i32
  }
  func.func @transform_3(%arg0: i32) -> (i32, i32) {
    %c0_i32 = arith.constant 0 : i32
    %c0_i32_0 = arith.constant 0 : i32
    %c0_i32_1 = arith.constant 0 : i32
    return %c0_i32, %c0_i32_0 : i32, i32
  }
  func.func @transform_4(%arg0: i32) -> (i32, i32) {
    %c0_i32 = arith.constant 0 : i32
    %c0_i32_0 = arith.constant 0 : i32
    %c0_i32_1 = arith.constant 0 : i32
    return %c0_i32, %c0_i32_0 : i32, i32
  }
  func.func @transform_5(%arg0: i32) -> (i32, i32) {
    %c0_i32 = arith.constant 0 : i32
    %c0_i32_0 = arith.constant 0 : i32
    %c0_i32_1 = arith.constant 0 : i32
    return %c0_i32, %c0_i32_0 : i32, i32
  }
  func.func @transform_6(%arg0: i32) -> (i32, i32) {
    %c0_i32 = arith.constant 0 : i32
    %c0_i32_0 = arith.constant 0 : i32
    %c0_i32_1 = arith.constant 0 : i32
    return %c0_i32, %c0_i32_0 : i32, i32
  }
  func.func @transform_7(%arg0: i32) -> (i32, i32) {
    %c0_i32 = arith.constant 0 : i32
    %c0_i32_0 = arith.constant 0 : i32
    %c0_i32_1 = arith.constant 0 : i32
    return %c0_i32, %c0_i32_0 : i32, i32
  }
  func.func @transform_8(%arg0: i32) -> (i32, i32) {
    %c0_i32 = arith.constant 0 : i32
    %c0_i32_0 = arith.constant 0 : i32
    %c0_i32_1 = arith.constant 0 : i32
    return %c0_i32, %c0_i32_0 : i32, i32
  }
  func.func @transform_9(%arg0: i32) -> (i32, i32) {
    %c0_i32 = arith.constant 0 : i32
    %c0_i32_0 = arith.constant 0 : i32
    %c0_i32_1 = arith.constant 0 : i32
    return %c0_i32, %c0_i32_0 : i32, i32
  }
  func.func @transform_10(%arg0: i32) -> (i32, i32) {
    %c0_i32 = arith.constant 0 : i32
    %c0_i32_0 = arith.constant 0 : i32
    return %arg0, %c0_i32 : i32, i32
  }
}

</mosaic_0001>

<sc_bundles>
// kernel: sc_gather_pair.4.cloned.1.call-start
scs
__scs_entry_jumppad:
0x0: {  	(pc) =	sbr.rel $0x88, $3  }
0x1: {  	(tag) =	ssettag $0x0;
	lr =	simm.s32 $0x1  }
0x2: {  	[smem:$0x3F7F] =	sst lr;
	_ =	strace $0xD0000000  }
0x3: {  	_ = 	snop  }
0x4: {  	_ = 	snop  }
0x5: {  	_ = 	snop  }
0x6: {  	_ = 	snop  }
0x7: {  	_ = 	snop  }
__scs_overlays_trampoline_lowered:
0x8: {  	[smem:$0x3F8E] =	sst s0  }
0x9: {  	[smem:$0x3F8F] =	sst s1  }
0xa: {  	[smem:$0x3F90] =	sst s2  }
0xb: {  	[smem:$0x3F91] =	sst s3  }
0xc: {  	[smem:$0x3F92] =	sst s4  }
0xd: {  	[smem:$0x3F93] =	sst s5  }
0xe: {  	[smem:$0x3F94] =	sst s6  }
0xf: {  	[smem:$0x3F95] =	sst s7  }
0x10: {  	[smem:$0x3F96] =	sst s8  }
0x11: {  	[smem:$0x3F97] =	sst s9;
	s0 =	simm.s32 @!p0 $0x0  }
0x12: {  	s1 =	sld [smem:$0x3F7D];
	s0 =	simm.s32 @p0 $0x1  }
0x13: {  	[smem:$0x3F98] =	sst s0;
	s0 =	simm.s32 @!p1 $0x0  }
0x14: {  	s2 =	sld [smem:$0x3F7C];
	s0 =	simm.s32 @p1 $0x1  }
0x15: {  	[smem:$0x3F99] =	sst s0;
	s0 =	simm.s32 @!p2 $0x0  }
0x16: {  	s3 =	sld [smem:$0x3FDB];
	s0 =	simm.s32 @p2 $0x1  }
0x17: {  	s4 =	simm.s32 $0x1BF5;
	[smem:$0x3F9B] =	sst s0  }
0x18: {  	s0 =	sld [smem:$0x3F7E];
	_ =	swait.ge [sflag:s4], $0x0  }
0x19: {  	s7 =	sld [smem:$0x3F7F]  }
0x1a: {  	s8 =	sadd.s32 $0xFFFFE003, lr  }
0x1b: {  	s9 =	sadd.s32 $0xFFFFFEF7, lr;
	s5 =	simm.s32 $0xFFFFFFFF;
	p2 =	slt.u32 s8, $0xFFFFF086  }
0x1c: {  	p1 =	slt.u32 s9, $0xF7A;
	s5 =	simm.s32 @!p2 $0x0  }
0x1d: {  	s5 =	simm.s32 @p1 $0x1;
	p0 =	seq.s32 s7, s2  }
0x1e: {  	s7 =	smul.u32 @!p0 $0xF7A, s2;
	p2 =	seq.s32 @!p0 s5, $0x0  }
0x1f: {  	s9 =	smul.u32 $0xF7A, s1;
	s8 =	simm.s32 @!p0 $0x1BF5;
	p2 =	por !p2, p0  }
0x20: {  	[sflag:s8] =	ssyncset.s32 @!p0 $0xFFFFF086;
	s6 =	sadd.s32 @!p0 s3, s7;
	s7 =	simm.s32 @!p0 $0x108  }
0x21: {  	s3 =	sadd.s32 s3, s9;
	s6 =	sadd.s32 @!p0 $0x88, s6;
	s7 =	simm.s32 @p2 $0x1082  }
0x22: {  	[simem:s7], [sflag:s8] =	dma.local @!p0 [hbm:s6], $0xF7A  }
0x23: {  	s9 =	sor.u32 $0xD0000000, s2;
	s6 =	simm.s32 $0x108;
	_ =	swait.ge @!p0 [sflag:s8], $0x0  }
0x24: {  	s3 =	sadd.s32 $0x88, s3;
	s6 =	simm.s32 @!p1 $0x1082;
	[sflag:s4] =	ssyncset.s32 $0xFFFFF086  }
0x25: {  	[simem:s6], [sflag:s4] =	dma.local [hbm:s3], $0xF7A  }
0x26: {  	[smem:$0x3F7F] =	sst s1;
	(tag) =	ssettag s2;
	_ =	strace s9  }
0x27: {  	s1 =	sld [smem:$0x3F8F]  }
0x28: {  	s2 =	sld [smem:$0x3F90]  }
0x29: {  	s4 =	sld [smem:$0x3F92]  }
0x2a: {  	p0 =	seq.s32 s5, $0x0;
	s5 =	sld [smem:$0x3F93]  }
0x2b: {  	s6 =	sld [smem:$0x3F94]  }
0x2c: {  	s7 =	sld [smem:$0x3F95]  }
0x2d: {  	s3 =	simm.s32 $0x108;
	s8 =	sld [smem:$0x3F96]  }
0x2e: {  	s3 =	simm.s32 @!p0 $0x1082;
	s9 =	sld [smem:$0x3F97]  }
0x2f: {  	lr =	sadd.s32 s0, s3;
	s0 =	sld [smem:$0x3F8E]  }
0x30: {  	s3 =	sld [smem:$0x3F91]  }
0x31: {  	[smem:$0x3F9A] =	sst s10  }
0x32: {  	s10 =	sld [smem:$0x3F98];
	_ =	sdelay $0x3  }
0x33: {  	p0 =	seq.s32 s10, $0x1;
	s10 =	sld [smem:$0x3F9A];
	_ =	sdelay $0x3  }
0x34: {  	[smem:$0x3F9A] =	sst s10  }
0x35: {  	s10 =	sld [smem:$0x3F99];
	_ =	sdelay $0x3  }
0x36: {  	p1 =	seq.s32 s10, $0x1;
	s10 =	sld [smem:$0x3F9A];
	_ =	sdelay $0x3  }
0x37: {  	[smem:$0x3F9A] =	sst s10  }
0x38: {  	s10 =	sld [smem:$0x3F9B]  }
0x39: {  	_ = 	snop;
	(pc) =	sbr.ind lr, $3  }
0x3a: {  	_ = 	snop  }
0x3b: {  	_ = 	snop  }
0x3c: {  	p2 =	seq.s32 s10, $0x1;
	s10 =	sld [smem:$0x3F9A]  }
0x3d: {  	_ =	shalt  }
0x3e: {  	_ =	shalt  }
0x3f: {  	_ =	shalt  }
0x40: {  	_ =	shalt  }
0x41: {  	_ =	shalt  }
0x42: {  	_ =	shalt  }
0x43: {  	_ =	shalt  }
0x44: {  	_ =	shalt  }
0x45: {  	_ =	shalt  }
0x46: {  	_ =	shalt  }
0x47: {  	_ =	shalt  }
0x48: {  	_ =	shalt  }
0x49: {  	_ =	shalt  }
0x4a: {  	_ =	shalt  }
0x4b: {  	_ =	shalt  }
0x4c: {  	_ =	shalt  }
0x4d: {  	_ =	shalt  }
0x4e: {  	_ =	shalt  }
0x4f: {  	_ =	shalt  }
0x50: {  	_ =	shalt  }
0x51: {  	_ =	shalt  }
0x52: {  	_ =	shalt  }
0x53: {  	_ =	shalt  }
0x54: {  	_ =	shalt  }
0x55: {  	_ =	shalt  }
0x56: {  	_ =	shalt  }
0x57: {  	_ =	shalt  }
0x58: {  	_ =	shalt  }
0x59: {  	_ =	shalt  }
0x5a: {  	_ =	shalt  }
0x5b: {  	_ =	shalt  }
0x5c: {  	_ =	shalt  }
0x5d: {  	_ =	shalt  }
0x5e: {  	_ =	shalt  }
0x5f: {  	_ =	shalt  }
0x60: {  	_ =	shalt  }
0x61: {  	_ =	shalt  }
0x62: {  	_ =	shalt  }
0x63: {  	_ =	shalt  }
0x64: {  	_ =	shalt  }
0x65: {  	_ =	shalt  }
0x66: {  	_ =	shalt  }
0x67: {  	_ =	shalt  }
0x68: {  	_ =	shalt  }
0x69: {  	_ =	shalt  }
0x6a: {  	_ =	shalt  }
0x6b: {  	_ =	shalt  }
0x6c: {  	_ =	shalt  }
0x6d: {  	_ =	shalt  }
0x6e: {  	_ =	shalt  }
0x6f: {  	_ =	shalt  }
0x70: {  	_ =	shalt  }
0x71: {  	_ =	shalt  }
0x72: {  	_ =	shalt  }
0x73: {  	_ =	shalt  }
0x74: {  	_ =	shalt  }
0x75: {  	_ =	shalt  }
0x76: {  	_ =	shalt  }
0x77: {  	_ =	shalt  }
0x78: {  	_ =	shalt  }
0x79: {  	_ =	shalt  }
0x7a: {  	_ =	shalt  }
0x7b: {  	_ =	shalt  }
0x7c: {  	_ =	shalt  }
0x7d: {  	_ =	shalt  }
0x7e: {  	_ =	shalt  }
0x7f: {  	_ =	shalt  }
0x80: {  	_ =	shalt  }
0x81: {  	_ =	shalt  }
0x82: {  	_ =	shalt  }
0x83: {  	_ =	shalt  }
0x84: {  	_ =	shalt  }
0x85: {  	_ =	shalt  }
0x86: {  	_ =	shalt  }
0x87: {  	_ =	shalt  }
.Lfunc_end0:
.L_simem_size_0:
called_computation_lowered:
.L_overlay_start_0:
0x88: {  	s2 =	sld [smem:$0x3FD9]  }
0x89: {  	s3 =	sld [smem:$0x3FFE];
	_ =	sdelay $0x1  }
0x8a: {  	s1 =	srdreg.scid  }
0x8b: {  	s0 =	sand.u32 $0x1, s1  }
0x8c: {  	s17 =	sshll.u32 s0, $0xA;
	s2 =	sadd.s32 s3, s2  }
0x8d: {  	s2 =	sadd.s32 s2, s17  }
0x8e: {  	[smem:$0x3FA6] =	sst s2  }
0x8f: {  	_ = 	snop  }
0x90: {  	s2 =	sld [smem:$0x3FD0];
	(tm) =	ssettm $0x1  }
0x91: {  	s18 =	sld [smem:$0x3FFB];
	_ =	sdelay $0x3  }
0x92: {  	_ =	strace s18  }
0x93: {  	s3 =	sld [smem:$0x3FFC];
	_ =	sdelay $0x3  }
0x94: {  	_ =	strace s3  }
0x95: {  	s3 =	sld [smem:$0x3FFD];
	_ =	sdelay $0x3  }
0x96: {  	_ =	strace s3  }
0x97: {  	_ =	strace $0x8FFFFFFF  }
0x98: {  	s19 =	sld [smem:$0x3FDB];
	_ =	sdelay $0x1  }
0x99: {  	s4 =	simm.s32 $_scs_section_size  }
0x9a: {  	s5 =	simm.s32 $_size__tile_overlayer_lowered;
	s6 =	simm.s32 $_tile_overlayer_lowered  }
0x9b: {  	s22 =	simm.s32 $0x1BFF;
	s21 =	sshll.u32 s6, $0x1;
	s3 =	sadd.s32 s4, s19  }
0x9c: {  	s7 =	simm.s32 $0x0;
	s20 =	sshll.u32 s5, $0x1;
	s5 =	sadd.s32 s21, s3  }
0x9d: {  	[timem:s7], [sflag:s22] =	dma.local [hbm:s5], s20  }
0x9e: {  	_ =	swait.ge [sflag:s22], s20  }
0x9f: {  	s4 =	ssub.s32 $0x0, s20;
	[sflag:s22] =	ssyncset.done $0x0  }
0xa0: {  	[sflag:s22] =	ssyncadd.s32 s4;
	_ =	sdelay $0x1  }
0xa1: {  	s23 =	simm.s32 $0x1B8B  }
0xa2: {  	_ =	swait.ge [sflag:s23], $0x1  }
0xa3: {  	[sflag:s23] =	ssyncset.done $0x0  }
0xa4: {  	s25 =	simm.s32 $0x1B8E;
	s24 =	sld [smem:$0x3FFE];
	[sflag:s23] =	ssyncadd.s32 $0xFFFFFFFF  }
0xa5: {  	s26 =	simm.s32 $execute0_lowered;
	[smem:$0x3FD2] =	sst s25  }
0xa6: {  	s5 =	sshll.u32 s26, $0x1;
	_ =	strace $0x80000046;
	[dreg:$0x1] =	wrdreg $0xFFFFFFFF  }
0xa7: {  	s28 =	simm.s32 $_size_execute0_lowered;
	s3 =	sadd.s32 s3, s5;
	[dreg:$0x0] =	wrdreg $0x0  }
0xa8: {  	s5 =	sshll.u32 s28, $0x1;
	[dreg:$0x2] =	wrdreg s3  }
0xa9: {  	[dreg:$0x3] =	wrdreg s5  }
0xaa: {  	[dreg:$0x4] =	wrdreg $0xC0  }
0xab: {  	_ =	task [dreg:s7], $0x5FFFF  }
0xac: {  	[dreg:$0x1] =	wrdreg $0xFFFFFFFF  }
0xad: {  	[dreg:$0x0] =	wrdreg $0x60  }
0xae: {  	[dreg:$0x2] =	wrdreg s2  }
0xaf: {  	[dreg:$0x3] =	wrdreg s24  }
0xb0: {  	[dreg:$0x4] =	wrdreg $0x9  }
0xb1: {  	_ =	task.clear_ibuf [dreg:s7], $0x5FFFF;
	_ =	strace $0x90000046  }
0xb2: {  	s29 =	simm.s32 $0x9;
	_ =	strace $0x80000048  }
0xb3: {  	_ =	swait.ge [sflag:s29], $0x1  }
0xb4: {  	[sflag:s29] =	ssyncadd.s32 $0xFFFFFFFF  }
0xb5: {  	_ =	strace $0x90000048  }
0xb6: {  	_ =	sfence  }
0xb7: {  	s30 =	sld [smem:$0x0];
	_ =	sdelay $0x2  }
0xb8: {  	s31 =	sshll.u32 s1, $0xD;
	s1 =	sshrl.u32 s1, $0x2  }
0xb9: {  	s3 =	sand.u32 $0x4000, s31;
	s1 =	sadd.s32 s1, s30  }
0xba: {  	s0 =	sor.u32 s3, s0;
	s1 =	sshll.u32 s1, $0x11  }
0xbb: {  	s0 =	sor.u32 s1, s0  }
0xbc: {  	s0 =	sadd.s32 $0x8F2B, s0  }
0xbd: {  	[sflag:s0] =	ssyncadd.remote.s32 $0x1  }
0xbe: {  	_ =	sfence.sel $0xFFFF  }
0xbf: {  	[dreg:$0x0] =	wrdreg $0xFFFFFFFF;
	(pc) =	sbr.abs _section_cstart, $3  }
0xc0: {  	[dreg:$0x1] =	wrdreg $0xFFFFFFFF  }
0xc1: {  	_ =	task.clear_ibuf [dreg:s7], $0x2FFFF;
	_ =	strace $0x9FFFFFFF  }
0xc2: {  	(tm) =	ssettm $0x7FFFFFFF  }
0xc3: {  	_ =	shalt  }
tec
execute0_lowered:
.L_overlay_start_1:
0x0: {  	(tag) =	ssettag $0x1  }
0x1: {  	s2 =	rddreg [dreg:$0x0];
	s1 =	srdreg.scid  }
0x2: {  	s0 =	stileid.u32;
	s5 =	rddreg [dreg:$0x1];
	s3 =	simm.s32 $0x0  }
0x3: {  	s12 =	simm.s32 $0x4E20;
	s13 =	simm.s32 $0x7620;
	s14 =	simm.s32 $0x50  }
0x4: {  	s15 =	simm.s32 $0x6;
	s16 =	simm.s32 $0x8;
	s17 =	simm.s32 $0x5  }
0x5: {  	s18 =	simm.s32 $0x7;
	s19 =	simm.s32 $0x0;
	s6 =	sand.u32 $0x1, s1  }
0x6: {  	s4 =	sshll.u32 s0, $0x1;
	s1 =	rddreg [dreg:$0x2];
	s8 =	smul.u32 $0x27100, s0  }
0x7: {  	[smem:$0x7FF] =	sst s3;
	s4 =	sor.u32 s6, s4;
	s11 =	smul.u32 $0x13880, s6  }
0x8: {  	_ =	strace $0x80000047;
	s9 =	ssub.s32 $0x2, s6;
	s7 =	smul.u32 $0x2710, s4  }
.Ltmp0:
0x9: {  	s4 =	sadd.s32 $0x8600, s5;
	s10 =	sshrl.u32 s9, $0x1;
	(pc) =	sbr.rel .LBB2_1-.Ltmp0, $4  }
0xa: {  	s8 =	sadd.s32 s8, s5;
	s9 =	ssub.s32 s9, s10;
	s7 =	sshrl.u32 s7, $0x3  }
0xb: {  	s31 =	sadd.s32 s11, s8;
	s10 =	simm.s32 $0x9;
	s7 =	sadd.s32 s7, s5  }
0xc: {  	s11 =	simm.s32 $0x2710;
	s8 =	sadd.s32 $0x2A0C00, s31;
	s5 =	sadd.s32 $0x25E00, s7  }
0xd: {  	s6 =	sadd.s32 $0x1C000, s7;
	s7 =	smax.u32 s9, $0x1;
	s9 =	sadd.s32 $0x2FC00, s31  }
.LBB2_7:
0xe: {  	_ =	swait.ge [sflag:s15], $0x1400  }
0xf: {  	[sflag:s15] =	ssyncset.done $0x0  }
0x10: {  	[sflag:s15] =	ssyncadd.s32 $0xFFFFEC00  }
0x11: {  	_ =	swait.ge [sflag:s16], $0x1400  }
0x12: {  	[sflag:s16] =	ssyncset.done $0x0  }
0x13: {  	s19 =	sadd.s32 $0x1, s19;
	[sflag:s16] =	ssyncadd.s32 $0xFFFFEC00  }
0x14: {  	p0 =	sne.s32 s19, s7;
	_ =	swait.ge [sflag:s17], $0x1400  }
.Ltmp1:
0x15: {  	[sflag:s17] =	ssyncset.done $0x0;
	(pc) =	sbr.rel @!p0 .LBB2_8-.Ltmp1, $4  }
0x16: {  	[sflag:s17] =	ssyncadd.s32 $0xFFFFEC00  }
0x17: {  	_ =	swait.ge [sflag:s18], $0x1400  }
0x18: {  	[sflag:s18] =	ssyncset.done $0x0  }
0x19: {  	[sflag:s18] =	ssyncadd.s32 $0xFFFFEC00  }
.LBB2_1:
0x1a: {  	[tilespmem:s3], [sflag:$0x9] =	stream.linear.gather [hbm4b:s5+s3], $0x2710, $0x38;
	[tilespmem:$0x9E20] =	vst v63  }
0x1b: {  	_ =	swait.ge [sflag:s10], $0x2710  }
0x1c: {  	[sflag:s10] =	ssyncset.done $0x0  }
0x1d: {  	[sflag:s10] =	ssyncadd.s32 $0xFFFFD8F0  }
0x1e: {  	[tilespmem:s11], [sflag:$0x9] =	stream.linear.gather [hbm4b:s6+s3], $0x2710, $0x38;
	[tilespmem:$0x9E20] =	vst v63  }
0x1f: {  	_ =	swait.ge [sflag:s10], $0x2710  }
.Ltmp2:
0x20: {  	[sflag:s10] =	ssyncset.done $0x0;
	(pc) =	sbr.rel .LBB2_2-.Ltmp2, $4  }
0x21: {  	s20 =	simm.s32 $0x2760;
	s21 =	simm.s32 $0x50;
	[sflag:s10] =	ssyncadd.s32 $0xFFFFD8F0  }
0x22: {  	[tilespmem:s12], [sflag:$0x1] =	stream.indirect.gather [hbm4b:s2+s14], $0x40, s3, s14, $0xb8;
	[tilespmem:$0x9E20] =	vst v63  }
0x23: {  	s22 =	smov.u32 s9;
	s23 =	smov.u32 s8;
	s24 =	simm.s32 $0x0  }
0x24: {  	[tilespmem:s13], [sflag:$0x3] =	stream.indirect.gather [hbm4b:s4+s14], $0x40, s11, s14, $0xb8;
	[tilespmem:$0x9E20] =	vst v63  }
.LBB2_5:
0x25: {  	s28 =	smul.u32 $0x1400, s26;
	_ =	sdelay $0x1  }
0x26: {  	s30 =	sadd.s32 $0x1, s26;
	s29 =	sadd.s32 $0x4E20, s28  }
0x27: {  	[tilespmem:s29], [sflag:s30] =	stream.indirect.gather [hbm4b:s2+s14], $0x40, s21, s14, $0xb8;
	[tilespmem:$0x9E20] =	vst v63  }
0x28: {  	s31 =	sadd.s32 $0x3, s26;
	s28 =	sadd.s32 $0x7620, s28  }
0x29: {  	[tilespmem:s28], [sflag:s31] =	stream.indirect.gather [hbm4b:s4+s14], $0x40, s20, s14, $0xb8;
	[tilespmem:$0x9E20] =	vst v63  }
.LBB2_6:
0x2a: {  	s26 =	sadd.s32 $0x1, s25  }
0x2b: {  	s28 =	smul.u32 $0x1400, s25;
	_ =	swait.ge [sflag:s26], $0x1400  }
0x2c: {  	s31 =	sadd.s32 $0x5, s25;
	[sflag:s26] =	ssyncset.done $0x0  }
0x2d: {  	s24 =	sadd.s32 $0x1, s24;
	s29 =	sadd.s32 $0x4E20, s28;
	[sflag:s26] =	ssyncadd.s32 $0xFFFFEC00  }
0x2e: {  	[hbm4b:s22+s3] =	stream.linear.scatter [tilespmem:s29], [sflag:s31], $0x1400, $0x38;
	[tilespmem:$0x9E20] =	vst v63  }
0x2f: {  	p0 =	sne.s32 s24, $0x7D;
	s29 =	sadd.s32 $0x3, s25  }
.Ltmp3:
0x30: {  	_ =	swait.ge [sflag:s29], $0x1400;
	(pc) =	sbr.rel @!p0 .LBB2_7-.Ltmp3, $4  }
0x31: {  	s30 =	sadd.s32 $0x7, s25;
	[sflag:s29] =	ssyncset.done $0x0  }
0x32: {  	s20 =	sadd.s32 $0x50, s20;
	s31 =	sadd.s32 $0x7620, s28;
	[sflag:s29] =	ssyncadd.s32 $0xFFFFEC00  }
0x33: {  	[hbm4b:s23+s3] =	stream.linear.scatter [tilespmem:s31], [sflag:s30], $0x1400, $0x38;
	[tilespmem:$0x9E20] =	vst v63  }
0x34: {  	s21 =	sadd.s32 $0x50, s21;
	s22 =	sadd.s32 $0x280, s22;
	s23 =	sadd.s32 $0x280, s23  }
.LBB2_2:
0x35: {  	p0 =	seq.s32 s24, $0x0  }
.Ltmp4:
0x36: {  	_ = 	snop;
	(pc) =	sbr.rel @p0 .LBB2_5-.Ltmp4, $3  }
0x37: {  	_ =	sdelay $0x1  }
0x38: {  	s25 =	sand.u32 $0x1, s24  }
0x39: {  	s26 =	sxor.u32 $0x1, s25  }
0x3a: {  	p0 =	seq.s32 s24, $0x7C  }
.Ltmp5:
0x3b: {  	_ = 	snop;
	(pc) =	sbr.rel @p0 .LBB2_6-.Ltmp5, $1  }
0x3c: {  	_ =	sdelay $0x3  }
0x3d: {  	s28 =	sadd.s32 $0x5, s26  }
0x3e: {  	_ =	swait.ge [sflag:s28], $0x1400  }
.Ltmp6:
0x3f: {  	[sflag:s28] =	ssyncset.done $0x0;
	(pc) =	sbr.rel .LBB2_5-.Ltmp6, $4  }
0x40: {  	s31 =	sadd.s32 $0x7, s26;
	[sflag:s28] =	ssyncadd.s32 $0xFFFFEC00  }
0x41: {  	_ =	swait.ge [sflag:s31], $0x1400  }
0x42: {  	[sflag:s31] =	ssyncset.done $0x0  }
0x43: {  	[sflag:s31] =	ssyncadd.s32 $0xFFFFEC00  }
.LBB2_8:
0x44: {  	_ =	sfence.sel $0x180000  }
0x45: {  	[bflag:$0x0] =	sbarrier.arrive $0xFFFF  }
0x46: {  	p0 =	sne.s32 s0, $0x0;
	_ =	strace $0x90000047  }
0x47: {  	s0 =	sadd.s32 @!p0 $0x100000, s1;
	[bflag:$0x2] =	sbarrier.arrive $0xFFFF  }
0x48: {  	[sflag:s0] =	ssyncadd.tile.s32 @!p0 $0x1;
	_ =	shalt  }
.Lfunc_end2:
_tile_overlayer_lowered:
.L_overlay_start_2:
0x49: {  	(tag) =	ssettag $0x2  }
0x4a: {  	s0 =	rddreg [dreg:$0x0];
	s2 =	stileid.u32  }
0x4b: {  	s1 =	rddreg [dreg:$0x1];
	p0 =	sne.s32 s2, $0x0  }
0x4c: {  	s3 =	rddreg [dreg:$0x2];
	[bflag:$0x3] =	sbarrier.arrive $0xFFFF;
	s2 =	simm.s32 @!p0 $0x1C09  }
0x4d: {  	[timem:s3], [sflag:s2] =	dma.local @!p0 [hbm:s0], s1  }
0x4e: {  	s0 =	simm.s32 @!p0 $0x9  }
0x4f: {  	_ =	swait.ge @!p0 [sflag:s0], s1  }
0x50: {  	s1 =	ssub.s32 @!p0 $0x0, s1;
	[sflag:s0] =	ssyncset.done @!p0 $0x0  }
0x51: {  	[sflag:s0] =	ssyncadd.s32 @!p0 s1  }
0x52: {  	[bflag:$0x3] =	sbarrier.arrive $0xFFFF  }
0x53: {  	_ =	shalt  }

// kernel: sc_gather_pair.7.cloned.1.call-start
scs
__scs_entry_jumppad:
0x0: {  	(pc) =	sbr.rel $0x88, $3  }
0x1: {  	(tag) =	ssettag $0x0;
	lr =	simm.s32 $0x1  }
0x2: {  	[smem:$0x3F7F] =	sst lr;
	_ =	strace $0xD0000000  }
0x3: {  	_ = 	snop  }
0x4: {  	_ = 	snop  }
0x5: {  	_ = 	snop  }
0x6: {  	_ = 	snop  }
0x7: {  	_ = 	snop  }
__scs_overlays_trampoline_lowered:
0x8: {  	[smem:$0x3F8E] =	sst s0  }
0x9: {  	[smem:$0x3F8F] =	sst s1  }
0xa: {  	[smem:$0x3F90] =	sst s2  }
0xb: {  	[smem:$0x3F91] =	sst s3  }
0xc: {  	[smem:$0x3F92] =	sst s4  }
0xd: {  	[smem:$0x3F93] =	sst s5  }
0xe: {  	[smem:$0x3F94] =	sst s6  }
0xf: {  	[smem:$0x3F95] =	sst s7  }
0x10: {  	[smem:$0x3F96] =	sst s8  }
0x11: {  	[smem:$0x3F97] =	sst s9;
	s0 =	simm.s32 @!p0 $0x0  }
0x12: {  	s1 =	sld [smem:$0x3F7D];
	s0 =	simm.s32 @p0 $0x1  }
0x13: {  	[smem:$0x3F98] =	sst s0;
	s0 =	simm.s32 @!p1 $0x0  }
0x14: {  	s2 =	sld [smem:$0x3F7C];
	s0 =	simm.s32 @p1 $0x1  }
0x15: {  	[smem:$0x3F99] =	sst s0;
	s0 =	simm.s32 @!p2 $0x0  }
0x16: {  	s3 =	sld [smem:$0x3FDB];
	s0 =	simm.s32 @p2 $0x1  }
0x17: {  	s4 =	simm.s32 $0x1BF5;
	[smem:$0x3F9B] =	sst s0  }
0x18: {  	s0 =	sld [smem:$0x3F7E];
	_ =	swait.ge [sflag:s4], $0x0  }
0x19: {  	s7 =	sld [smem:$0x3F7F]  }
0x1a: {  	s8 =	sadd.s32 $0xFFFFE003, lr  }
0x1b: {  	s9 =	sadd.s32 $0xFFFFFEF7, lr;
	s5 =	simm.s32 $0xFFFFFFFF;
	p2 =	slt.u32 s8, $0xFFFFF086  }
0x1c: {  	p1 =	slt.u32 s9, $0xF7A;
	s5 =	simm.s32 @!p2 $0x0  }
0x1d: {  	s5 =	simm.s32 @p1 $0x1;
	p0 =	seq.s32 s7, s2  }
0x1e: {  	s7 =	smul.u32 @!p0 $0xF7A, s2;
	p2 =	seq.s32 @!p0 s5, $0x0  }
0x1f: {  	s9 =	smul.u32 $0xF7A, s1;
	s8 =	simm.s32 @!p0 $0x1BF5;
	p2 =	por !p2, p0  }
0x20: {  	[sflag:s8] =	ssyncset.s32 @!p0 $0xFFFFF086;
	s6 =	sadd.s32 @!p0 s3, s7;
	s7 =	simm.s32 @!p0 $0x108  }
0x21: {  	s3 =	sadd.s32 s3, s9;
	s6 =	sadd.s32 @!p0 $0x88, s6;
	s7 =	simm.s32 @p2 $0x1082  }
0x22: {  	[simem:s7], [sflag:s8] =	dma.local @!p0 [hbm:s6], $0xF7A  }
0x23: {  	s9 =	sor.u32 $0xD0000000, s2;
	s6 =	simm.s32 $0x108;
	_ =	swait.ge @!p0 [sflag:s8], $0x0  }
0x24: {  	s3 =	sadd.s32 $0x88, s3;
	s6 =	simm.s32 @!p1 $0x1082;
	[sflag:s4] =	ssyncset.s32 $0xFFFFF086  }
0x25: {  	[simem:s6], [sflag:s4] =	dma.local [hbm:s3], $0xF7A  }
0x26: {  	[smem:$0x3F7F] =	sst s1;
	(tag) =	ssettag s2;
	_ =	strace s9  }
0x27: {  	s1 =	sld [smem:$0x3F8F]  }
0x28: {  	s2 =	sld [smem:$0x3F90]  }
0x29: {  	s4 =	sld [smem:$0x3F92]  }
0x2a: {  	p0 =	seq.s32 s5, $0x0;
	s5 =	sld [smem:$0x3F93]  }
0x2b: {  	s6 =	sld [smem:$0x3F94]  }
0x2c: {  	s7 =	sld [smem:$0x3F95]  }
0x2d: {  	s3 =	simm.s32 $0x108;
	s8 =	sld [smem:$0x3F96]  }
0x2e: {  	s3 =	simm.s32 @!p0 $0x1082;
	s9 =	sld [smem:$0x3F97]  }
0x2f: {  	lr =	sadd.s32 s0, s3;
	s0 =	sld [smem:$0x3F8E]  }
0x30: {  	s3 =	sld [smem:$0x3F91]  }
0x31: {  	[smem:$0x3F9A] =	sst s10  }
0x32: {  	s10 =	sld [smem:$0x3F98];
	_ =	sdelay $0x3  }
0x33: {  	p0 =	seq.s32 s10, $0x1;
	s10 =	sld [smem:$0x3F9A];
	_ =	sdelay $0x3  }
0x34: {  	[smem:$0x3F9A] =	sst s10  }
0x35: {  	s10 =	sld [smem:$0x3F99];
	_ =	sdelay $0x3  }
0x36: {  	p1 =	seq.s32 s10, $0x1;
	s10 =	sld [smem:$0x3F9A];
	_ =	sdelay $0x3  }
0x37: {  	[smem:$0x3F9A] =	sst s10  }
0x38: {  	s10 =	sld [smem:$0x3F9B]  }
0x39: {  	_ = 	snop;
	(pc) =	sbr.ind lr, $3  }
0x3a: {  	_ = 	snop  }
0x3b: {  	_ = 	snop  }
0x3c: {  	p2 =	seq.s32 s10, $0x1;
	s10 =	sld [smem:$0x3F9A]  }
0x3d: {  	_ =	shalt  }
0x3e: {  	_ =	shalt  }
0x3f: {  	_ =	shalt  }
0x40: {  	_ =	shalt  }
0x41: {  	_ =	shalt  }
0x42: {  	_ =	shalt  }
0x43: {  	_ =	shalt  }
0x44: {  	_ =	shalt  }
0x45: {  	_ =	shalt  }
0x46: {  	_ =	shalt  }
0x47: {  	_ =	shalt  }
0x48: {  	_ =	shalt  }
0x49: {  	_ =	shalt  }
0x4a: {  	_ =	shalt  }
0x4b: {  	_ =	shalt  }
0x4c: {  	_ =	shalt  }
0x4d: {  	_ =	shalt  }
0x4e: {  	_ =	shalt  }
0x4f: {  	_ =	shalt  }
0x50: {  	_ =	shalt  }
0x51: {  	_ =	shalt  }
0x52: {  	_ =	shalt  }
0x53: {  	_ =	shalt  }
0x54: {  	_ =	shalt  }
0x55: {  	_ =	shalt  }
0x56: {  	_ =	shalt  }
0x57: {  	_ =	shalt  }
0x58: {  	_ =	shalt  }
0x59: {  	_ =	shalt  }
0x5a: {  	_ =	shalt  }
0x5b: {  	_ =	shalt  }
0x5c: {  	_ =	shalt  }
0x5d: {  	_ =	shalt  }
0x5e: {  	_ =	shalt  }
0x5f: {  	_ =	shalt  }
0x60: {  	_ =	shalt  }
0x61: {  	_ =	shalt  }
0x62: {  	_ =	shalt  }
0x63: {  	_ =	shalt  }
0x64: {  	_ =	shalt  }
0x65: {  	_ =	shalt  }
0x66: {  	_ =	shalt  }
0x67: {  	_ =	shalt  }
0x68: {  	_ =	shalt  }
0x69: {  	_ =	shalt  }
0x6a: {  	_ =	shalt  }
0x6b: {  	_ =	shalt  }
0x6c: {  	_ =	shalt  }
0x6d: {  	_ =	shalt  }
0x6e: {  	_ =	shalt  }
0x6f: {  	_ =	shalt  }
0x70: {  	_ =	shalt  }
0x71: {  	_ =	shalt  }
0x72: {  	_ =	shalt  }
0x73: {  	_ =	shalt  }
0x74: {  	_ =	shalt  }
0x75: {  	_ =	shalt  }
0x76: {  	_ =	shalt  }
0x77: {  	_ =	shalt  }
0x78: {  	_ =	shalt  }
0x79: {  	_ =	shalt  }
0x7a: {  	_ =	shalt  }
0x7b: {  	_ =	shalt  }
0x7c: {  	_ =	shalt  }
0x7d: {  	_ =	shalt  }
0x7e: {  	_ =	shalt  }
0x7f: {  	_ =	shalt  }
0x80: {  	_ =	shalt  }
0x81: {  	_ =	shalt  }
0x82: {  	_ =	shalt  }
0x83: {  	_ =	shalt  }
0x84: {  	_ =	shalt  }
0x85: {  	_ =	shalt  }
0x86: {  	_ =	shalt  }
0x87: {  	_ =	shalt  }
.Lfunc_end0:
.L_simem_size_0:
called_computation.2_lowered:
.L_overlay_start_0:
0x88: {  	s2 =	sld [smem:$0x3FD9]  }
0x89: {  	s3 =	sld [smem:$0x3FFE];
	_ =	sdelay $0x1  }
0x8a: {  	s1 =	srdreg.scid  }
0x8b: {  	s0 =	sand.u32 $0x1, s1  }
0x8c: {  	s16 =	sshll.u32 s0, $0xA;
	s2 =	sadd.s32 s3, s2  }
0x8d: {  	s2 =	sadd.s32 s2, s16  }
0x8e: {  	[smem:$0x3FA6] =	sst s2  }
0x8f: {  	_ = 	snop  }
0x90: {  	(tm) =	ssettm $0x1  }
0x91: {  	s17 =	sld [smem:$0x3FFB];
	_ =	sdelay $0x3  }
0x92: {  	_ =	strace s17  }
0x93: {  	s2 =	sld [smem:$0x3FFC];
	_ =	sdelay $0x3  }
0x94: {  	_ =	strace s2  }
0x95: {  	s2 =	sld [smem:$0x3FFD];
	_ =	sdelay $0x3  }
0x96: {  	_ =	strace s2  }
0x97: {  	_ =	strace $0x8FFFFFFF  }
0x98: {  	s18 =	sld [smem:$0x3FDB];
	_ =	sdelay $0x1  }
0x99: {  	s19 =	simm.s32 $_scs_section_size  }
0x9a: {  	s4 =	simm.s32 $_size__tile_overlayer_lowered;
	s5 =	simm.s32 $_tile_overlayer_lowered  }
0x9b: {  	s22 =	simm.s32 $0x1BFF;
	s21 =	sshll.u32 s5, $0x1;
	s2 =	sadd.s32 s19, s18  }
0x9c: {  	s6 =	simm.s32 $0x0;
	s20 =	sshll.u32 s4, $0x1;
	s4 =	sadd.s32 s21, s2  }
0x9d: {  	[timem:s6], [sflag:s22] =	dma.local [hbm:s4], s20  }
0x9e: {  	_ =	swait.ge [sflag:s22], s20  }
0x9f: {  	s3 =	ssub.s32 $0x0, s20;
	[sflag:s22] =	ssyncset.done $0x0  }
0xa0: {  	[sflag:s22] =	ssyncadd.s32 s3;
	_ =	sdelay $0x1  }
0xa1: {  	s23 =	simm.s32 $0x1B8B  }
0xa2: {  	_ =	swait.ge [sflag:s23], $0x1  }
0xa3: {  	[sflag:s23] =	ssyncset.done $0x0  }
0xa4: {  	s25 =	simm.s32 $0x1B8E;
	s24 =	sld [smem:$0x3FFE];
	[sflag:s23] =	ssyncadd.s32 $0xFFFFFFFF  }
0xa5: {  	s26 =	simm.s32 $execute0_lowered;
	[smem:$0x3FD2] =	sst s25  }
0xa6: {  	s4 =	sshll.u32 s26, $0x1;
	_ =	strace $0x8000004C;
	[dreg:$0x1] =	wrdreg $0xFFFFFFFF  }
0xa7: {  	s28 =	simm.s32 $_size_execute0_lowered;
	s2 =	sadd.s32 s2, s4;
	[dreg:$0x0] =	wrdreg $0x0  }
0xa8: {  	s4 =	sshll.u32 s28, $0x1;
	[dreg:$0x2] =	wrdreg s2  }
0xa9: {  	[dreg:$0x3] =	wrdreg s4  }
0xaa: {  	[dreg:$0x4] =	wrdreg $0xC0  }
0xab: {  	_ =	task [dreg:s6], $0x5FFFF  }
0xac: {  	[dreg:$0x1] =	wrdreg $0xFFFFFFFF  }
0xad: {  	[dreg:$0x0] =	wrdreg $0x60  }
0xae: {  	[dreg:$0x2] =	wrdreg s24  }
0xaf: {  	[dreg:$0x3] =	wrdreg $0x9  }
0xb0: {  	_ =	task.clear_ibuf [dreg:s6], $0x4FFFF;
	_ =	strace $0x9000004C  }
0xb1: {  	s29 =	simm.s32 $0x9;
	_ =	strace $0x8000004E  }
0xb2: {  	_ =	swait.ge [sflag:s29], $0x1  }
0xb3: {  	[sflag:s29] =	ssyncadd.s32 $0xFFFFFFFF  }
0xb4: {  	_ =	strace $0x9000004E  }
0xb5: {  	_ =	sfence  }
0xb6: {  	s30 =	sld [smem:$0x0];
	_ =	sdelay $0x2  }
0xb7: {  	s31 =	sshll.u32 s1, $0xD;
	s1 =	sshrl.u32 s1, $0x2  }
0xb8: {  	s3 =	sand.u32 $0x4000, s31;
	s1 =	sadd.s32 s1, s30  }
0xb9: {  	s0 =	sor.u32 s3, s0;
	s1 =	sshll.u32 s1, $0x11  }
0xba: {  	s0 =	sor.u32 s1, s0  }
0xbb: {  	s0 =	sadd.s32 $0x8F2B, s0  }
0xbc: {  	[sflag:s0] =	ssyncadd.remote.s32 $0x1  }
0xbd: {  	_ =	sfence.sel $0xFFFF  }
0xbe: {  	[dreg:$0x0] =	wrdreg $0xFFFFFFFF;
	(pc) =	sbr.abs _section_cstart, $3  }
0xbf: {  	[dreg:$0x1] =	wrdreg $0xFFFFFFFF  }
0xc0: {  	_ =	task.clear_ibuf [dreg:s6], $0x2FFFF;
	_ =	strace $0x9FFFFFFF  }
0xc1: {  	(tm) =	ssettm $0x7FFFFFFF  }
tec
execute0_lowered:
.L_overlay_start_1:
0x0: {  	(tag) =	ssettag $0x1  }
0x1: {  	s1 =	srdreg.scid;
	s0 =	stileid.u32  }
0x2: {  	s5 =	rddreg [dreg:$0x0];
	s2 =	simm.s32 $0x0;
	s12 =	simm.s32 $0x4E20  }
0x3: {  	s13 =	simm.s32 $0x7620;
	s14 =	simm.s32 $0x50;
	s15 =	simm.s32 $0x6  }
0x4: {  	s16 =	simm.s32 $0x8;
	s17 =	simm.s32 $0x5;
	s18 =	simm.s32 $0x7  }
0x5: {  	s19 =	simm.s32 $0x0;
	s6 =	sand.u32 $0x1, s1;
	s1 =	rddreg [dreg:$0x1]  }
0x6: {  	s3 =	sshll.u32 s0, $0x1;
	[smem:$0x7FF] =	sst s2;
	s8 =	smul.u32 $0x27100, s0  }
0x7: {  	s4 =	sadd.s32 $0x56E00, s5;
	s3 =	sor.u32 s6, s3;
	s11 =	smul.u32 $0x13880, s6  }
0x8: {  	_ =	strace $0x8000004D;
	s9 =	ssub.s32 $0x2, s6;
	s7 =	smul.u32 $0x2710, s3  }
.Ltmp0:
0x9: {  	s3 =	sadd.s32 $0x7E00, s5;
	s10 =	sshrl.u32 s9, $0x1;
	(pc) =	sbr.rel .LBB2_1-.Ltmp0, $4  }
0xa: {  	s8 =	sadd.s32 s8, s5;
	s9 =	ssub.s32 s9, s10;
	s7 =	sshrl.u32 s7, $0x3  }
0xb: {  	s31 =	sadd.s32 s11, s8;
	s10 =	simm.s32 $0x9;
	s7 =	sadd.s32 s7, s5  }
0xc: {  	s11 =	simm.s32 $0x2710;
	s8 =	sadd.s32 $0xA03C00, s31;
	s5 =	sadd.s32 $0x25E00, s7  }
0xd: {  	s6 =	sadd.s32 $0x1C000, s7;
	s7 =	smax.u32 s9, $0x1;
	s9 =	sadd.s32 $0x6A800, s31  }
.LBB2_7:
0xe: {  	_ =	swait.ge [sflag:s15], $0x1400  }
0xf: {  	[sflag:s15] =	ssyncset.done $0x0  }
0x10: {  	[sflag:s15] =	ssyncadd.s32 $0xFFFFEC00  }
0x11: {  	_ =	swait.ge [sflag:s16], $0x1400  }
0x12: {  	[sflag:s16] =	ssyncset.done $0x0  }
0x13: {  	s19 =	sadd.s32 $0x1, s19;
	[sflag:s16] =	ssyncadd.s32 $0xFFFFEC00  }
0x14: {  	p0 =	sne.s32 s19, s7;
	_ =	swait.ge [sflag:s17], $0x1400  }
.Ltmp1:
0x15: {  	[sflag:s17] =	ssyncset.done $0x0;
	(pc) =	sbr.rel @!p0 .LBB2_8-.Ltmp1, $4  }
0x16: {  	[sflag:s17] =	ssyncadd.s32 $0xFFFFEC00  }
0x17: {  	_ =	swait.ge [sflag:s18], $0x1400  }
0x18: {  	[sflag:s18] =	ssyncset.done $0x0  }
0x19: {  	[sflag:s18] =	ssyncadd.s32 $0xFFFFEC00  }
.LBB2_1:
0x1a: {  	[tilespmem:s2], [sflag:$0x9] =	stream.linear.gather [hbm4b:s5+s2], $0x2710, $0x38;
	[tilespmem:$0x9E20] =	vst v63  }
0x1b: {  	_ =	swait.ge [sflag:s10], $0x2710  }
0x1c: {  	[sflag:s10] =	ssyncset.done $0x0  }
0x1d: {  	[sflag:s10] =	ssyncadd.s32 $0xFFFFD8F0  }
0x1e: {  	[tilespmem:s11], [sflag:$0x9] =	stream.linear.gather [hbm4b:s6+s2], $0x2710, $0x38;
	[tilespmem:$0x9E20] =	vst v63  }
0x1f: {  	_ =	swait.ge [sflag:s10], $0x2710  }
.Ltmp2:
0x20: {  	[sflag:s10] =	ssyncset.done $0x0;
	(pc) =	sbr.rel .LBB2_2-.Ltmp2, $4  }
0x21: {  	s20 =	simm.s32 $0x2760;
	s21 =	simm.s32 $0x50;
	[sflag:s10] =	ssyncadd.s32 $0xFFFFD8F0  }
0x22: {  	[tilespmem:s12], [sflag:$0x1] =	stream.indirect.gather [hbm4b:s3+s14], $0x40, s2, s14, $0xb8;
	[tilespmem:$0x9E20] =	vst v63  }
0x23: {  	s22 =	smov.u32 s9;
	s23 =	smov.u32 s8;
	s24 =	simm.s32 $0x0  }
0x24: {  	[tilespmem:s13], [sflag:$0x3] =	stream.indirect.gather [hbm4b:s4+s14], $0x40, s11, s14, $0xb8;
	[tilespmem:$0x9E20] =	vst v63  }
.LBB2_5:
0x25: {  	s28 =	smul.u32 $0x1400, s26;
	_ =	sdelay $0x1  }
0x26: {  	s30 =	sadd.s32 $0x1, s26;
	s29 =	sadd.s32 $0x4E20, s28  }
0x27: {  	[tilespmem:s29], [sflag:s30] =	stream.indirect.gather [hbm4b:s3+s14], $0x40, s21, s14, $0xb8;
	[tilespmem:$0x9E20] =	vst v63  }
0x28: {  	s31 =	sadd.s32 $0x3, s26;
	s28 =	sadd.s32 $0x7620, s28  }
0x29: {  	[tilespmem:s28], [sflag:s31] =	stream.indirect.gather [hbm4b:s4+s14], $0x40, s20, s14, $0xb8;
	[tilespmem:$0x9E20] =	vst v63  }
.LBB2_6:
0x2a: {  	s26 =	sadd.s32 $0x1, s25  }
0x2b: {  	s28 =	smul.u32 $0x1400, s25;
	_ =	swait.ge [sflag:s26], $0x1400  }
0x2c: {  	s31 =	sadd.s32 $0x5, s25;
	[sflag:s26] =	ssyncset.done $0x0  }
0x2d: {  	s24 =	sadd.s32 $0x1, s24;
	s29 =	sadd.s32 $0x4E20, s28;
	[sflag:s26] =	ssyncadd.s32 $0xFFFFEC00  }
0x2e: {  	[hbm4b:s22+s2] =	stream.linear.scatter [tilespmem:s29], [sflag:s31], $0x1400, $0x38;
	[tilespmem:$0x9E20] =	vst v63  }
0x2f: {  	p0 =	sne.s32 s24, $0x7D;
	s29 =	sadd.s32 $0x3, s25  }
.Ltmp3:
0x30: {  	_ =	swait.ge [sflag:s29], $0x1400;
	(pc) =	sbr.rel @!p0 .LBB2_7-.Ltmp3, $4  }
0x31: {  	s30 =	sadd.s32 $0x7, s25;
	[sflag:s29] =	ssyncset.done $0x0  }
0x32: {  	s20 =	sadd.s32 $0x50, s20;
	s31 =	sadd.s32 $0x7620, s28;
	[sflag:s29] =	ssyncadd.s32 $0xFFFFEC00  }
0x33: {  	[hbm4b:s23+s2] =	stream.linear.scatter [tilespmem:s31], [sflag:s30], $0x1400, $0x38;
	[tilespmem:$0x9E20] =	vst v63  }
0x34: {  	s21 =	sadd.s32 $0x50, s21;
	s22 =	sadd.s32 $0x280, s22;
	s23 =	sadd.s32 $0x280, s23  }
.LBB2_2:
0x35: {  	p0 =	seq.s32 s24, $0x0  }
.Ltmp4:
0x36: {  	_ = 	snop;
	(pc) =	sbr.rel @p0 .LBB2_5-.Ltmp4, $3  }
0x37: {  	_ =	sdelay $0x1  }
0x38: {  	s25 =	sand.u32 $0x1, s24  }
0x39: {  	s26 =	sxor.u32 $0x1, s25  }
0x3a: {  	p0 =	seq.s32 s24, $0x7C  }
.Ltmp5:
0x3b: {  	_ = 	snop;
	(pc) =	sbr.rel @p0 .LBB2_6-.Ltmp5, $1  }
0x3c: {  	_ =	sdelay $0x3  }
0x3d: {  	s28 =	sadd.s32 $0x5, s26  }
0x3e: {  	_ =	swait.ge [sflag:s28], $0x1400  }
.Ltmp6:
0x3f: {  	[sflag:s28] =	ssyncset.done $0x0;
	(pc) =	sbr.rel .LBB2_5-.Ltmp6, $4  }
0x40: {  	s31 =	sadd.s32 $0x7, s26;
	[sflag:s28] =	ssyncadd.s32 $0xFFFFEC00  }
0x41: {  	_ =	swait.ge [sflag:s31], $0x1400  }
0x42: {  	[sflag:s31] =	ssyncset.done $0x0  }
0x43: {  	[sflag:s31] =	ssyncadd.s32 $0xFFFFEC00  }
.LBB2_8:
0x44: {  	_ =	sfence.sel $0x180000  }
0x45: {  	[bflag:$0x0] =	sbarrier.arrive $0xFFFF  }
0x46: {  	p0 =	sne.s32 s0, $0x0;
	_ =	strace $0x9000004D  }
0x47: {  	s0 =	sadd.s32 @!p0 $0x100000, s1;
	[bflag:$0x2] =	sbarrier.arrive $0xFFFF  }
0x48: {  	[sflag:s0] =	ssyncadd.tile.s32 @!p0 $0x1;
	_ =	shalt  }
.Lfunc_end2:
_tile_overlayer_lowered:
.L_overlay_start_2:
0x49: {  	(tag) =	ssettag $0x2  }
0x4a: {  	s0 =	rddreg [dreg:$0x0];
	s2 =	stileid.u32  }
0x4b: {  	s1 =	rddreg [dreg:$0x1];
	p0 =	sne.s32 s2, $0x0  }
0x4c: {  	s3 =	rddreg [dreg:$0x2];
	[bflag:$0x3] =	sbarrier.arrive $0xFFFF;
	s2 =	simm.s32 @!p0 $0x1C09  }
0x4d: {  	[timem:s3], [sflag:s2] =	dma.local @!p0 [hbm:s0], s1  }
0x4e: {  	s0 =	simm.s32 @!p0 $0x9  }
0x4f: {  	_ =	swait.ge @!p0 [sflag:s0], s1  }
0x50: {  	s1 =	ssub.s32 @!p0 $0x0, s1;
	[sflag:s0] =	ssyncset.done @!p0 $0x0  }
0x51: {  	[sflag:s0] =	ssyncadd.s32 @!p0 s1  }
0x52: {  	[bflag:$0x3] =	sbarrier.arrive $0xFFFF  }
0x53: {  	_ =	shalt  }

// kernel: sc_scatter_add.4.cloned.1.call-start
scs
__scs_entry_jumppad:
0x0: {  	(pc) =	sbr.rel $0x88, $3  }
0x1: {  	(tag) =	ssettag $0x0;
	lr =	simm.s32 $0x1  }
0x2: {  	[smem:$0x3F7F] =	sst lr;
	_ =	strace $0xD0000000  }
0x3: {  	_ = 	snop  }
0x4: {  	_ = 	snop  }
0x5: {  	_ = 	snop  }
0x6: {  	_ = 	snop  }
0x7: {  	_ = 	snop  }
__scs_overlays_trampoline_lowered:
0x8: {  	[smem:$0x3F8E] =	sst s0  }
0x9: {  	[smem:$0x3F8F] =	sst s1  }
0xa: {  	[smem:$0x3F90] =	sst s2  }
0xb: {  	[smem:$0x3F91] =	sst s3  }
0xc: {  	[smem:$0x3F92] =	sst s4  }
0xd: {  	[smem:$0x3F93] =	sst s5  }
0xe: {  	[smem:$0x3F94] =	sst s6  }
0xf: {  	[smem:$0x3F95] =	sst s7  }
0x10: {  	[smem:$0x3F96] =	sst s8  }
0x11: {  	[smem:$0x3F97] =	sst s9;
	s0 =	simm.s32 @!p0 $0x0  }
0x12: {  	s1 =	sld [smem:$0x3F7D];
	s0 =	simm.s32 @p0 $0x1  }
0x13: {  	[smem:$0x3F98] =	sst s0;
	s0 =	simm.s32 @!p1 $0x0  }
0x14: {  	s2 =	sld [smem:$0x3F7C];
	s0 =	simm.s32 @p1 $0x1  }
0x15: {  	[smem:$0x3F99] =	sst s0;
	s0 =	simm.s32 @!p2 $0x0  }
0x16: {  	s3 =	sld [smem:$0x3FDB];
	s0 =	simm.s32 @p2 $0x1  }
0x17: {  	s4 =	simm.s32 $0x1BF5;
	[smem:$0x3F9B] =	sst s0  }
0x18: {  	s0 =	sld [smem:$0x3F7E];
	_ =	swait.ge [sflag:s4], $0x0  }
0x19: {  	s7 =	sld [smem:$0x3F7F]  }
0x1a: {  	s8 =	sadd.s32 $0xFFFFE003, lr  }
0x1b: {  	s9 =	sadd.s32 $0xFFFFFEF7, lr;
	s5 =	simm.s32 $0xFFFFFFFF;
	p2 =	slt.u32 s8, $0xFFFFF086  }
0x1c: {  	p1 =	slt.u32 s9, $0xF7A;
	s5 =	simm.s32 @!p2 $0x0  }
0x1d: {  	s5 =	simm.s32 @p1 $0x1;
	p0 =	seq.s32 s7, s2  }
0x1e: {  	s7 =	smul.u32 @!p0 $0xF7A, s2;
	p2 =	seq.s32 @!p0 s5, $0x0  }
0x1f: {  	s9 =	smul.u32 $0xF7A, s1;
	s8 =	simm.s32 @!p0 $0x1BF5;
	p2 =	por !p2, p0  }
0x20: {  	[sflag:s8] =	ssyncset.s32 @!p0 $0xFFFFF086;
	s6 =	sadd.s32 @!p0 s3, s7;
	s7 =	simm.s32 @!p0 $0x108  }
0x21: {  	s3 =	sadd.s32 s3, s9;
	s6 =	sadd.s32 @!p0 $0x88, s6;
	s7 =	simm.s32 @p2 $0x1082  }
0x22: {  	[simem:s7], [sflag:s8] =	dma.local @!p0 [hbm:s6], $0xF7A  }
0x23: {  	s9 =	sor.u32 $0xD0000000, s2;
	s6 =	simm.s32 $0x108;
	_ =	swait.ge @!p0 [sflag:s8], $0x0  }
0x24: {  	s3 =	sadd.s32 $0x88, s3;
	s6 =	simm.s32 @!p1 $0x1082;
	[sflag:s4] =	ssyncset.s32 $0xFFFFF086  }
0x25: {  	[simem:s6], [sflag:s4] =	dma.local [hbm:s3], $0xF7A  }
0x26: {  	[smem:$0x3F7F] =	sst s1;
	(tag) =	ssettag s2;
	_ =	strace s9  }
0x27: {  	s1 =	sld [smem:$0x3F8F]  }
0x28: {  	s2 =	sld [smem:$0x3F90]  }
0x29: {  	s4 =	sld [smem:$0x3F92]  }
0x2a: {  	p0 =	seq.s32 s5, $0x0;
	s5 =	sld [smem:$0x3F93]  }
0x2b: {  	s6 =	sld [smem:$0x3F94]  }
0x2c: {  	s7 =	sld [smem:$0x3F95]  }
0x2d: {  	s3 =	simm.s32 $0x108;
	s8 =	sld [smem:$0x3F96]  }
0x2e: {  	s3 =	simm.s32 @!p0 $0x1082;
	s9 =	sld [smem:$0x3F97]  }
0x2f: {  	lr =	sadd.s32 s0, s3;
	s0 =	sld [smem:$0x3F8E]  }
0x30: {  	s3 =	sld [smem:$0x3F91]  }
0x31: {  	[smem:$0x3F9A] =	sst s10  }
0x32: {  	s10 =	sld [smem:$0x3F98];
	_ =	sdelay $0x3  }
0x33: {  	p0 =	seq.s32 s10, $0x1;
	s10 =	sld [smem:$0x3F9A];
	_ =	sdelay $0x3  }
0x34: {  	[smem:$0x3F9A] =	sst s10  }
0x35: {  	s10 =	sld [smem:$0x3F99];
	_ =	sdelay $0x3  }
0x36: {  	p1 =	seq.s32 s10, $0x1;
	s10 =	sld [smem:$0x3F9A];
	_ =	sdelay $0x3  }
0x37: {  	[smem:$0x3F9A] =	sst s10  }
0x38: {  	s10 =	sld [smem:$0x3F9B]  }
0x39: {  	_ = 	snop;
	(pc) =	sbr.ind lr, $3  }
0x3a: {  	_ = 	snop  }
0x3b: {  	_ = 	snop  }
0x3c: {  	p2 =	seq.s32 s10, $0x1;
	s10 =	sld [smem:$0x3F9A]  }
0x3d: {  	_ =	shalt  }
0x3e: {  	_ =	shalt  }
0x3f: {  	_ =	shalt  }
0x40: {  	_ =	shalt  }
0x41: {  	_ =	shalt  }
0x42: {  	_ =	shalt  }
0x43: {  	_ =	shalt  }
0x44: {  	_ =	shalt  }
0x45: {  	_ =	shalt  }
0x46: {  	_ =	shalt  }
0x47: {  	_ =	shalt  }
0x48: {  	_ =	shalt  }
0x49: {  	_ =	shalt  }
0x4a: {  	_ =	shalt  }
0x4b: {  	_ =	shalt  }
0x4c: {  	_ =	shalt  }
0x4d: {  	_ =	shalt  }
0x4e: {  	_ =	shalt  }
0x4f: {  	_ =	shalt  }
0x50: {  	_ =	shalt  }
0x51: {  	_ =	shalt  }
0x52: {  	_ =	shalt  }
0x53: {  	_ =	shalt  }
0x54: {  	_ =	shalt  }
0x55: {  	_ =	shalt  }
0x56: {  	_ =	shalt  }
0x57: {  	_ =	shalt  }
0x58: {  	_ =	shalt  }
0x59: {  	_ =	shalt  }
0x5a: {  	_ =	shalt  }
0x5b: {  	_ =	shalt  }
0x5c: {  	_ =	shalt  }
0x5d: {  	_ =	shalt  }
0x5e: {  	_ =	shalt  }
0x5f: {  	_ =	shalt  }
0x60: {  	_ =	shalt  }
0x61: {  	_ =	shalt  }
0x62: {  	_ =	shalt  }
0x63: {  	_ =	shalt  }
0x64: {  	_ =	shalt  }
0x65: {  	_ =	shalt  }
0x66: {  	_ =	shalt  }
0x67: {  	_ =	shalt  }
0x68: {  	_ =	shalt  }
0x69: {  	_ =	shalt  }
0x6a: {  	_ =	shalt  }
0x6b: {  	_ =	shalt  }
0x6c: {  	_ =	shalt  }
0x6d: {  	_ =	shalt  }
0x6e: {  	_ =	shalt  }
0x6f: {  	_ =	shalt  }
0x70: {  	_ =	shalt  }
0x71: {  	_ =	shalt  }
0x72: {  	_ =	shalt  }
0x73: {  	_ =	shalt  }
0x74: {  	_ =	shalt  }
0x75: {  	_ =	shalt  }
0x76: {  	_ =	shalt  }
0x77: {  	_ =	shalt  }
0x78: {  	_ =	shalt  }
0x79: {  	_ =	shalt  }
0x7a: {  	_ =	shalt  }
0x7b: {  	_ =	shalt  }
0x7c: {  	_ =	shalt  }
0x7d: {  	_ =	shalt  }
0x7e: {  	_ =	shalt  }
0x7f: {  	_ =	shalt  }
0x80: {  	_ =	shalt  }
0x81: {  	_ =	shalt  }
0x82: {  	_ =	shalt  }
0x83: {  	_ =	shalt  }
0x84: {  	_ =	shalt  }
0x85: {  	_ =	shalt  }
0x86: {  	_ =	shalt  }
0x87: {  	_ =	shalt  }
.Lfunc_end0:
.L_simem_size_0:
called_computation.1_lowered:
.L_overlay_start_0:
0x88: {  	s2 =	sld [smem:$0x3FD9]  }
0x89: {  	s3 =	sld [smem:$0x3FFE];
	_ =	sdelay $0x1  }
0x8a: {  	s1 =	srdreg.scid  }
0x8b: {  	s0 =	sand.u32 $0x1, s1  }
0x8c: {  	s17 =	sshll.u32 s0, $0xA;
	s2 =	sadd.s32 s3, s2  }
0x8d: {  	s2 =	sadd.s32 s2, s17  }
0x8e: {  	[smem:$0x3FA6] =	sst s2  }
0x8f: {  	_ = 	snop  }
0x90: {  	s2 =	sld [smem:$0x3FD0];
	(tm) =	ssettm $0x1  }
0x91: {  	s18 =	sld [smem:$0x3FFB];
	_ =	sdelay $0x3  }
0x92: {  	_ =	strace s18  }
0x93: {  	s3 =	sld [smem:$0x3FFC];
	_ =	sdelay $0x3  }
0x94: {  	_ =	strace s3  }
0x95: {  	s3 =	sld [smem:$0x3FFD];
	_ =	sdelay $0x3  }
0x96: {  	_ =	strace s3  }
0x97: {  	_ =	strace $0x8FFFFFFF  }
0x98: {  	s19 =	sld [smem:$0x3FDB];
	_ =	sdelay $0x1  }
0x99: {  	s4 =	simm.s32 $_scs_section_size  }
0x9a: {  	s5 =	simm.s32 $_size__tile_overlayer_lowered;
	s6 =	simm.s32 $_tile_overlayer_lowered  }
0x9b: {  	s22 =	simm.s32 $0x1BFF;
	s21 =	sshll.u32 s6, $0x1;
	s3 =	sadd.s32 s4, s19  }
0x9c: {  	s7 =	simm.s32 $0x0;
	s20 =	sshll.u32 s5, $0x1;
	s5 =	sadd.s32 s21, s3  }
0x9d: {  	[timem:s7], [sflag:s22] =	dma.local [hbm:s5], s20  }
0x9e: {  	_ =	swait.ge [sflag:s22], s20  }
0x9f: {  	s4 =	ssub.s32 $0x0, s20;
	[sflag:s22] =	ssyncset.done $0x0  }
0xa0: {  	[sflag:s22] =	ssyncadd.s32 s4;
	_ =	sdelay $0x1  }
0xa1: {  	s23 =	simm.s32 $0x1B8B  }
0xa2: {  	_ =	swait.ge [sflag:s23], $0x1  }
0xa3: {  	[sflag:s23] =	ssyncset.done $0x0  }
0xa4: {  	s25 =	simm.s32 $0x1B8E;
	s24 =	sld [smem:$0x3FFE];
	[sflag:s23] =	ssyncadd.s32 $0xFFFFFFFF  }
0xa5: {  	s26 =	simm.s32 $execute0_lowered;
	[smem:$0x3FD2] =	sst s25  }
0xa6: {  	s5 =	sshll.u32 s26, $0x1;
	_ =	strace $0x80000049;
	[dreg:$0x1] =	wrdreg $0xFFFFFFFF  }
0xa7: {  	s28 =	simm.s32 $_size_execute0_lowered;
	s3 =	sadd.s32 s3, s5;
	[dreg:$0x0] =	wrdreg $0x0  }
0xa8: {  	s5 =	sshll.u32 s28, $0x1;
	[dreg:$0x2] =	wrdreg s3  }
0xa9: {  	[dreg:$0x3] =	wrdreg s5  }
0xaa: {  	[dreg:$0x4] =	wrdreg $0xC0  }
0xab: {  	_ =	task [dreg:s7], $0x5FFFF  }
0xac: {  	[dreg:$0x1] =	wrdreg $0xFFFFFFFF  }
0xad: {  	[dreg:$0x0] =	wrdreg $0x60  }
0xae: {  	[dreg:$0x2] =	wrdreg s24  }
0xaf: {  	[dreg:$0x3] =	wrdreg s2  }
0xb0: {  	[dreg:$0x4] =	wrdreg $0x90000  }
0xb1: {  	[dreg:$0x5] =	wrdreg $0x9  }
0xb2: {  	_ =	task.clear_ibuf [dreg:s7], $0x6FFFF;
	_ =	strace $0x90000049  }
0xb3: {  	s29 =	simm.s32 $0x9;
	_ =	strace $0x8000004B  }
0xb4: {  	_ =	swait.ge [sflag:s29], $0x1  }
0xb5: {  	[sflag:s29] =	ssyncadd.s32 $0xFFFFFFFF  }
0xb6: {  	_ =	strace $0x9000004B  }
0xb7: {  	_ =	sfence  }
0xb8: {  	s30 =	sld [smem:$0x0];
	_ =	sdelay $0x2  }
0xb9: {  	s31 =	sshll.u32 s1, $0xD;
	s1 =	sshrl.u32 s1, $0x2  }
0xba: {  	s3 =	sand.u32 $0x4000, s31;
	s1 =	sadd.s32 s1, s30  }
0xbb: {  	s0 =	sor.u32 s3, s0;
	s1 =	sshll.u32 s1, $0x11  }
0xbc: {  	s0 =	sor.u32 s1, s0  }
0xbd: {  	s0 =	sadd.s32 $0x8F2B, s0  }
0xbe: {  	[sflag:s0] =	ssyncadd.remote.s32 $0x1  }
0xbf: {  	_ =	sfence.sel $0xFFFF  }
0xc0: {  	[dreg:$0x0] =	wrdreg $0xFFFFFFFF;
	(pc) =	sbr.abs _section_cstart, $3  }
0xc1: {  	[dreg:$0x1] =	wrdreg $0xFFFFFFFF  }
0xc2: {  	_ =	task.clear_ibuf [dreg:s7], $0x2FFFF;
	_ =	strace $0x9FFFFFFF  }
0xc3: {  	(tm) =	ssettm $0x7FFFFFFF  }
tec
execute0_lowered:
.L_overlay_start_1:
0x0: {  	(tag) =	ssettag $0x1  }
0x1: {  	s3 =	rddreg [dreg:$0x0]  }
0x2: {  	s7 =	rddreg [dreg:$0x1]  }
0x3: {  	s1 =	rddreg [dreg:$0x2]  }
0x4: {  	s0 =	rddreg [dreg:$0x3];
	s2 =	simm.s32 $0x0;
	s4 =	srdreg.scid  }
0x5: {  	s11 =	stileid.u32;
	s17 =	simm.s32 $0x4;
	s18 =	simm.s32 $0x3  }
0x6: {  	s19 =	simm.s32 $0x0;
	[smem:$0x7FF] =	sst s2;
	s4 =	sand.u32 $0x1, s4  }
0x7: {  	s5 =	sshll.u32 s11, $0x1;
	s8 =	sadd.s32 $0x521C00, s3;
	s12 =	smul.u32 $0x4E000, s11  }
0x8: {  	s14 =	smul.u32 $0x4E200, s11;
	s16 =	sadd.s32 $0x138000, s1;
	p0 =	sne.s32 s11, $0x0  }
0x9: {  	s31 =	sshll.u32 s11, $0x6;
	_ =	strace $0x8000004A;
	s5 =	sor.u32 s4, s5  }
0xa: {  	s10 =	smul.u32 $0x27100, s4;
	s4 =	ssub.s32 $0x2, s4;
	s6 =	sshll.u32 s5, $0xB  }
0xb: {  	s5 =	smul.u32 $0x27100, s5;
	s9 =	sshrl.u32 s4, $0x1;
	s12 =	sshrl.u32 s12, $0x2  }
0xc: {  	s30 =	sadd.s32 s14, s8;
	s6 =	sadd.s32 s6, s3;
	s13 =	sadd.s32 s10, s3  }
0xd: {  	s9 =	ssub.s32 s4, s9;
	s3 =	smul.u32 $0x2700, s11;
	s15 =	sadd.s32 s12, s1  }
.Ltmp0:
0xe: {  	s10 =	sadd.s32 s10, s30;
	s11 =	simm.s32 $0x4000;
	(pc) =	sbr.rel .LBB2_1-.Ltmp0, $4  }
0xf: {  	s12 =	simm.s32 $0x5;
	s4 =	sadd.s32 s8, s5;
	s5 =	sadd.s32 $0x511C00, s6  }
0x10: {  	s8 =	sadd.s32 $0x2FC00, s13;
	s9 =	smax.u32 s9, $0x1;
	s10 =	sadd.s32 $0x500, s10  }
0x11: {  	s13 =	sor.u32 $0x1C05, s31;
	s14 =	sshrl.u32 s15, $0x3;
	s15 =	sshrl.u32 @!p0 s16, $0x3  }
0x12: {  	s16 =	simm.s32 $0x50;
	s6 =	sadd.s32 s7, s3;
	s7 =	sadd.s32 $0x27000, s7  }
.LBB2_7:
0x13: {  	_ =	swait.ge [sflag:s17], $0x2800  }
0x14: {  	[sflag:s17] =	ssyncset.done $0x0  }
0x15: {  	[sflag:s17] =	ssyncadd.s32 $0xFFFFD800  }
0x16: {  	_ =	swait.ge [sflag:s18], $0x2800  }
0x17: {  	[sflag:s18] =	ssyncset.done $0x0  }
0x18: {  	[sflag:s18] =	ssyncadd.s32 $0xFFFFD800  }
0x19: {  	s20 =	sadd.s32 s3, s8;
	[bflag:$0x0] =	sbarrier.arrive $0xFFFF  }
0x1a: {  	[hbm:s20], [sflag:s13] =	dma.local [spmem:s14], $0x2700  }
0x1b: {  	_ =	swait.ge [sflag:s12], $0x2700  }
0x1c: {  	s19 =	sadd.s32 $0x1, s19;
	[sflag:s12] =	ssyncset.done $0x0  }
0x1d: {  	p1 =	sne.s32 s19, s9;
	s20 =	sadd.s32 @!p0 $0x27000, s8;
	[sflag:s12] =	ssyncadd.s32 $0xFFFFD900  }
0x1e: {  	[hbm:s20], [sflag:s13] =	dma.local @!p0 [spmem:s15], $0x100  }
.Ltmp1:
0x1f: {  	_ = 	snop;
	(pc) =	sbr.rel @!p1 .LBB2_8-.Ltmp1, $4  }
0x20: {  	s20 =	simm.s32 @!p0 $0x5  }
0x21: {  	_ =	swait.ge @!p0 [sflag:s20], $0x100  }
0x22: {  	[sflag:s20] =	ssyncset.done @!p0 $0x0  }
0x23: {  	[sflag:s20] =	ssyncadd.s32 @!p0 $0xFFFFFF00  }
.LBB2_1:
0x24: {  	[tilespmem:s11], [sflag:$0x1] =	stream.linear.gather [hbm4b:s4+s2], $0x2800, $0x38;
	[tilespmem:$0x1C880] =	vst v63  }
0x25: {  	_ = 	snop  }
0x26: {  	[tilespmem:s2], [sflag:$0x5] =	stream.linear.gather [hbm4b:s5+s2], $0x3E80, $0x38;
	[tilespmem:$0x1C880] =	vst v63  }
0x27: {  	_ =	swait.ge [sflag:s12], $0x3E80  }
0x28: {  	[sflag:s12] =	ssyncset.done $0x0  }
0x29: {  	[sflag:s12] =	ssyncadd.s32 $0xFFFFC180  }
0x2a: {  	[spmem:s14], [sflag:s13] =	dma.local [hbm:s6], $0x2700  }
0x2b: {  	_ =	swait.ge [sflag:s12], $0x2700  }
0x2c: {  	[sflag:s12] =	ssyncset.done $0x0  }
0x2d: {  	s20 =	simm.s32 @!p0 $0x5;
	[sflag:s12] =	ssyncadd.s32 $0xFFFFD900  }
0x2e: {  	[spmem:s15], [sflag:s13] =	dma.local @!p0 [hbm:s7], $0x100  }
.Ltmp2:
0x2f: {  	_ =	swait.ge @!p0 [sflag:s20], $0x100;
	(pc) =	sbr.rel .LBB2_2-.Ltmp2, $4  }
0x30: {  	[sflag:s20] =	ssyncset.done @!p0 $0x0  }
0x31: {  	[sflag:s20] =	ssyncadd.s32 @!p0 $0xFFFFFF00  }
0x32: {  	[bflag:$0x0] =	sbarrier.arrive $0xFFFF  }
0x33: {  	s21 =	simm.s32 $0x0;
	s22 =	simm.s32 $0x0;
	s20 =	smov.u32 s10  }
.LBB2_5:
0x34: {  	s25 =	smul.u32 $0xA000, s24;
	_ =	sdelay $0x1  }
0x35: {  	s25 =	sshrl.u32 s25, $0x2  }
0x36: {  	s31 =	sadd.s32 $0x1, s24;
	s25 =	sor.u32 $0x4000, s25  }
0x37: {  	[tilespmem:s25], [sflag:s31] =	stream.linear.gather [hbm4b:s20+s2], $0x2800, $0x38;
	[tilespmem:$0x1C880] =	vst v63  }
.LBB2_6:
0x38: {  	s22 =	sadd.s32 $0x1, s22  }
0x39: {  	s24 =	sadd.s32 $0x1, s23;
	s25 =	smul.u32 $0xA000, s23;
	p1 =	sne.s32 s22, $0x7D  }
.Ltmp3:
0x3a: {  	_ =	swait.ge [sflag:s24], $0x2800;
	(pc) =	sbr.rel @!p1 .LBB2_7-.Ltmp3, $4  }
0x3b: {  	s25 =	sshrl.u32 s25, $0x2;
	[sflag:s24] =	ssyncset.done $0x0  }
0x3c: {  	s31 =	sadd.s32 $0x3, s23;
	s25 =	sor.u32 $0x4000, s25;
	[sflag:s24] =	ssyncadd.s32 $0xFFFFD800  }
0x3d: {  	[spmem:s1] =	stream.indirect.scatter.add.f32 [tilespmem:s25], [sflag:s31], $0x80, s21, s16, $0xb8;
	[tilespmem:$0x1C880] =	vst v63  }
0x3e: {  	s20 =	sadd.s32 $0x500, s20;
	s21 =	sadd.s32 $0x80, s21  }
.LBB2_2:
0x3f: {  	p1 =	seq.s32 s22, $0x0  }
.Ltmp4:
0x40: {  	_ = 	snop;
	(pc) =	sbr.rel @p1 .LBB2_5-.Ltmp4, $3  }
0x41: {  	_ =	sdelay $0x1  }
0x42: {  	s23 =	sand.u32 $0x1, s22  }
0x43: {  	s24 =	sxor.u32 $0x1, s23  }
0x44: {  	p1 =	seq.s32 s22, $0x7C  }
.Ltmp5:
0x45: {  	_ = 	snop;
	(pc) =	sbr.rel @p1 .LBB2_6-.Ltmp5, $1  }
0x46: {  	_ =	sdelay $0x3  }
.Ltmp6:
0x47: {  	(pc) =	sbr.rel .LBB2_5-.Ltmp6, $4  }
0x48: {  	s25 =	sadd.s32 $0x3, s24  }
0x49: {  	_ =	swait.ge [sflag:s25], $0x2800  }
0x4a: {  	[sflag:s25] =	ssyncset.done $0x0  }
0x4b: {  	[sflag:s25] =	ssyncadd.s32 $0xFFFFD800  }
.LBB2_8:
0x4c: {  	_ =	sfence.sel $0x180000  }
0x4d: {  	[bflag:$0x0] =	sbarrier.arrive $0xFFFF  }
0x4e: {  	_ =	strace $0x9000004A  }
0x4f: {  	s0 =	sadd.s32 @!p0 $0x100000, s0;
	[bflag:$0x2] =	sbarrier.arrive $0xFFFF  }
0x50: {  	[sflag:s0] =	ssyncadd.tile.s32 @!p0 $0x1;
	_ =	shalt  }
.Lfunc_end2:
_tile_overlayer_lowered:
.L_overlay_start_2:
0x51: {  	(tag) =	ssettag $0x2  }
0x52: {  	s0 =	rddreg [dreg:$0x0];
	s2 =	stileid.u32  }
0x53: {  	s1 =	rddreg [dreg:$0x1];
	p0 =	sne.s32 s2, $0x0  }
0x54: {  	s3 =	rddreg [dreg:$0x2];
	[bflag:$0x3] =	sbarrier.arrive $0xFFFF;
	s2 =	simm.s32 @!p0 $0x1C05  }
0x55: {  	[timem:s3], [sflag:s2] =	dma.local @!p0 [hbm:s0], s1  }
0x56: {  	s0 =	simm.s32 @!p0 $0x5  }
0x57: {  	_ =	swait.ge @!p0 [sflag:s0], s1  }
0x58: {  	s1 =	ssub.s32 @!p0 $0x0, s1;
	[sflag:s0] =	ssyncset.done @!p0 $0x0  }
0x59: {  	[sflag:s0] =	ssyncadd.s32 @!p0 s1  }
0x5a: {  	[bflag:$0x3] =	sbarrier.arrive $0xFFFF  }
0x5b: {  	_ =	shalt  }

// kernel: sc_scatter_add.7.cloned.1.call-start
scs
__scs_entry_jumppad:
0x0: {  	(pc) =	sbr.rel $0x88, $3  }
0x1: {  	(tag) =	ssettag $0x0;
	lr =	simm.s32 $0x1  }
0x2: {  	[smem:$0x3F7F] =	sst lr;
	_ =	strace $0xD0000000  }
0x3: {  	_ = 	snop  }
0x4: {  	_ = 	snop  }
0x5: {  	_ = 	snop  }
0x6: {  	_ = 	snop  }
0x7: {  	_ = 	snop  }
__scs_overlays_trampoline_lowered:
0x8: {  	[smem:$0x3F8E] =	sst s0  }
0x9: {  	[smem:$0x3F8F] =	sst s1  }
0xa: {  	[smem:$0x3F90] =	sst s2  }
0xb: {  	[smem:$0x3F91] =	sst s3  }
0xc: {  	[smem:$0x3F92] =	sst s4  }
0xd: {  	[smem:$0x3F93] =	sst s5  }
0xe: {  	[smem:$0x3F94] =	sst s6  }
0xf: {  	[smem:$0x3F95] =	sst s7  }
0x10: {  	[smem:$0x3F96] =	sst s8  }
0x11: {  	[smem:$0x3F97] =	sst s9;
	s0 =	simm.s32 @!p0 $0x0  }
0x12: {  	s1 =	sld [smem:$0x3F7D];
	s0 =	simm.s32 @p0 $0x1  }
0x13: {  	[smem:$0x3F98] =	sst s0;
	s0 =	simm.s32 @!p1 $0x0  }
0x14: {  	s2 =	sld [smem:$0x3F7C];
	s0 =	simm.s32 @p1 $0x1  }
0x15: {  	[smem:$0x3F99] =	sst s0;
	s0 =	simm.s32 @!p2 $0x0  }
0x16: {  	s3 =	sld [smem:$0x3FDB];
	s0 =	simm.s32 @p2 $0x1  }
0x17: {  	s4 =	simm.s32 $0x1BF5;
	[smem:$0x3F9B] =	sst s0  }
0x18: {  	s0 =	sld [smem:$0x3F7E];
	_ =	swait.ge [sflag:s4], $0x0  }
0x19: {  	s7 =	sld [smem:$0x3F7F]  }
0x1a: {  	s8 =	sadd.s32 $0xFFFFE003, lr  }
0x1b: {  	s9 =	sadd.s32 $0xFFFFFEF7, lr;
	s5 =	simm.s32 $0xFFFFFFFF;
	p2 =	slt.u32 s8, $0xFFFFF086  }
0x1c: {  	p1 =	slt.u32 s9, $0xF7A;
	s5 =	simm.s32 @!p2 $0x0  }
0x1d: {  	s5 =	simm.s32 @p1 $0x1;
	p0 =	seq.s32 s7, s2  }
0x1e: {  	s7 =	smul.u32 @!p0 $0xF7A, s2;
	p2 =	seq.s32 @!p0 s5, $0x0  }
0x1f: {  	s9 =	smul.u32 $0xF7A, s1;
	s8 =	simm.s32 @!p0 $0x1BF5;
	p2 =	por !p2, p0  }
0x20: {  	[sflag:s8] =	ssyncset.s32 @!p0 $0xFFFFF086;
	s6 =	sadd.s32 @!p0 s3, s7;
	s7 =	simm.s32 @!p0 $0x108  }
0x21: {  	s3 =	sadd.s32 s3, s9;
	s6 =	sadd.s32 @!p0 $0x88, s6;
	s7 =	simm.s32 @p2 $0x1082  }
0x22: {  	[simem:s7], [sflag:s8] =	dma.local @!p0 [hbm:s6], $0xF7A  }
0x23: {  	s9 =	sor.u32 $0xD0000000, s2;
	s6 =	simm.s32 $0x108;
	_ =	swait.ge @!p0 [sflag:s8], $0x0  }
0x24: {  	s3 =	sadd.s32 $0x88, s3;
	s6 =	simm.s32 @!p1 $0x1082;
	[sflag:s4] =	ssyncset.s32 $0xFFFFF086  }
0x25: {  	[simem:s6], [sflag:s4] =	dma.local [hbm:s3], $0xF7A  }
0x26: {  	[smem:$0x3F7F] =	sst s1;
	(tag) =	ssettag s2;
	_ =	strace s9  }
0x27: {  	s1 =	sld [smem:$0x3F8F]  }
0x28: {  	s2 =	sld [smem:$0x3F90]  }
0x29: {  	s4 =	sld [smem:$0x3F92]  }
0x2a: {  	p0 =	seq.s32 s5, $0x0;
	s5 =	sld [smem:$0x3F93]  }
0x2b: {  	s6 =	sld [smem:$0x3F94]  }
0x2c: {  	s7 =	sld [smem:$0x3F95]  }
0x2d: {  	s3 =	simm.s32 $0x108;
	s8 =	sld [smem:$0x3F96]  }
0x2e: {  	s3 =	simm.s32 @!p0 $0x1082;
	s9 =	sld [smem:$0x3F97]  }
0x2f: {  	lr =	sadd.s32 s0, s3;
	s0 =	sld [smem:$0x3F8E]  }
0x30: {  	s3 =	sld [smem:$0x3F91]  }
0x31: {  	[smem:$0x3F9A] =	sst s10  }
0x32: {  	s10 =	sld [smem:$0x3F98];
	_ =	sdelay $0x3  }
0x33: {  	p0 =	seq.s32 s10, $0x1;
	s10 =	sld [smem:$0x3F9A];
	_ =	sdelay $0x3  }
0x34: {  	[smem:$0x3F9A] =	sst s10  }
0x35: {  	s10 =	sld [smem:$0x3F99];
	_ =	sdelay $0x3  }
0x36: {  	p1 =	seq.s32 s10, $0x1;
	s10 =	sld [smem:$0x3F9A];
	_ =	sdelay $0x3  }
0x37: {  	[smem:$0x3F9A] =	sst s10  }
0x38: {  	s10 =	sld [smem:$0x3F9B]  }
0x39: {  	_ = 	snop;
	(pc) =	sbr.ind lr, $3  }
0x3a: {  	_ = 	snop  }
0x3b: {  	_ = 	snop  }
0x3c: {  	p2 =	seq.s32 s10, $0x1;
	s10 =	sld [smem:$0x3F9A]  }
0x3d: {  	_ =	shalt  }
0x3e: {  	_ =	shalt  }
0x3f: {  	_ =	shalt  }
0x40: {  	_ =	shalt  }
0x41: {  	_ =	shalt  }
0x42: {  	_ =	shalt  }
0x43: {  	_ =	shalt  }
0x44: {  	_ =	shalt  }
0x45: {  	_ =	shalt  }
0x46: {  	_ =	shalt  }
0x47: {  	_ =	shalt  }
0x48: {  	_ =	shalt  }
0x49: {  	_ =	shalt  }
0x4a: {  	_ =	shalt  }
0x4b: {  	_ =	shalt  }
0x4c: {  	_ =	shalt  }
0x4d: {  	_ =	shalt  }
0x4e: {  	_ =	shalt  }
0x4f: {  	_ =	shalt  }
0x50: {  	_ =	shalt  }
0x51: {  	_ =	shalt  }
0x52: {  	_ =	shalt  }
0x53: {  	_ =	shalt  }
0x54: {  	_ =	shalt  }
0x55: {  	_ =	shalt  }
0x56: {  	_ =	shalt  }
0x57: {  	_ =	shalt  }
0x58: {  	_ =	shalt  }
0x59: {  	_ =	shalt  }
0x5a: {  	_ =	shalt  }
0x5b: {  	_ =	shalt  }
0x5c: {  	_ =	shalt  }
0x5d: {  	_ =	shalt  }
0x5e: {  	_ =	shalt  }
0x5f: {  	_ =	shalt  }
0x60: {  	_ =	shalt  }
0x61: {  	_ =	shalt  }
0x62: {  	_ =	shalt  }
0x63: {  	_ =	shalt  }
0x64: {  	_ =	shalt  }
0x65: {  	_ =	shalt  }
0x66: {  	_ =	shalt  }
0x67: {  	_ =	shalt  }
0x68: {  	_ =	shalt  }
0x69: {  	_ =	shalt  }
0x6a: {  	_ =	shalt  }
0x6b: {  	_ =	shalt  }
0x6c: {  	_ =	shalt  }
0x6d: {  	_ =	shalt  }
0x6e: {  	_ =	shalt  }
0x6f: {  	_ =	shalt  }
0x70: {  	_ =	shalt  }
0x71: {  	_ =	shalt  }
0x72: {  	_ =	shalt  }
0x73: {  	_ =	shalt  }
0x74: {  	_ =	shalt  }
0x75: {  	_ =	shalt  }
0x76: {  	_ =	shalt  }
0x77: {  	_ =	shalt  }
0x78: {  	_ =	shalt  }
0x79: {  	_ =	shalt  }
0x7a: {  	_ =	shalt  }
0x7b: {  	_ =	shalt  }
0x7c: {  	_ =	shalt  }
0x7d: {  	_ =	shalt  }
0x7e: {  	_ =	shalt  }
0x7f: {  	_ =	shalt  }
0x80: {  	_ =	shalt  }
0x81: {  	_ =	shalt  }
0x82: {  	_ =	shalt  }
0x83: {  	_ =	shalt  }
0x84: {  	_ =	shalt  }
0x85: {  	_ =	shalt  }
0x86: {  	_ =	shalt  }
0x87: {  	_ =	shalt  }
.Lfunc_end0:
.L_simem_size_0:
called_computation.3_lowered:
.L_overlay_start_0:
0x88: {  	s2 =	sld [smem:$0x3FD9]  }
0x89: {  	s3 =	sld [smem:$0x3FFE];
	_ =	sdelay $0x1  }
0x8a: {  	s1 =	srdreg.scid  }
0x8b: {  	s0 =	sand.u32 $0x1, s1  }
0x8c: {  	s17 =	sshll.u32 s0, $0xA;
	s2 =	sadd.s32 s3, s2  }
0x8d: {  	s2 =	sadd.s32 s2, s17  }
0x8e: {  	[smem:$0x3FA6] =	sst s2  }
0x8f: {  	_ = 	snop  }
0x90: {  	s2 =	sld [smem:$0x3FD0];
	(tm) =	ssettm $0x1  }
0x91: {  	s18 =	sld [smem:$0x3FFB];
	_ =	sdelay $0x3  }
0x92: {  	_ =	strace s18  }
0x93: {  	s3 =	sld [smem:$0x3FFC];
	_ =	sdelay $0x3  }
0x94: {  	_ =	strace s3  }
0x95: {  	s3 =	sld [smem:$0x3FFD];
	_ =	sdelay $0x3  }
0x96: {  	_ =	strace s3  }
0x97: {  	_ =	strace $0x8FFFFFFF  }
0x98: {  	s19 =	sld [smem:$0x3FDB];
	_ =	sdelay $0x1  }
0x99: {  	s4 =	simm.s32 $_scs_section_size  }
0x9a: {  	s5 =	simm.s32 $_size__tile_overlayer_lowered;
	s6 =	simm.s32 $_tile_overlayer_lowered  }
0x9b: {  	s22 =	simm.s32 $0x1BFF;
	s21 =	sshll.u32 s6, $0x1;
	s3 =	sadd.s32 s4, s19  }
0x9c: {  	s7 =	simm.s32 $0x0;
	s20 =	sshll.u32 s5, $0x1;
	s5 =	sadd.s32 s21, s3  }
0x9d: {  	[timem:s7], [sflag:s22] =	dma.local [hbm:s5], s20  }
0x9e: {  	_ =	swait.ge [sflag:s22], s20  }
0x9f: {  	s4 =	ssub.s32 $0x0, s20;
	[sflag:s22] =	ssyncset.done $0x0  }
0xa0: {  	[sflag:s22] =	ssyncadd.s32 s4;
	_ =	sdelay $0x1  }
0xa1: {  	s23 =	simm.s32 $0x1B8B  }
0xa2: {  	_ =	swait.ge [sflag:s23], $0x1  }
0xa3: {  	[sflag:s23] =	ssyncset.done $0x0  }
0xa4: {  	s25 =	simm.s32 $0x1B8E;
	s24 =	sld [smem:$0x3FFE];
	[sflag:s23] =	ssyncadd.s32 $0xFFFFFFFF  }
0xa5: {  	s26 =	simm.s32 $execute0_lowered;
	[smem:$0x3FD2] =	sst s25  }
0xa6: {  	s5 =	sshll.u32 s26, $0x1;
	_ =	strace $0x8000004F;
	[dreg:$0x1] =	wrdreg $0xFFFFFFFF  }
0xa7: {  	s28 =	simm.s32 $_size_execute0_lowered;
	s3 =	sadd.s32 s3, s5;
	[dreg:$0x0] =	wrdreg $0x0  }
0xa8: {  	s5 =	sshll.u32 s28, $0x1;
	[dreg:$0x2] =	wrdreg s3  }
0xa9: {  	[dreg:$0x3] =	wrdreg s5  }
0xaa: {  	[dreg:$0x4] =	wrdreg $0xC0  }
0xab: {  	_ =	task [dreg:s7], $0x5FFFF  }
0xac: {  	[dreg:$0x1] =	wrdreg $0xFFFFFFFF  }
0xad: {  	[dreg:$0x0] =	wrdreg $0x60  }
0xae: {  	[dreg:$0x2] =	wrdreg s24  }
0xaf: {  	[dreg:$0x3] =	wrdreg s2  }
0xb0: {  	[dreg:$0x4] =	wrdreg $0x90000  }
0xb1: {  	[dreg:$0x5] =	wrdreg $0x9  }
0xb2: {  	_ =	task.clear_ibuf [dreg:s7], $0x6FFFF;
	_ =	strace $0x9000004F  }
0xb3: {  	s29 =	simm.s32 $0x9;
	_ =	strace $0x80000051  }
0xb4: {  	_ =	swait.ge [sflag:s29], $0x1  }
0xb5: {  	[sflag:s29] =	ssyncadd.s32 $0xFFFFFFFF  }
0xb6: {  	_ =	strace $0x90000051  }
0xb7: {  	_ =	sfence  }
0xb8: {  	s30 =	sld [smem:$0x0];
	_ =	sdelay $0x2  }
0xb9: {  	s31 =	sshll.u32 s1, $0xD;
	s1 =	sshrl.u32 s1, $0x2  }
0xba: {  	s3 =	sand.u32 $0x4000, s31;
	s1 =	sadd.s32 s1, s30  }
0xbb: {  	s0 =	sor.u32 s3, s0;
	s1 =	sshll.u32 s1, $0x11  }
0xbc: {  	s0 =	sor.u32 s1, s0  }
0xbd: {  	s0 =	sadd.s32 $0x8F2B, s0  }
0xbe: {  	[sflag:s0] =	ssyncadd.remote.s32 $0x1  }
0xbf: {  	_ =	sfence.sel $0xFFFF  }
0xc0: {  	[dreg:$0x0] =	wrdreg $0xFFFFFFFF;
	(pc) =	sbr.abs _section_cstart, $3  }
0xc1: {  	[dreg:$0x1] =	wrdreg $0xFFFFFFFF  }
0xc2: {  	_ =	task.clear_ibuf [dreg:s7], $0x2FFFF;
	_ =	strace $0x9FFFFFFF  }
0xc3: {  	(tm) =	ssettm $0x7FFFFFFF  }
tec
execute0_lowered:
.L_overlay_start_1:
0x0: {  	(tag) =	ssettag $0x1  }
0x1: {  	s3 =	rddreg [dreg:$0x0]  }
0x2: {  	s7 =	rddreg [dreg:$0x1]  }
0x3: {  	s1 =	rddreg [dreg:$0x2]  }
0x4: {  	s0 =	rddreg [dreg:$0x3];
	s2 =	simm.s32 $0x0;
	s4 =	srdreg.scid  }
0x5: {  	s11 =	stileid.u32;
	s17 =	simm.s32 $0x4;
	s18 =	simm.s32 $0x3  }
0x6: {  	s19 =	simm.s32 $0x0;
	[smem:$0x7FF] =	sst s2;
	s4 =	sand.u32 $0x1, s4  }
0x7: {  	s5 =	sshll.u32 s11, $0x1;
	s8 =	sadd.s32 $0xC74C00, s3;
	s12 =	smul.u32 $0x4E000, s11  }
0x8: {  	s14 =	smul.u32 $0x4E200, s11;
	s16 =	sadd.s32 $0x138000, s1;
	p0 =	sne.s32 s11, $0x0  }
0x9: {  	s31 =	sshll.u32 s11, $0x6;
	_ =	strace $0x80000050;
	s5 =	sor.u32 s4, s5  }
0xa: {  	s10 =	smul.u32 $0x27100, s4;
	s4 =	ssub.s32 $0x2, s4;
	s6 =	sshll.u32 s5, $0xB  }
0xb: {  	s5 =	smul.u32 $0x27100, s5;
	s9 =	sshrl.u32 s4, $0x1;
	s12 =	sshrl.u32 s12, $0x2  }
0xc: {  	s30 =	sadd.s32 s14, s8;
	s6 =	sadd.s32 s6, s3;
	s13 =	sadd.s32 s10, s3  }
0xd: {  	s9 =	ssub.s32 s4, s9;
	s3 =	smul.u32 $0x2700, s11;
	s15 =	sadd.s32 s12, s1  }
.Ltmp0:
0xe: {  	s10 =	sadd.s32 s10, s30;
	s11 =	simm.s32 $0x4000;
	(pc) =	sbr.rel .LBB2_1-.Ltmp0, $4  }
0xf: {  	s12 =	simm.s32 $0x5;
	s4 =	sadd.s32 s8, s5;
	s5 =	sadd.s32 $0x511C00, s6  }
0x10: {  	s8 =	sadd.s32 $0x56E00, s13;
	s9 =	smax.u32 s9, $0x1;
	s10 =	sadd.s32 $0x500, s10  }
0x11: {  	s13 =	sor.u32 $0x1C05, s31;
	s14 =	sshrl.u32 s15, $0x3;
	s15 =	sshrl.u32 @!p0 s16, $0x3  }
0x12: {  	s16 =	simm.s32 $0x50;
	s6 =	sadd.s32 s7, s3;
	s7 =	sadd.s32 $0x27000, s7  }
.LBB2_7:
0x13: {  	_ =	swait.ge [sflag:s17], $0x2800  }
0x14: {  	[sflag:s17] =	ssyncset.done $0x0  }
0x15: {  	[sflag:s17] =	ssyncadd.s32 $0xFFFFD800  }
0x16: {  	_ =	swait.ge [sflag:s18], $0x2800  }
0x17: {  	[sflag:s18] =	ssyncset.done $0x0  }
0x18: {  	[sflag:s18] =	ssyncadd.s32 $0xFFFFD800  }
0x19: {  	s20 =	sadd.s32 s3, s8;
	[bflag:$0x0] =	sbarrier.arrive $0xFFFF  }
0x1a: {  	[hbm:s20], [sflag:s13] =	dma.local [spmem:s14], $0x2700  }
0x1b: {  	_ =	swait.ge [sflag:s12], $0x2700  }
0x1c: {  	s19 =	sadd.s32 $0x1, s19;
	[sflag:s12] =	ssyncset.done $0x0  }
0x1d: {  	p1 =	sne.s32 s19, s9;
	s20 =	sadd.s32 @!p0 $0x27000, s8;
	[sflag:s12] =	ssyncadd.s32 $0xFFFFD900  }
0x1e: {  	[hbm:s20], [sflag:s13] =	dma.local @!p0 [spmem:s15], $0x100  }
.Ltmp1:
0x1f: {  	_ = 	snop;
	(pc) =	sbr.rel @!p1 .LBB2_8-.Ltmp1, $4  }
0x20: {  	s20 =	simm.s32 @!p0 $0x5  }
0x21: {  	_ =	swait.ge @!p0 [sflag:s20], $0x100  }
0x22: {  	[sflag:s20] =	ssyncset.done @!p0 $0x0  }
0x23: {  	[sflag:s20] =	ssyncadd.s32 @!p0 $0xFFFFFF00  }
.LBB2_1:
0x24: {  	[tilespmem:s11], [sflag:$0x1] =	stream.linear.gather [hbm4b:s4+s2], $0x2800, $0x38;
	[tilespmem:$0x1C880] =	vst v63  }
0x25: {  	_ = 	snop  }
0x26: {  	[tilespmem:s2], [sflag:$0x5] =	stream.linear.gather [hbm4b:s5+s2], $0x3E80, $0x38;
	[tilespmem:$0x1C880] =	vst v63  }
0x27: {  	_ =	swait.ge [sflag:s12], $0x3E80  }
0x28: {  	[sflag:s12] =	ssyncset.done $0x0  }
0x29: {  	[sflag:s12] =	ssyncadd.s32 $0xFFFFC180  }
0x2a: {  	[spmem:s14], [sflag:s13] =	dma.local [hbm:s6], $0x2700  }
0x2b: {  	_ =	swait.ge [sflag:s12], $0x2700  }
0x2c: {  	[sflag:s12] =	ssyncset.done $0x0  }
0x2d: {  	s20 =	simm.s32 @!p0 $0x5;
	[sflag:s12] =	ssyncadd.s32 $0xFFFFD900  }
0x2e: {  	[spmem:s15], [sflag:s13] =	dma.local @!p0 [hbm:s7], $0x100  }
.Ltmp2:
0x2f: {  	_ =	swait.ge @!p0 [sflag:s20], $0x100;
	(pc) =	sbr.rel .LBB2_2-.Ltmp2, $4  }
0x30: {  	[sflag:s20] =	ssyncset.done @!p0 $0x0  }
0x31: {  	[sflag:s20] =	ssyncadd.s32 @!p0 $0xFFFFFF00  }
0x32: {  	[bflag:$0x0] =	sbarrier.arrive $0xFFFF  }
0x33: {  	s21 =	simm.s32 $0x0;
	s22 =	simm.s32 $0x0;
	s20 =	smov.u32 s10  }
.LBB2_5:
0x34: {  	s25 =	smul.u32 $0xA000, s24;
	_ =	sdelay $0x1  }
0x35: {  	s25 =	sshrl.u32 s25, $0x2  }
0x36: {  	s31 =	sadd.s32 $0x1, s24;
	s25 =	sor.u32 $0x4000, s25  }
0x37: {  	[tilespmem:s25], [sflag:s31] =	stream.linear.gather [hbm4b:s20+s2], $0x2800, $0x38;
	[tilespmem:$0x1C880] =	vst v63  }
.LBB2_6:
0x38: {  	s22 =	sadd.s32 $0x1, s22  }
0x39: {  	s24 =	sadd.s32 $0x1, s23;
	s25 =	smul.u32 $0xA000, s23;
	p1 =	sne.s32 s22, $0x7D  }
.Ltmp3:
0x3a: {  	_ =	swait.ge [sflag:s24], $0x2800;
	(pc) =	sbr.rel @!p1 .LBB2_7-.Ltmp3, $4  }
0x3b: {  	s25 =	sshrl.u32 s25, $0x2;
	[sflag:s24] =	ssyncset.done $0x0  }
0x3c: {  	s31 =	sadd.s32 $0x3, s23;
	s25 =	sor.u32 $0x4000, s25;
	[sflag:s24] =	ssyncadd.s32 $0xFFFFD800  }
0x3d: {  	[spmem:s1] =	stream.indirect.scatter.add.f32 [tilespmem:s25], [sflag:s31], $0x80, s21, s16, $0xb8;
	[tilespmem:$0x1C880] =	vst v63  }
0x3e: {  	s20 =	sadd.s32 $0x500, s20;
	s21 =	sadd.s32 $0x80, s21  }
.LBB2_2:
0x3f: {  	p1 =	seq.s32 s22, $0x0  }
.Ltmp4:
0x40: {  	_ = 	snop;
	(pc) =	sbr.rel @p1 .LBB2_5-.Ltmp4, $3  }
0x41: {  	_ =	sdelay $0x1  }
0x42: {  	s23 =	sand.u32 $0x1, s22  }
0x43: {  	s24 =	sxor.u32 $0x1, s23  }
0x44: {  	p1 =	seq.s32 s22, $0x7C  }
.Ltmp5:
0x45: {  	_ = 	snop;
	(pc) =	sbr.rel @p1 .LBB2_6-.Ltmp5, $1  }
0x46: {  	_ =	sdelay $0x3  }
.Ltmp6:
0x47: {  	(pc) =	sbr.rel .LBB2_5-.Ltmp6, $4  }
0x48: {  	s25 =	sadd.s32 $0x3, s24  }
0x49: {  	_ =	swait.ge [sflag:s25], $0x2800  }
0x4a: {  	[sflag:s25] =	ssyncset.done $0x0  }
0x4b: {  	[sflag:s25] =	ssyncadd.s32 $0xFFFFD800  }
.LBB2_8:
0x4c: {  	_ =	sfence.sel $0x180000  }
0x4d: {  	[bflag:$0x0] =	sbarrier.arrive $0xFFFF  }
0x4e: {  	_ =	strace $0x90000050  }
0x4f: {  	s0 =	sadd.s32 @!p0 $0x100000, s0;
	[bflag:$0x2] =	sbarrier.arrive $0xFFFF  }
0x50: {  	[sflag:s0] =	ssyncadd.tile.s32 @!p0 $0x1;
	_ =	shalt  }
.Lfunc_end2:
_tile_overlayer_lowered:
.L_overlay_start_2:
0x51: {  	(tag) =	ssettag $0x2  }
0x52: {  	s0 =	rddreg [dreg:$0x0];
	s2 =	stileid.u32  }
0x53: {  	s1 =	rddreg [dreg:$0x1];
	p0 =	sne.s32 s2, $0x0  }
0x54: {  	s3 =	rddreg [dreg:$0x2];
	[bflag:$0x3] =	sbarrier.arrive $0xFFFF;
	s2 =	simm.s32 @!p0 $0x1C05  }
0x55: {  	[timem:s3], [sflag:s2] =	dma.local @!p0 [hbm:s0], s1  }
0x56: {  	s0 =	simm.s32 @!p0 $0x5  }
0x57: {  	_ =	swait.ge @!p0 [sflag:s0], s1  }
0x58: {  	s1 =	ssub.s32 @!p0 $0x0, s1;
	[sflag:s0] =	ssyncset.done @!p0 $0x0  }
0x59: {  	[sflag:s0] =	ssyncadd.s32 @!p0 s1  }
0x5a: {  	[bflag:$0x3] =	sbarrier.arrive $0xFFFF  }
0x5b: {  	_ =	shalt  }

</sc_bundles>
